<compile_context>
chip_gen: v7x
topology: tpu7x:2x2x1
jax: 0.10.2.dev20260603
libtpu: 0.0.44.dev20260713+nightly
codegen_flags: <defaults>
</compile_context>

<pallas_src>
import functools

import jax
import jax.numpy as jnp
from jax import lax
from jax.experimental import pallas as pl
from jax.experimental.pallas import tpu as pltpu
from jax.experimental.pallas import tpu_sc as plsc

N = 10000
E = 320000
D = 128

NC = 2
NS = 16
CHUNK = 128
KSUM = 158
K0 = 112
K1 = KSUM - K0
EP = NS * KSUM * CHUNK

NP = 10240
BN = 2048
ROWS_PER_TILE = NP // NS


def _sc_agg_body(xr_hbm, ew_hbm, out_hbm,
                 idx_v, buf_v, agg_sh, sem_i0, sem_i1, sem_g0, sem_g1):
    cid = lax.axis_index("c")
    sid = lax.axis_index("s")
    sem_i = (sem_i0, sem_i1)
    sem_g = (sem_g0, sem_g1)
    kcnt = jnp.where(cid == 0, K0, K1)
    base = jnp.where(cid == 0, sid * K0, NS * K0 + sid * K1)

    pltpu.async_copy(ew_hbm.at[base], idx_v.at[0], sem_i[0])
    pltpu.async_copy(ew_hbm.at[base + 1], idx_v.at[1], sem_i[1])

    zv = jnp.zeros((16,), jnp.float32)

    @pl.loop(0, CHUNK)
    def _(r):
        for c in range(D // 16):
            buf_v[0, r, pl.ds(c * 16, 16)] = zv

    r0 = sid * ROWS_PER_TILE
    for k in range(ROWS_PER_TILE // CHUNK):
        pltpu.sync_copy(buf_v.at[0],
                        agg_sh.at[pl.ds(r0 + k * CHUNK, CHUNK)])

    pltpu.make_async_copy(ew_hbm.at[base], idx_v.at[0], sem_i[0]).wait()
    pltpu.async_copy(xr_hbm.at[idx_v.at[0, 0]], buf_v.at[0], sem_g[0])
    plsc.subcore_barrier()


    @pl.loop(0, KSUM, step=2)
    def _(j0):
        for b in range(2):
            j = j0 + b
            nb = 1 - b

            @pl.when(j < kcnt)
            def _():
                @pl.when(j + 1 < kcnt)
                def _():
                    pltpu.make_async_copy(ew_hbm.at[base], idx_v.at[nb],
                                          sem_i[nb]).wait()
                    pltpu.async_copy(xr_hbm.at[idx_v.at[nb, 0]], buf_v.at[nb],
                                     sem_g[nb])

                pltpu.make_async_copy(xr_hbm.at[idx_v.at[b, 0]], buf_v.at[b],
                                      sem_g[b]).wait()
                pltpu.sync_copy(buf_v.at[b], agg_sh.at[idx_v.at[b, 1]],
                                add=True)

                @pl.when(j + 2 < kcnt)
                def _():
                    pltpu.async_copy(ew_hbm.at[base + j + 2], idx_v.at[b],
                                     sem_i[b])

    plsc.subcore_barrier()
    pltpu.sync_copy(agg_sh.at[pl.ds(r0, ROWS_PER_TILE)],
                    out_hbm.at[cid, pl.ds(r0, ROWS_PER_TILE)])


_sc_agg = pl.kernel(
    _sc_agg_body,
    out_type=jax.ShapeDtypeStruct((NC, NP, D), jnp.float32),
    mesh=plsc.VectorSubcoreMesh(core_axis_name="c", subcore_axis_name="s"),
    scratch_types=[
        pltpu.VMEM((2, 2, CHUNK), jnp.int32),
        pltpu.VMEM((2, CHUNK, D), jnp.float32),
        pltpu.VMEM_SHARED((NP, D), jnp.float32),
        pltpu.SemaphoreType.DMA,
        pltpu.SemaphoreType.DMA,
        pltpu.SemaphoreType.DMA,
        pltpu.SemaphoreType.DMA,
    ],
)


_PREC = jax.lax.Precision.HIGHEST


def _tc_first_body(x_ref, w_ref, o_ref):
    o_ref[...] = jnp.dot(x_ref[...], w_ref[...],
                         preferred_element_type=jnp.float32, precision=_PREC)


def _tc_mid_body(parts_ref, h_ref, wroot_ref, b_ref, wrel_ref,
                 hout_ref, xrout_ref, *, relu):
    acc = parts_ref[0] + parts_ref[1] + b_ref[...]
    acc += jnp.dot(h_ref[...], wroot_ref[...],
                   preferred_element_type=jnp.float32, precision=_PREC)
    if relu:
        acc = jnp.maximum(acc, 0.0)
    hout_ref[...] = acc
    xrout_ref[...] = jnp.dot(acc, wrel_ref[...],
                             preferred_element_type=jnp.float32,
                             precision=_PREC)


def _tc_last_body(parts_ref, h_ref, wroot_ref, b_ref, o_ref):
    acc = parts_ref[0] + parts_ref[1] + b_ref[...]
    acc += jnp.dot(h_ref[...], wroot_ref[...],
                   preferred_element_type=jnp.float32, precision=_PREC)
    o_ref[...] = acc


_row_spec = pl.BlockSpec((BN, D), lambda i: (i, 0))
_parts_spec = pl.BlockSpec((NC, BN, D), lambda i: (0, i, 0))
_w_spec = pl.BlockSpec((D, D), lambda i: (0, 0))
_b_spec = pl.BlockSpec((1, D), lambda i: (0, 0))
_GRID = (NP // BN,)

_tc_first = pl.pallas_call(
    _tc_first_body,
    grid=_GRID,
    in_specs=[_row_spec, _w_spec],
    out_specs=_row_spec,
    out_shape=jax.ShapeDtypeStruct((NP, D), jnp.float32),
)

_tc_mid_relu = pl.pallas_call(
    functools.partial(_tc_mid_body, relu=True),
    grid=_GRID,
    in_specs=[_parts_spec, _row_spec, _w_spec, _b_spec, _w_spec],
    out_specs=[_row_spec, _row_spec],
    out_shape=[jax.ShapeDtypeStruct((NP, D), jnp.float32),
               jax.ShapeDtypeStruct((NP, D), jnp.float32)],
)

_BL = 2000
_tc_last = pl.pallas_call(
    _tc_last_body,
    grid=(N // _BL,),
    in_specs=[pl.BlockSpec((NC, _BL, D), lambda i: (0, i, 0)),
              pl.BlockSpec((_BL, D), lambda i: (i, 0)),
              _w_spec, _b_spec],
    out_specs=pl.BlockSpec((_BL, D), lambda i: (i, 0)),
    out_shape=jax.ShapeDtypeStruct((N, D), jnp.float32),
)


def kernel(x, edge_index, W1_rel, W1_root, b1, W2_rel, W2_root, b2,
           W3_rel, W3_root, b3):
    pad = EP - E
    srcw = jnp.concatenate([edge_index[0], jnp.zeros((pad,), jnp.int32)])
    srcw = srcw.reshape(NS * KSUM, CHUNK)
    dstw = jnp.concatenate([edge_index[1], jnp.full((pad,), N, jnp.int32)])
    dstw = dstw.reshape(NS * KSUM, CHUNK)
    ew = jnp.stack([srcw, dstw], axis=1)
    xp = jnp.pad(x, ((0, NP - N), (0, 0)))
    b1r = b1.reshape(1, D)
    b2r = b2.reshape(1, D)
    b3r = b3.reshape(1, D)

    xr = _tc_first(xp, W1_rel)
    parts = _sc_agg(xr, ew)
    h, xr = _tc_mid_relu(parts, xp, W1_root, b1r, W2_rel)
    parts = _sc_agg(xr, ew)
    h, xr = _tc_mid_relu(parts, h, W2_root, b2r, W3_rel)
    parts = _sc_agg(xr, ew)
    return _tc_last(parts, h, W3_root, b3r)

# --- scband reference (transcript-rebuilt; emitter-appended) ---
"""Pipeline reference for scband-lfgnn-14894946583442 (READ-ONLY COPY).

The authoritative reference and input builder live on the scoring server;
editing this copy changes nothing except your own understanding.
"""

import jax, jax.numpy as jnp
import numpy as np

N = 10000
E = 320000
DIN = 128
DH = 128
DOUT = 128


def setup_inputs(seed: int = 0) -> dict:
    key = jax.random.key(seed)
    ks = jax.random.split(key, 12)
    x = jax.random.normal(ks[0], (N, DIN), dtype=jnp.float32)
    edge_index = jax.random.randint(ks[1], (2, E), 0, N, dtype=jnp.int32)
    s1 = 1.0 / np.sqrt(DIN)
    s2 = 1.0 / np.sqrt(DH)
    W1_rel = jax.random.uniform(ks[2], (DIN, DH), jnp.float32, -s1, s1)
    W1_root = jax.random.uniform(ks[3], (DIN, DH), jnp.float32, -s1, s1)
    b1 = jax.random.uniform(ks[4], (DH,), jnp.float32, -s1, s1)
    W2_rel = jax.random.uniform(ks[5], (DH, DH), jnp.float32, -s2, s2)
    W2_root = jax.random.uniform(ks[6], (DH, DH), jnp.float32, -s2, s2)
    b2 = jax.random.uniform(ks[7], (DH,), jnp.float32, -s2, s2)
    W3_rel = jax.random.uniform(ks[8], (DH, DOUT), jnp.float32, -s2, s2)
    W3_root = jax.random.uniform(ks[9], (DH, DOUT), jnp.float32, -s2, s2)
    b3 = jax.random.uniform(ks[10], (DOUT,), jnp.float32, -s2, s2)
    return {"x": x, "edge_index": edge_index,
            "W1_rel": W1_rel, "W1_root": W1_root, "b1": b1,
            "W2_rel": W2_rel, "W2_root": W2_root, "b2": b2,
            "W3_rel": W3_rel, "W3_root": W3_root, "b3": b3}


def _graph_conv(x, edge_index, W_rel, W_root, b):
    # GraphConv (PyG-style): out = aggr_sum(x_src -> dst) @ W_rel + x @ W_root + b
    src = edge_index[0]
    dst = edge_index[1]
    msg = jnp.take(x, src, axis=0)                      # gather (SparseCore)
    agg = jax.ops.segment_sum(msg, dst, num_segments=N)  # scatter-add (SparseCore)
    return agg @ W_rel + x @ W_root + b


def reference(x, edge_index, W1_rel, W1_root, b1, W2_rel, W2_root, b2, W3_rel, W3_root, b3):
    h = jax.nn.relu(_graph_conv(x, edge_index, W1_rel, W1_root, b1))
    h = jax.nn.relu(_graph_conv(h, edge_index, W2_rel, W2_root, b2))
    out = _graph_conv(h, edge_index, W3_rel, W3_root, b3)
    return out

if __name__ == "__main__":
    import jax
    _d = setup_inputs()
    print(jax.jit(kernel)(*tuple(_d.values())))

</pallas_src>

<mosaic_0001>
#map = affine_map<(d0, d1) -> (0, 0)>
#map1 = affine_map<(d0, d1) -> (0, 0, 0)>
module attributes {stable_mosaic.version = 14 : i64} {
  func.func @_sc_agg_body(%arg0: i32, %arg1: i32, %arg2: memref<10240x128xf32, #tpu.memory_space<hbm>>, %arg3: memref<2528x2x128xi32, #tpu.memory_space<hbm>>, %arg4: memref<2x10240x128xf32, #tpu.memory_space<hbm>>, %arg5: memref<2x2x128xi32, #tpu.memory_space<vmem>>, %arg6: memref<2x128x128xf32, #tpu.memory_space<vmem>>, %arg7: memref<10240x128xf32, #tpu.memory_space<vmem_shared>>, %arg8: memref<!tpu.dma_semaphore, #tpu.memory_space<semaphore_mem>>, %arg9: memref<!tpu.dma_semaphore, #tpu.memory_space<semaphore_mem>>, %arg10: memref<!tpu.dma_semaphore, #tpu.memory_space<semaphore_mem>>, %arg11: memref<!tpu.dma_semaphore, #tpu.memory_space<semaphore_mem>>) attributes {dimension_semantics = [#tpu.dimension_semantics<core_parallel>, #tpu.dimension_semantics<subcore_parallel>], iteration_bounds = array<i64: 2, 16>, scalar_prefetch = 0 : i64, scratch_operands = 7 : i64, tpu.core_type = #tpu.core_type<sc_vector_subcore>, window_params = [{transform_indices = #map}, {transform_indices = #map1}, {transform_indices = #map1}]} {
    %eq3A = arith.constant 0 : i32
    %eq3A_0 = arith.cmpi eq, %arg0, %eq3A : i32
    %jit3A = arith.constant 112 : i32
    %jit3A_1 = arith.constant 46 : i32
    %select_n3A = arith.select %eq3A_0, %jit3A, %jit3A_1 : i32
    %eq3A_2 = arith.constant 0 : i32
    %eq3A_3 = arith.cmpi eq, %arg0, %eq3A_2 : i32
    %mul3A = arith.constant 112 : i32
    %mul3A_4 = arith.muli %arg1, %mul3A : i32
    %mul3A_5 = arith.constant 46 : i32
    %mul3A_6 = arith.muli %arg1, %mul3A_5 : i32
    %add3A = arith.constant 1792 : i32
    %add3A_7 = arith.addi %add3A, %mul3A_6 : i32
    %select_n3A_8 = arith.select %eq3A_3, %mul3A_4, %add3A_7 : i32
    %dma_start3A = arith.constant 0 : i32
    %dma_start3A_9 = arith.constant 0 : i32
    %dma_start3A_10 = arith.constant 0 : i32
    %dma_start3A_11 = tpu.memref_slice %arg5[%dma_start3A, %dma_start3A_9, %dma_start3A_10] : memref<2x2x128xi32, #tpu.memory_space<vmem>> -> memref<1x2x128xi32, #tpu.memory_space<vmem>>
    %dma_start3A_12 = tpu.memref_squeeze %dma_start3A_11 : memref<1x2x128xi32, #tpu.memory_space<vmem>> -> memref<2x128xi32, #tpu.memory_space<vmem>>
    %dma_start3A_13 = arith.constant 0 : i32
    %dma_start3A_14 = arith.constant 0 : i32
    %dma_start3A_15 = tpu.memref_slice %arg3[%select_n3A_8, %dma_start3A_13, %dma_start3A_14] : memref<2528x2x128xi32, #tpu.memory_space<hbm>> -> memref<1x2x128xi32, #tpu.memory_space<hbm>>
    %dma_start3A_16 = tpu.memref_squeeze %dma_start3A_15 : memref<1x2x128xi32, #tpu.memory_space<hbm>> -> memref<2x128xi32, #tpu.memory_space<hbm>>
    %dma_start3A_17 = arith.constant 0 : i32
    %dma_start3A_18 = arith.constant 0 : i32
    %dma_start3A_19 = tpu.memref_slice %arg5[%dma_start3A, %dma_start3A_17, %dma_start3A_18] : memref<2x2x128xi32, #tpu.memory_space<vmem>> -> memref<1x2x128xi32, #tpu.memory_space<vmem>>
    %dma_start3A_20 = tpu.memref_squeeze %dma_start3A_19 : memref<1x2x128xi32, #tpu.memory_space<vmem>> -> memref<2x128xi32, #tpu.memory_space<vmem>>
    %dma_start3A_21 = arith.constant 0 : i32
    %dma_start3A_22 = arith.constant 0 : i32
    %dma_start3A_23 = tpu.memref_slice %arg3[%select_n3A_8, %dma_start3A_21, %dma_start3A_22] : memref<2528x2x128xi32, #tpu.memory_space<hbm>> -> memref<1x2x128xi32, #tpu.memory_space<hbm>>
    %dma_start3A_24 = tpu.memref_squeeze %dma_start3A_23 : memref<1x2x128xi32, #tpu.memory_space<hbm>> -> memref<2x128xi32, #tpu.memory_space<hbm>>
    tpu.enqueue_dma source(%dma_start3A_24 : memref<2x128xi32, #tpu.memory_space<hbm>>) target(%dma_start3A_20 : memref<2x128xi32, #tpu.memory_space<vmem>>) target_semaphore(%arg8 : memref<!tpu.dma_semaphore, #tpu.memory_space<semaphore_mem>>)
    %add3A_25 = arith.constant 1 : i32
    %add3A_26 = arith.addi %select_n3A_8, %add3A_25 : i32
    %dma_start3A_27 = arith.constant 1 : i32
    %dma_start3A_28 = arith.constant 0 : i32
    %dma_start3A_29 = arith.constant 0 : i32
    %dma_start3A_30 = tpu.memref_slice %arg5[%dma_start3A_27, %dma_start3A_28, %dma_start3A_29] : memref<2x2x128xi32, #tpu.memory_space<vmem>> -> memref<1x2x128xi32, #tpu.memory_space<vmem>>
    %dma_start3A_31 = tpu.memref_squeeze %dma_start3A_30 : memref<1x2x128xi32, #tpu.memory_space<vmem>> -> memref<2x128xi32, #tpu.memory_space<vmem>>
    %dma_start3A_32 = arith.constant 0 : i32
    %dma_start3A_33 = arith.constant 0 : i32
    %dma_start3A_34 = tpu.memref_slice %arg3[%add3A_26, %dma_start3A_32, %dma_start3A_33] : memref<2528x2x128xi32, #tpu.memory_space<hbm>> -> memref<1x2x128xi32, #tpu.memory_space<hbm>>
    %dma_start3A_35 = tpu.memref_squeeze %dma_start3A_34 : memref<1x2x128xi32, #tpu.memory_space<hbm>> -> memref<2x128xi32, #tpu.memory_space<hbm>>
    %dma_start3A_36 = arith.constant 0 : i32
    %dma_start3A_37 = arith.constant 0 : i32
    %dma_start3A_38 = tpu.memref_slice %arg5[%dma_start3A_27, %dma_start3A_36, %dma_start3A_37] : memref<2x2x128xi32, #tpu.memory_space<vmem>> -> memref<1x2x128xi32, #tpu.memory_space<vmem>>
    %dma_start3A_39 = tpu.memref_squeeze %dma_start3A_38 : memref<1x2x128xi32, #tpu.memory_space<vmem>> -> memref<2x128xi32, #tpu.memory_space<vmem>>
    %dma_start3A_40 = arith.constant 0 : i32
    %dma_start3A_41 = arith.constant 0 : i32
    %dma_start3A_42 = tpu.memref_slice %arg3[%add3A_26, %dma_start3A_40, %dma_start3A_41] : memref<2528x2x128xi32, #tpu.memory_space<hbm>> -> memref<1x2x128xi32, #tpu.memory_space<hbm>>
    %dma_start3A_43 = tpu.memref_squeeze %dma_start3A_42 : memref<1x2x128xi32, #tpu.memory_space<hbm>> -> memref<2x128xi32, #tpu.memory_space<hbm>>
    tpu.enqueue_dma source(%dma_start3A_43 : memref<2x128xi32, #tpu.memory_space<hbm>>) target(%dma_start3A_39 : memref<2x128xi32, #tpu.memory_space<vmem>>) target_semaphore(%arg9 : memref<!tpu.dma_semaphore, #tpu.memory_space<semaphore_mem>>)
    %broadcast_in_dim3A = arith.constant 0.000000e+00 : f32
    %broadcast_in_dim3A_44 = vector.broadcast %broadcast_in_dim3A : f32 to vector<16xf32>
    %scan3A = arith.constant 0 : i32
    %scan3A_45 = arith.constant 128 : i32
    %scan3A_46 = arith.addi %scan3A, %scan3A_45 : i32
    %scan3A_47 = arith.constant 1 : i32
    scf.for %scan3A_100 = %scan3A to %scan3A_46 step %scan3A_47  : i32 {
      %mul3A_101 = arith.constant 1 : i32
      %mul3A_102 = arith.muli %scan3A_100, %mul3A_101 : i32
      %add3A_103 = arith.constant 0 : i32
      %add3A_104 = arith.addi %add3A_103, %mul3A_102 : i32
      %swap3A = arith.constant 0 : i32
      %swap3A_105 = arith.index_cast %swap3A : i32 to index
      %swap3A_106 = arith.index_cast %add3A_104 : i32 to index
      %swap3A_107 = arith.constant 0 : index
      %swap3A_108 = tpu.vector_load %arg6[%swap3A_105, %swap3A_106, %swap3A_107] {strides = array<i32>} : memref<2x128x128xf32, #tpu.memory_space<vmem>>, vector<1x1x16xf32>,
      %swap3A_109 = vector.shape_cast %swap3A_108 : vector<1x1x16xf32> to vector<16xf32>
      %swap3A_110 = vector.shape_cast %broadcast_in_dim3A_44 : vector<16xf32> to vector<1x1x16xf32>
      tpu.vector_store %arg6[%swap3A_105, %swap3A_106, %swap3A_107], %swap3A_110 {strides = array<i32>} : memref<2x128x128xf32, #tpu.memory_space<vmem>>, vector<1x1x16xf32>,
      %swap3A_111 = arith.constant 0 : i32
      %swap3A_112 = arith.index_cast %swap3A_111 : i32 to index
      %swap3A_113 = arith.index_cast %add3A_104 : i32 to index
      %swap3A_114 = arith.constant 16 : index
      %swap3A_115 = tpu.vector_load %arg6[%swap3A_112, %swap3A_113, %swap3A_114] {strides = array<i32>} : memref<2x128x128xf32, #tpu.memory_space<vmem>>, vector<1x1x16xf32>,
      %swap3A_116 = vector.shape_cast %swap3A_115 : vector<1x1x16xf32> to vector<16xf32>
      %swap3A_117 = vector.shape_cast %broadcast_in_dim3A_44 : vector<16xf32> to vector<1x1x16xf32>
      tpu.vector_store %arg6[%swap3A_112, %swap3A_113, %swap3A_114], %swap3A_117 {strides = array<i32>} : memref<2x128x128xf32, #tpu.memory_space<vmem>>, vector<1x1x16xf32>,
      %swap3A_118 = arith.constant 0 : i32
      %swap3A_119 = arith.index_cast %swap3A_118 : i32 to index
      %swap3A_120 = arith.index_cast %add3A_104 : i32 to index
      %swap3A_121 = arith.constant 32 : index
      %swap3A_122 = tpu.vector_load %arg6[%swap3A_119, %swap3A_120, %swap3A_121] {strides = array<i32>} : memref<2x128x128xf32, #tpu.memory_space<vmem>>, vector<1x1x16xf32>,
      %swap3A_123 = vector.shape_cast %swap3A_122 : vector<1x1x16xf32> to vector<16xf32>
      %swap3A_124 = vector.shape_cast %broadcast_in_dim3A_44 : vector<16xf32> to vector<1x1x16xf32>
      tpu.vector_store %arg6[%swap3A_119, %swap3A_120, %swap3A_121], %swap3A_124 {strides = array<i32>} : memref<2x128x128xf32, #tpu.memory_space<vmem>>, vector<1x1x16xf32>,
      %swap3A_125 = arith.constant 0 : i32
      %swap3A_126 = arith.index_cast %swap3A_125 : i32 to index
      %swap3A_127 = arith.index_cast %add3A_104 : i32 to index
      %swap3A_128 = arith.constant 48 : index
      %swap3A_129 = tpu.vector_load %arg6[%swap3A_126, %swap3A_127, %swap3A_128] {strides = array<i32>} : memref<2x128x128xf32, #tpu.memory_space<vmem>>, vector<1x1x16xf32>,
      %swap3A_130 = vector.shape_cast %swap3A_129 : vector<1x1x16xf32> to vector<16xf32>
      %swap3A_131 = vector.shape_cast %broadcast_in_dim3A_44 : vector<16xf32> to vector<1x1x16xf32>
      tpu.vector_store %arg6[%swap3A_126, %swap3A_127, %swap3A_128], %swap3A_131 {strides = array<i32>} : memref<2x128x128xf32, #tpu.memory_space<vmem>>, vector<1x1x16xf32>,
      %swap3A_132 = arith.constant 0 : i32
      %swap3A_133 = arith.index_cast %swap3A_132 : i32 to index
      %swap3A_134 = arith.index_cast %add3A_104 : i32 to index
      %swap3A_135 = arith.constant 64 : index
      %swap3A_136 = tpu.vector_load %arg6[%swap3A_133, %swap3A_134, %swap3A_135] {strides = array<i32>} : memref<2x128x128xf32, #tpu.memory_space<vmem>>, vector<1x1x16xf32>,
      %swap3A_137 = vector.shape_cast %swap3A_136 : vector<1x1x16xf32> to vector<16xf32>
      %swap3A_138 = vector.shape_cast %broadcast_in_dim3A_44 : vector<16xf32> to vector<1x1x16xf32>
      tpu.vector_store %arg6[%swap3A_133, %swap3A_134, %swap3A_135], %swap3A_138 {strides = array<i32>} : memref<2x128x128xf32, #tpu.memory_space<vmem>>, vector<1x1x16xf32>,
      %swap3A_139 = arith.constant 0 : i32
      %swap3A_140 = arith.index_cast %swap3A_139 : i32 to index
      %swap3A_141 = arith.index_cast %add3A_104 : i32 to index
      %swap3A_142 = arith.constant 80 : index
      %swap3A_143 = tpu.vector_load %arg6[%swap3A_140, %swap3A_141, %swap3A_142] {strides = array<i32>} : memref<2x128x128xf32, #tpu.memory_space<vmem>>, vector<1x1x16xf32>,
      %swap3A_144 = vector.shape_cast %swap3A_143 : vector<1x1x16xf32> to vector<16xf32>
      %swap3A_145 = vector.shape_cast %broadcast_in_dim3A_44 : vector<16xf32> to vector<1x1x16xf32>
      tpu.vector_store %arg6[%swap3A_140, %swap3A_141, %swap3A_142], %swap3A_145 {strides = array<i32>} : memref<2x128x128xf32, #tpu.memory_space<vmem>>, vector<1x1x16xf32>,
      %swap3A_146 = arith.constant 0 : i32
      %swap3A_147 = arith.index_cast %swap3A_146 : i32 to index
      %swap3A_148 = arith.index_cast %add3A_104 : i32 to index
      %swap3A_149 = arith.constant 96 : index
      %swap3A_150 = tpu.vector_load %arg6[%swap3A_147, %swap3A_148, %swap3A_149] {strides = array<i32>} : memref<2x128x128xf32, #tpu.memory_space<vmem>>, vector<1x1x16xf32>,
      %swap3A_151 = vector.shape_cast %swap3A_150 : vector<1x1x16xf32> to vector<16xf32>
      %swap3A_152 = vector.shape_cast %broadcast_in_dim3A_44 : vector<16xf32> to vector<1x1x16xf32>
      tpu.vector_store %arg6[%swap3A_147, %swap3A_148, %swap3A_149], %swap3A_152 {strides = array<i32>} : memref<2x128x128xf32, #tpu.memory_space<vmem>>, vector<1x1x16xf32>,
      %swap3A_153 = arith.constant 0 : i32
      %swap3A_154 = arith.index_cast %swap3A_153 : i32 to index
      %swap3A_155 = arith.index_cast %add3A_104 : i32 to index
      %swap3A_156 = arith.constant 112 : index
      %swap3A_157 = tpu.vector_load %arg6[%swap3A_154, %swap3A_155, %swap3A_156] {strides = array<i32>} : memref<2x128x128xf32, #tpu.memory_space<vmem>>, vector<1x1x16xf32>,
      %swap3A_158 = vector.shape_cast %swap3A_157 : vector<1x1x16xf32> to vector<16xf32>
      %swap3A_159 = vector.shape_cast %broadcast_in_dim3A_44 : vector<16xf32> to vector<1x1x16xf32>
      tpu.vector_store %arg6[%swap3A_154, %swap3A_155, %swap3A_156], %swap3A_159 {strides = array<i32>} : memref<2x128x128xf32, #tpu.memory_space<vmem>>, vector<1x1x16xf32>,
    }
    %scan3A_48 = arith.constant 128 : i32
    %mul3A_49 = arith.constant 640 : i32
    %mul3A_50 = arith.muli %arg1, %mul3A_49 : i32
    %add3A_51 = arith.constant 0 : i32
    %add3A_52 = arith.addi %mul3A_50, %add3A_51 : i32
    %run_scoped3A = arith.constant 0 : i32
    "tpu.region"() ({
      %run_scoped3A_100 = tpu.sem_alloc : memref<!tpu.dma_semaphore, #tpu.memory_space<semaphore_mem>>
      %dma_start3A_101 = arith.constant 0 : i32
      %dma_start3A_102 = arith.constant 0 : i32
      %dma_start3A_103 = tpu.memref_slice %arg6[%run_scoped3A, %dma_start3A_101, %dma_start3A_102] : memref<2x128x128xf32, #tpu.memory_space<vmem>> -> memref<1x128x128xf32, #tpu.memory_space<vmem>>
      %dma_start3A_104 = tpu.memref_squeeze %dma_start3A_103 : memref<1x128x128xf32, #tpu.memory_space<vmem>> -> memref<128x128xf32, #tpu.memory_space<vmem>>
      %dma_start3A_105 = arith.constant 0 : i32
      %dma_start3A_106 = tpu.memref_slice %arg7[%add3A_52, %dma_start3A_105] : memref<10240x128xf32, #tpu.memory_space<vmem_shared>> -> memref<128x128xf32, #tpu.memory_space<vmem_shared>>
      %dma_start3A_107 = arith.constant 0 : i32
      %dma_start3A_108 = tpu.memref_slice %arg7[%add3A_52, %dma_start3A_107] : memref<10240x128xf32, #tpu.memory_space<vmem_shared>> -> memref<128x128xf32, #tpu.memory_space<vmem_shared>>
      %dma_start3A_109 = arith.constant 0 : i32
      %dma_start3A_110 = arith.constant 0 : i32
      %dma_start3A_111 = tpu.memref_slice %arg6[%run_scoped3A, %dma_start3A_109, %dma_start3A_110] : memref<2x128x128xf32, #tpu.memory_space<vmem>> -> memref<1x128x128xf32, #tpu.memory_space<vmem>>
      %dma_start3A_112 = tpu.memref_squeeze %dma_start3A_111 : memref<1x128x128xf32, #tpu.memory_space<vmem>> -> memref<128x128xf32, #tpu.memory_space<vmem>>
      tpu.enqueue_dma source(%dma_start3A_112 : memref<128x128xf32, #tpu.memory_space<vmem>>) target(%dma_start3A_108 : memref<128x128xf32, #tpu.memory_space<vmem_shared>>) target_semaphore(%run_scoped3A_100 : memref<!tpu.dma_semaphore, #tpu.memory_space<semaphore_mem>>)
      %dma_wait3A_113 = arith.constant 0 : i32
      %dma_wait3A_114 = arith.constant 0 : i32
      %dma_wait3A_115 = tpu.memref_slice %arg6[%run_scoped3A, %dma_wait3A_113, %dma_wait3A_114] : memref<2x128x128xf32, #tpu.memory_space<vmem>> -> memref<1x128x128xf32, #tpu.memory_space<vmem>>
      %dma_wait3A_116 = tpu.memref_squeeze %dma_wait3A_115 : memref<1x128x128xf32, #tpu.memory_space<vmem>> -> memref<128x128xf32, #tpu.memory_space<vmem>>
      %dma_wait3A_117 = arith.constant 0 : i32
      %dma_wait3A_118 = tpu.memref_slice %arg7[%add3A_52, %dma_wait3A_117] : memref<10240x128xf32, #tpu.memory_space<vmem_shared>> -> memref<128x128xf32, #tpu.memory_space<vmem_shared>>
      %dma_wait3A_119 = arith.constant 0 : i32
      %dma_wait3A_120 = tpu.memref_slice %arg7[%add3A_52, %dma_wait3A_119] : memref<10240x128xf32, #tpu.memory_space<vmem_shared>> -> memref<128x128xf32, #tpu.memory_space<vmem_shared>>
      %dma_wait3A_121 = arith.constant 0 : i32
      %dma_wait3A_122 = arith.constant 0 : i32
      %dma_wait3A_123 = tpu.memref_slice %arg6[%run_scoped3A, %dma_wait3A_121, %dma_wait3A_122] : memref<2x128x128xf32, #tpu.memory_space<vmem>> -> memref<1x128x128xf32, #tpu.memory_space<vmem>>
      %dma_wait3A_124 = tpu.memref_squeeze %dma_wait3A_123 : memref<1x128x128xf32, #tpu.memory_space<vmem>> -> memref<128x128xf32, #tpu.memory_space<vmem>>
      tpu.wait_dma2 semaphore(%run_scoped3A_100 : memref<!tpu.dma_semaphore, #tpu.memory_space<semaphore_mem>>) src(%dma_wait3A_124 : memref<128x128xf32, #tpu.memory_space<vmem>>) dst(%dma_wait3A_120 : memref<128x128xf32, #tpu.memory_space<vmem_shared>>)
      tpu.yield
    }) : () -> ()
    %add3A_53 = arith.constant 128 : i32
    %add3A_54 = arith.addi %mul3A_50, %add3A_53 : i32
    %run_scoped3A_55 = arith.constant 0 : i32
    "tpu.region"() ({
      %run_scoped3A_100 = tpu.sem_alloc : memref<!tpu.dma_semaphore, #tpu.memory_space<semaphore_mem>>
      %dma_start3A_101 = arith.constant 0 : i32
      %dma_start3A_102 = arith.constant 0 : i32
      %dma_start3A_103 = tpu.memref_slice %arg6[%run_scoped3A_55, %dma_start3A_101, %dma_start3A_102] : memref<2x128x128xf32, #tpu.memory_space<vmem>> -> memref<1x128x128xf32, #tpu.memory_space<vmem>>
      %dma_start3A_104 = tpu.memref_squeeze %dma_start3A_103 : memref<1x128x128xf32, #tpu.memory_space<vmem>> -> memref<128x128xf32, #tpu.memory_space<vmem>>
      %dma_start3A_105 = arith.constant 0 : i32
      %dma_start3A_106 = tpu.memref_slice %arg7[%add3A_54, %dma_start3A_105] : memref<10240x128xf32, #tpu.memory_space<vmem_shared>> -> memref<128x128xf32, #tpu.memory_space<vmem_shared>>
      %dma_start3A_107 = arith.constant 0 : i32
      %dma_start3A_108 = tpu.memref_slice %arg7[%add3A_54, %dma_start3A_107] : memref<10240x128xf32, #tpu.memory_space<vmem_shared>> -> memref<128x128xf32, #tpu.memory_space<vmem_shared>>
      %dma_start3A_109 = arith.constant 0 : i32
      %dma_start3A_110 = arith.constant 0 : i32
      %dma_start3A_111 = tpu.memref_slice %arg6[%run_scoped3A_55, %dma_start3A_109, %dma_start3A_110] : memref<2x128x128xf32, #tpu.memory_space<vmem>> -> memref<1x128x128xf32, #tpu.memory_space<vmem>>
      %dma_start3A_112 = tpu.memref_squeeze %dma_start3A_111 : memref<1x128x128xf32, #tpu.memory_space<vmem>> -> memref<128x128xf32, #tpu.memory_space<vmem>>
      tpu.enqueue_dma source(%dma_start3A_112 : memref<128x128xf32, #tpu.memory_space<vmem>>) target(%dma_start3A_108 : memref<128x128xf32, #tpu.memory_space<vmem_shared>>) target_semaphore(%run_scoped3A_100 : memref<!tpu.dma_semaphore, #tpu.memory_space<semaphore_mem>>)
      %dma_wait3A_113 = arith.constant 0 : i32
      %dma_wait3A_114 = arith.constant 0 : i32
      %dma_wait3A_115 = tpu.memref_slice %arg6[%run_scoped3A_55, %dma_wait3A_113, %dma_wait3A_114] : memref<2x128x128xf32, #tpu.memory_space<vmem>> -> memref<1x128x128xf32, #tpu.memory_space<vmem>>
      %dma_wait3A_116 = tpu.memref_squeeze %dma_wait3A_115 : memref<1x128x128xf32, #tpu.memory_space<vmem>> -> memref<128x128xf32, #tpu.memory_space<vmem>>
      %dma_wait3A_117 = arith.constant 0 : i32
      %dma_wait3A_118 = tpu.memref_slice %arg7[%add3A_54, %dma_wait3A_117] : memref<10240x128xf32, #tpu.memory_space<vmem_shared>> -> memref<128x128xf32, #tpu.memory_space<vmem_shared>>
      %dma_wait3A_119 = arith.constant 0 : i32
      %dma_wait3A_120 = tpu.memref_slice %arg7[%add3A_54, %dma_wait3A_119] : memref<10240x128xf32, #tpu.memory_space<vmem_shared>> -> memref<128x128xf32, #tpu.memory_space<vmem_shared>>
      %dma_wait3A_121 = arith.constant 0 : i32
      %dma_wait3A_122 = arith.constant 0 : i32
      %dma_wait3A_123 = tpu.memref_slice %arg6[%run_scoped3A_55, %dma_wait3A_121, %dma_wait3A_122] : memref<2x128x128xf32, #tpu.memory_space<vmem>> -> memref<1x128x128xf32, #tpu.memory_space<vmem>>
      %dma_wait3A_124 = tpu.memref_squeeze %dma_wait3A_123 : memref<1x128x128xf32, #tpu.memory_space<vmem>> -> memref<128x128xf32, #tpu.memory_space<vmem>>
      tpu.wait_dma2 semaphore(%run_scoped3A_100 : memref<!tpu.dma_semaphore, #tpu.memory_space<semaphore_mem>>) src(%dma_wait3A_124 : memref<128x128xf32, #tpu.memory_space<vmem>>) dst(%dma_wait3A_120 : memref<128x128xf32, #tpu.memory_space<vmem_shared>>)
      tpu.yield
    }) : () -> ()
    %add3A_56 = arith.constant 256 : i32
    %add3A_57 = arith.addi %mul3A_50, %add3A_56 : i32
    %run_scoped3A_58 = arith.constant 0 : i32
    "tpu.region"() ({
      %run_scoped3A_100 = tpu.sem_alloc : memref<!tpu.dma_semaphore, #tpu.memory_space<semaphore_mem>>
      %dma_start3A_101 = arith.constant 0 : i32
      %dma_start3A_102 = arith.constant 0 : i32
      %dma_start3A_103 = tpu.memref_slice %arg6[%run_scoped3A_58, %dma_start3A_101, %dma_start3A_102] : memref<2x128x128xf32, #tpu.memory_space<vmem>> -> memref<1x128x128xf32, #tpu.memory_space<vmem>>
      %dma_start3A_104 = tpu.memref_squeeze %dma_start3A_103 : memref<1x128x128xf32, #tpu.memory_space<vmem>> -> memref<128x128xf32, #tpu.memory_space<vmem>>
      %dma_start3A_105 = arith.constant 0 : i32
      %dma_start3A_106 = tpu.memref_slice %arg7[%add3A_57, %dma_start3A_105] : memref<10240x128xf32, #tpu.memory_space<vmem_shared>> -> memref<128x128xf32, #tpu.memory_space<vmem_shared>>
      %dma_start3A_107 = arith.constant 0 : i32
      %dma_start3A_108 = tpu.memref_slice %arg7[%add3A_57, %dma_start3A_107] : memref<10240x128xf32, #tpu.memory_space<vmem_shared>> -> memref<128x128xf32, #tpu.memory_space<vmem_shared>>
      %dma_start3A_109 = arith.constant 0 : i32
      %dma_start3A_110 = arith.constant 0 : i32
      %dma_start3A_111 = tpu.memref_slice %arg6[%run_scoped3A_58, %dma_start3A_109, %dma_start3A_110] : memref<2x128x128xf32, #tpu.memory_space<vmem>> -> memref<1x128x128xf32, #tpu.memory_space<vmem>>
      %dma_start3A_112 = tpu.memref_squeeze %dma_start3A_111 : memref<1x128x128xf32, #tpu.memory_space<vmem>> -> memref<128x128xf32, #tpu.memory_space<vmem>>
      tpu.enqueue_dma source(%dma_start3A_112 : memref<128x128xf32, #tpu.memory_space<vmem>>) target(%dma_start3A_108 : memref<128x128xf32, #tpu.memory_space<vmem_shared>>) target_semaphore(%run_scoped3A_100 : memref<!tpu.dma_semaphore, #tpu.memory_space<semaphore_mem>>)
      %dma_wait3A_113 = arith.constant 0 : i32
      %dma_wait3A_114 = arith.constant 0 : i32
      %dma_wait3A_115 = tpu.memref_slice %arg6[%run_scoped3A_58, %dma_wait3A_113, %dma_wait3A_114] : memref<2x128x128xf32, #tpu.memory_space<vmem>> -> memref<1x128x128xf32, #tpu.memory_space<vmem>>
      %dma_wait3A_116 = tpu.memref_squeeze %dma_wait3A_115 : memref<1x128x128xf32, #tpu.memory_space<vmem>> -> memref<128x128xf32, #tpu.memory_space<vmem>>
      %dma_wait3A_117 = arith.constant 0 : i32
      %dma_wait3A_118 = tpu.memref_slice %arg7[%add3A_57, %dma_wait3A_117] : memref<10240x128xf32, #tpu.memory_space<vmem_shared>> -> memref<128x128xf32, #tpu.memory_space<vmem_shared>>
      %dma_wait3A_119 = arith.constant 0 : i32
      %dma_wait3A_120 = tpu.memref_slice %arg7[%add3A_57, %dma_wait3A_119] : memref<10240x128xf32, #tpu.memory_space<vmem_shared>> -> memref<128x128xf32, #tpu.memory_space<vmem_shared>>
      %dma_wait3A_121 = arith.constant 0 : i32
      %dma_wait3A_122 = arith.constant 0 : i32
      %dma_wait3A_123 = tpu.memref_slice %arg6[%run_scoped3A_58, %dma_wait3A_121, %dma_wait3A_122] : memref<2x128x128xf32, #tpu.memory_space<vmem>> -> memref<1x128x128xf32, #tpu.memory_space<vmem>>
      %dma_wait3A_124 = tpu.memref_squeeze %dma_wait3A_123 : memref<1x128x128xf32, #tpu.memory_space<vmem>> -> memref<128x128xf32, #tpu.memory_space<vmem>>
      tpu.wait_dma2 semaphore(%run_scoped3A_100 : memref<!tpu.dma_semaphore, #tpu.memory_space<semaphore_mem>>) src(%dma_wait3A_124 : memref<128x128xf32, #tpu.memory_space<vmem>>) dst(%dma_wait3A_120 : memref<128x128xf32, #tpu.memory_space<vmem_shared>>)
      tpu.yield
    }) : () -> ()
    %add3A_59 = arith.constant 384 : i32
    %add3A_60 = arith.addi %mul3A_50, %add3A_59 : i32
    %run_scoped3A_61 = arith.constant 0 : i32
    "tpu.region"() ({
      %run_scoped3A_100 = tpu.sem_alloc : memref<!tpu.dma_semaphore, #tpu.memory_space<semaphore_mem>>
      %dma_start3A_101 = arith.constant 0 : i32
      %dma_start3A_102 = arith.constant 0 : i32
      %dma_start3A_103 = tpu.memref_slice %arg6[%run_scoped3A_61, %dma_start3A_101, %dma_start3A_102] : memref<2x128x128xf32, #tpu.memory_space<vmem>> -> memref<1x128x128xf32, #tpu.memory_space<vmem>>
      %dma_start3A_104 = tpu.memref_squeeze %dma_start3A_103 : memref<1x128x128xf32, #tpu.memory_space<vmem>> -> memref<128x128xf32, #tpu.memory_space<vmem>>
      %dma_start3A_105 = arith.constant 0 : i32
      %dma_start3A_106 = tpu.memref_slice %arg7[%add3A_60, %dma_start3A_105] : memref<10240x128xf32, #tpu.memory_space<vmem_shared>> -> memref<128x128xf32, #tpu.memory_space<vmem_shared>>
      %dma_start3A_107 = arith.constant 0 : i32
      %dma_start3A_108 = tpu.memref_slice %arg7[%add3A_60, %dma_start3A_107] : memref<10240x128xf32, #tpu.memory_space<vmem_shared>> -> memref<128x128xf32, #tpu.memory_space<vmem_shared>>
      %dma_start3A_109 = arith.constant 0 : i32
      %dma_start3A_110 = arith.constant 0 : i32
      %dma_start3A_111 = tpu.memref_slice %arg6[%run_scoped3A_61, %dma_start3A_109, %dma_start3A_110] : memref<2x128x128xf32, #tpu.memory_space<vmem>> -> memref<1x128x128xf32, #tpu.memory_space<vmem>>
      %dma_start3A_112 = tpu.memref_squeeze %dma_start3A_111 : memref<1x128x128xf32, #tpu.memory_space<vmem>> -> memref<128x128xf32, #tpu.memory_space<vmem>>
      tpu.enqueue_dma source(%dma_start3A_112 : memref<128x128xf32, #tpu.memory_space<vmem>>) target(%dma_start3A_108 : memref<128x128xf32, #tpu.memory_space<vmem_shared>>) target_semaphore(%run_scoped3A_100 : memref<!tpu.dma_semaphore, #tpu.memory_space<semaphore_mem>>)
      %dma_wait3A_113 = arith.constant 0 : i32
      %dma_wait3A_114 = arith.constant 0 : i32
      %dma_wait3A_115 = tpu.memref_slice %arg6[%run_scoped3A_61, %dma_wait3A_113, %dma_wait3A_114] : memref<2x128x128xf32, #tpu.memory_space<vmem>> -> memref<1x128x128xf32, #tpu.memory_space<vmem>>
      %dma_wait3A_116 = tpu.memref_squeeze %dma_wait3A_115 : memref<1x128x128xf32, #tpu.memory_space<vmem>> -> memref<128x128xf32, #tpu.memory_space<vmem>>
      %dma_wait3A_117 = arith.constant 0 : i32
      %dma_wait3A_118 = tpu.memref_slice %arg7[%add3A_60, %dma_wait3A_117] : memref<10240x128xf32, #tpu.memory_space<vmem_shared>> -> memref<128x128xf32, #tpu.memory_space<vmem_shared>>
      %dma_wait3A_119 = arith.constant 0 : i32
      %dma_wait3A_120 = tpu.memref_slice %arg7[%add3A_60, %dma_wait3A_119] : memref<10240x128xf32, #tpu.memory_space<vmem_shared>> -> memref<128x128xf32, #tpu.memory_space<vmem_shared>>
      %dma_wait3A_121 = arith.constant 0 : i32
      %dma_wait3A_122 = arith.constant 0 : i32
      %dma_wait3A_123 = tpu.memref_slice %arg6[%run_scoped3A_61, %dma_wait3A_121, %dma_wait3A_122] : memref<2x128x128xf32, #tpu.memory_space<vmem>> -> memref<1x128x128xf32, #tpu.memory_space<vmem>>
      %dma_wait3A_124 = tpu.memref_squeeze %dma_wait3A_123 : memref<1x128x128xf32, #tpu.memory_space<vmem>> -> memref<128x128xf32, #tpu.memory_space<vmem>>
      tpu.wait_dma2 semaphore(%run_scoped3A_100 : memref<!tpu.dma_semaphore, #tpu.memory_space<semaphore_mem>>) src(%dma_wait3A_124 : memref<128x128xf32, #tpu.memory_space<vmem>>) dst(%dma_wait3A_120 : memref<128x128xf32, #tpu.memory_space<vmem_shared>>)
      tpu.yield
    }) : () -> ()
    %add3A_62 = arith.constant 512 : i32
    %add3A_63 = arith.addi %mul3A_50, %add3A_62 : i32
    %run_scoped3A_64 = arith.constant 0 : i32
    "tpu.region"() ({
      %run_scoped3A_100 = tpu.sem_alloc : memref<!tpu.dma_semaphore, #tpu.memory_space<semaphore_mem>>
      %dma_start3A_101 = arith.constant 0 : i32
      %dma_start3A_102 = arith.constant 0 : i32
      %dma_start3A_103 = tpu.memref_slice %arg6[%run_scoped3A_64, %dma_start3A_101, %dma_start3A_102] : memref<2x128x128xf32, #tpu.memory_space<vmem>> -> memref<1x128x128xf32, #tpu.memory_space<vmem>>
      %dma_start3A_104 = tpu.memref_squeeze %dma_start3A_103 : memref<1x128x128xf32, #tpu.memory_space<vmem>> -> memref<128x128xf32, #tpu.memory_space<vmem>>
      %dma_start3A_105 = arith.constant 0 : i32
      %dma_start3A_106 = tpu.memref_slice %arg7[%add3A_63, %dma_start3A_105] : memref<10240x128xf32, #tpu.memory_space<vmem_shared>> -> memref<128x128xf32, #tpu.memory_space<vmem_shared>>
      %dma_start3A_107 = arith.constant 0 : i32
      %dma_start3A_108 = tpu.memref_slice %arg7[%add3A_63, %dma_start3A_107] : memref<10240x128xf32, #tpu.memory_space<vmem_shared>> -> memref<128x128xf32, #tpu.memory_space<vmem_shared>>
      %dma_start3A_109 = arith.constant 0 : i32
      %dma_start3A_110 = arith.constant 0 : i32
      %dma_start3A_111 = tpu.memref_slice %arg6[%run_scoped3A_64, %dma_start3A_109, %dma_start3A_110] : memref<2x128x128xf32, #tpu.memory_space<vmem>> -> memref<1x128x128xf32, #tpu.memory_space<vmem>>
      %dma_start3A_112 = tpu.memref_squeeze %dma_start3A_111 : memref<1x128x128xf32, #tpu.memory_space<vmem>> -> memref<128x128xf32, #tpu.memory_space<vmem>>
      tpu.enqueue_dma source(%dma_start3A_112 : memref<128x128xf32, #tpu.memory_space<vmem>>) target(%dma_start3A_108 : memref<128x128xf32, #tpu.memory_space<vmem_shared>>) target_semaphore(%run_scoped3A_100 : memref<!tpu.dma_semaphore, #tpu.memory_space<semaphore_mem>>)
      %dma_wait3A_113 = arith.constant 0 : i32
      %dma_wait3A_114 = arith.constant 0 : i32
      %dma_wait3A_115 = tpu.memref_slice %arg6[%run_scoped3A_64, %dma_wait3A_113, %dma_wait3A_114] : memref<2x128x128xf32, #tpu.memory_space<vmem>> -> memref<1x128x128xf32, #tpu.memory_space<vmem>>
      %dma_wait3A_116 = tpu.memref_squeeze %dma_wait3A_115 : memref<1x128x128xf32, #tpu.memory_space<vmem>> -> memref<128x128xf32, #tpu.memory_space<vmem>>
      %dma_wait3A_117 = arith.constant 0 : i32
      %dma_wait3A_118 = tpu.memref_slice %arg7[%add3A_63, %dma_wait3A_117] : memref<10240x128xf32, #tpu.memory_space<vmem_shared>> -> memref<128x128xf32, #tpu.memory_space<vmem_shared>>
      %dma_wait3A_119 = arith.constant 0 : i32
      %dma_wait3A_120 = tpu.memref_slice %arg7[%add3A_63, %dma_wait3A_119] : memref<10240x128xf32, #tpu.memory_space<vmem_shared>> -> memref<128x128xf32, #tpu.memory_space<vmem_shared>>
      %dma_wait3A_121 = arith.constant 0 : i32
      %dma_wait3A_122 = arith.constant 0 : i32
      %dma_wait3A_123 = tpu.memref_slice %arg6[%run_scoped3A_64, %dma_wait3A_121, %dma_wait3A_122] : memref<2x128x128xf32, #tpu.memory_space<vmem>> -> memref<1x128x128xf32, #tpu.memory_space<vmem>>
      %dma_wait3A_124 = tpu.memref_squeeze %dma_wait3A_123 : memref<1x128x128xf32, #tpu.memory_space<vmem>> -> memref<128x128xf32, #tpu.memory_space<vmem>>
      tpu.wait_dma2 semaphore(%run_scoped3A_100 : memref<!tpu.dma_semaphore, #tpu.memory_space<semaphore_mem>>) src(%dma_wait3A_124 : memref<128x128xf32, #tpu.memory_space<vmem>>) dst(%dma_wait3A_120 : memref<128x128xf32, #tpu.memory_space<vmem_shared>>)
      tpu.yield
    }) : () -> ()
    %dma_wait3A = arith.constant 0 : i32
    %dma_wait3A_65 = arith.constant 0 : i32
    %dma_wait3A_66 = arith.constant 0 : i32
    %dma_wait3A_67 = tpu.memref_slice %arg5[%dma_wait3A, %dma_wait3A_65, %dma_wait3A_66] : memref<2x2x128xi32, #tpu.memory_space<vmem>> -> memref<1x2x128xi32, #tpu.memory_space<vmem>>
    %dma_wait3A_68 = tpu.memref_squeeze %dma_wait3A_67 : memref<1x2x128xi32, #tpu.memory_space<vmem>> -> memref<2x128xi32, #tpu.memory_space<vmem>>
    %dma_wait3A_69 = arith.constant 0 : i32
    %dma_wait3A_70 = arith.constant 0 : i32
    %dma_wait3A_71 = tpu.memref_slice %arg3[%select_n3A_8, %dma_wait3A_69, %dma_wait3A_70] : memref<2528x2x128xi32, #tpu.memory_space<hbm>> -> memref<1x2x128xi32, #tpu.memory_space<hbm>>
    %dma_wait3A_72 = tpu.memref_squeeze %dma_wait3A_71 : memref<1x2x128xi32, #tpu.memory_space<hbm>> -> memref<2x128xi32, #tpu.memory_space<hbm>>
    %dma_wait3A_73 = arith.constant 0 : i32
    %dma_wait3A_74 = arith.constant 0 : i32
    %dma_wait3A_75 = tpu.memref_slice %arg5[%dma_wait3A, %dma_wait3A_73, %dma_wait3A_74] : memref<2x2x128xi32, #tpu.memory_space<vmem>> -> memref<1x2x128xi32, #tpu.memory_space<vmem>>
    %dma_wait3A_76 = tpu.memref_squeeze %dma_wait3A_75 : memref<1x2x128xi32, #tpu.memory_space<vmem>> -> memref<2x128xi32, #tpu.memory_space<vmem>>
    %dma_wait3A_77 = arith.constant 0 : i32
    %dma_wait3A_78 = arith.constant 0 : i32
    %dma_wait3A_79 = tpu.memref_slice %arg3[%select_n3A_8, %dma_wait3A_77, %dma_wait3A_78] : memref<2528x2x128xi32, #tpu.memory_space<hbm>> -> memref<1x2x128xi32, #tpu.memory_space<hbm>>
    %dma_wait3A_80 = tpu.memref_squeeze %dma_wait3A_79 : memref<1x2x128xi32, #tpu.memory_space<hbm>> -> memref<2x128xi32, #tpu.memory_space<hbm>>
    tpu.wait_dma2 semaphore(%arg8 : memref<!tpu.dma_semaphore, #tpu.memory_space<semaphore_mem>>) src(%dma_wait3A_80 : memref<2x128xi32, #tpu.memory_space<hbm>>) dst(%dma_wait3A_76 : memref<2x128xi32, #tpu.memory_space<vmem>>)
    %dma_start3A_81 = arith.constant 0 : i32
    %dma_start3A_82 = arith.constant 0 : i32
    %dma_start3A_83 = arith.constant 0 : i32
    %dma_start3A_84 = arith.constant 0 : i32
    %dma_start3A_85 = arith.constant 0 : i32
    %dma_start3A_86 = tpu.memref_slice %arg6[%dma_start3A_83, %dma_start3A_84, %dma_start3A_85] : memref<2x128x128xf32, #tpu.memory_space<vmem>> -> memref<1x128x128xf32, #tpu.memory_space<vmem>>
    %dma_start3A_87 = tpu.memref_squeeze %dma_start3A_86 : memref<1x128x128xf32, #tpu.memory_space<vmem>> -> memref<128x128xf32, #tpu.memory_space<vmem>>
    %dma_start3A_88 = arith.constant 0 : i32
    %dma_start3A_89 = tpu.memref_slice %arg5[%dma_start3A_81, %dma_start3A_82, %dma_start3A_88] : memref<2x2x128xi32, #tpu.memory_space<vmem>> -> memref<1x1x128xi32, #tpu.memory_space<vmem>>
    %dma_start3A_90 = tpu.memref_squeeze %dma_start3A_89 : memref<1x1x128xi32, #tpu.memory_space<vmem>> -> memref<128xi32, #tpu.memory_space<vmem>>
    %dma_start3A_91 = arith.constant 0 : i32
    %dma_start3A_92 = arith.constant 0 : i32
    %dma_start3A_93 = tpu.memref_slice %arg2[%dma_start3A_91, %dma_start3A_92] : memref<10240x128xf32, #tpu.memory_space<hbm>> -> memref<10240x128xf32, #tpu.memory_space<hbm>>
    tpu.enqueue_indirect_dma source(%dma_start3A_93 : memref<10240x128xf32, #tpu.memory_space<hbm>>) target(%dma_start3A_87 : memref<128x128xf32, #tpu.memory_space<vmem>>) offsets(%dma_start3A_90 : memref<128xi32, #tpu.memory_space<vmem>>) semaphore(%arg10 : memref<!tpu.dma_semaphore, #tpu.memory_space<semaphore_mem>>)
    %barrier3A = arith.constant 0 : index
    tpu.barrier barrier_id(%barrier3A)
    %scan3A_94 = arith.constant 0 : i32
    %scan3A_95 = arith.constant 79 : i32
    %scan3A_96 = arith.addi %scan3A_94, %scan3A_95 : i32
    %scan3A_97 = arith.constant 1 : i32
    scf.for %scan3A_100 = %scan3A_94 to %scan3A_96 step %scan3A_97  : i32 {
      %mul3A_101 = arith.constant 2 : i32
      %mul3A_102 = arith.muli %scan3A_100, %mul3A_101 : i32
      %add3A_103 = arith.constant 0 : i32
      %add3A_104 = arith.addi %add3A_103, %mul3A_102 : i32
      %add3A_105 = arith.constant 0 : i32
      %add3A_106 = arith.addi %add3A_104, %add3A_105 : i32
      %lt3A = arith.cmpi slt, %add3A_106, %select_n3A : i32
      %convert_element_type3A = arith.extui %lt3A : i1 to i32
      %cond3A = arith.constant 0 : i32
      %cond3A_107 = arith.cmpi ne, %convert_element_type3A, %cond3A : i32
      scf.if %cond3A_107 {
        %add3A_114 = arith.constant 1 : i32
        %add3A_115 = arith.addi %add3A_106, %add3A_114 : i32
        %lt3A_116 = arith.cmpi slt, %add3A_115, %select_n3A : i32
        %convert_element_type3A_117 = arith.extui %lt3A_116 : i1 to i32
        %cond3A_118 = arith.constant 0 : i32
        %cond3A_119 = arith.cmpi ne, %convert_element_type3A_117, %cond3A_118 : i32
        scf.if %cond3A_119 {
          %dma_wait3A_142 = arith.constant 1 : i32
          %dma_wait3A_143 = arith.constant 0 : i32
          %dma_wait3A_144 = arith.constant 0 : i32
          %dma_wait3A_145 = tpu.memref_slice %arg5[%dma_wait3A_142, %dma_wait3A_143, %dma_wait3A_144] : memref<2x2x128xi32, #tpu.memory_space<vmem>> -> memref<1x2x128xi32, #tpu.memory_space<vmem>>
          %dma_wait3A_146 = tpu.memref_squeeze %dma_wait3A_145 : memref<1x2x128xi32, #tpu.memory_space<vmem>> -> memref<2x128xi32, #tpu.memory_space<vmem>>
          %dma_wait3A_147 = arith.constant 0 : i32
          %dma_wait3A_148 = arith.constant 0 : i32
          %dma_wait3A_149 = tpu.memref_slice %arg3[%select_n3A_8, %dma_wait3A_147, %dma_wait3A_148] : memref<2528x2x128xi32, #tpu.memory_space<hbm>> -> memref<1x2x128xi32, #tpu.memory_space<hbm>>
          %dma_wait3A_150 = tpu.memref_squeeze %dma_wait3A_149 : memref<1x2x128xi32, #tpu.memory_space<hbm>> -> memref<2x128xi32, #tpu.memory_space<hbm>>
          %dma_wait3A_151 = arith.constant 0 : i32
          %dma_wait3A_152 = arith.constant 0 : i32
          %dma_wait3A_153 = tpu.memref_slice %arg5[%dma_wait3A_142, %dma_wait3A_151, %dma_wait3A_152] : memref<2x2x128xi32, #tpu.memory_space<vmem>> -> memref<1x2x128xi32, #tpu.memory_space<vmem>>
          %dma_wait3A_154 = tpu.memref_squeeze %dma_wait3A_153 : memref<1x2x128xi32, #tpu.memory_space<vmem>> -> memref<2x128xi32, #tpu.memory_space<vmem>>
          %dma_wait3A_155 = arith.constant 0 : i32
          %dma_wait3A_156 = arith.constant 0 : i32
          %dma_wait3A_157 = tpu.memref_slice %arg3[%select_n3A_8, %dma_wait3A_155, %dma_wait3A_156] : memref<2528x2x128xi32, #tpu.memory_space<hbm>> -> memref<1x2x128xi32, #tpu.memory_space<hbm>>
          %dma_wait3A_158 = tpu.memref_squeeze %dma_wait3A_157 : memref<1x2x128xi32, #tpu.memory_space<hbm>> -> memref<2x128xi32, #tpu.memory_space<hbm>>
          tpu.wait_dma2 semaphore(%arg9 : memref<!tpu.dma_semaphore, #tpu.memory_space<semaphore_mem>>) src(%dma_wait3A_158 : memref<2x128xi32, #tpu.memory_space<hbm>>) dst(%dma_wait3A_154 : memref<2x128xi32, #tpu.memory_space<vmem>>)
          %dma_start3A_159 = arith.constant 1 : i32
          %dma_start3A_160 = arith.constant 0 : i32
          %dma_start3A_161 = arith.constant 1 : i32
          %dma_start3A_162 = arith.constant 0 : i32
          %dma_start3A_163 = arith.constant 0 : i32
          %dma_start3A_164 = tpu.memref_slice %arg6[%dma_start3A_161, %dma_start3A_162, %dma_start3A_163] : memref<2x128x128xf32, #tpu.memory_space<vmem>> -> memref<1x128x128xf32, #tpu.memory_space<vmem>>
          %dma_start3A_165 = tpu.memref_squeeze %dma_start3A_164 : memref<1x128x128xf32, #tpu.memory_space<vmem>> -> memref<128x128xf32, #tpu.memory_space<vmem>>
          %dma_start3A_166 = arith.constant 0 : i32
          %dma_start3A_167 = tpu.memref_slice %arg5[%dma_start3A_159, %dma_start3A_160, %dma_start3A_166] : memref<2x2x128xi32, #tpu.memory_space<vmem>> -> memref<1x1x128xi32, #tpu.memory_space<vmem>>
          %dma_start3A_168 = tpu.memref_squeeze %dma_start3A_167 : memref<1x1x128xi32, #tpu.memory_space<vmem>> -> memref<128xi32, #tpu.memory_space<vmem>>
          %dma_start3A_169 = arith.constant 0 : i32
          %dma_start3A_170 = arith.constant 0 : i32
          %dma_start3A_171 = tpu.memref_slice %arg2[%dma_start3A_169, %dma_start3A_170] : memref<10240x128xf32, #tpu.memory_space<hbm>> -> memref<10240x128xf32, #tpu.memory_space<hbm>>
          tpu.enqueue_indirect_dma source(%dma_start3A_171 : memref<10240x128xf32, #tpu.memory_space<hbm>>) target(%dma_start3A_165 : memref<128x128xf32, #tpu.memory_space<vmem>>) offsets(%dma_start3A_168 : memref<128xi32, #tpu.memory_space<vmem>>) semaphore(%arg11 : memref<!tpu.dma_semaphore, #tpu.memory_space<semaphore_mem>>)
        } else {
        }
        %dma_wait3A_120 = arith.constant 0 : i32
        %dma_wait3A_121 = arith.constant 0 : i32
        %dma_wait3A_122 = arith.constant 0 : i32
        %dma_wait3A_123 = arith.constant 0 : i32
        %dma_wait3A_124 = arith.constant 0 : i32
        %dma_wait3A_125 = tpu.memref_slice %arg6[%dma_wait3A_122, %dma_wait3A_123, %dma_wait3A_124] : memref<2x128x128xf32, #tpu.memory_space<vmem>> -> memref<1x128x128xf32, #tpu.memory_space<vmem>>
        %dma_wait3A_126 = tpu.memref_squeeze %dma_wait3A_125 : memref<1x128x128xf32, #tpu.memory_space<vmem>> -> memref<128x128xf32, #tpu.memory_space<vmem>>
        %dma_wait3A_127 = arith.constant 0 : i32
        %dma_wait3A_128 = tpu.memref_slice %arg5[%dma_wait3A_120, %dma_wait3A_121, %dma_wait3A_127] : memref<2x2x128xi32, #tpu.memory_space<vmem>> -> memref<1x1x128xi32, #tpu.memory_space<vmem>>
        %dma_wait3A_129 = tpu.memref_squeeze %dma_wait3A_128 : memref<1x1x128xi32, #tpu.memory_space<vmem>> -> memref<128xi32, #tpu.memory_space<vmem>>
        %dma_wait3A_130 = arith.constant 0 : i32
        %dma_wait3A_131 = arith.constant 0 : i32
        %dma_wait3A_132 = tpu.memref_slice %arg2[%dma_wait3A_130, %dma_wait3A_131] : memref<10240x128xf32, #tpu.memory_space<hbm>> -> memref<10240x128xf32, #tpu.memory_space<hbm>>
        tpu.wait_indirect_dma semaphore(%arg10 : memref<!tpu.dma_semaphore, #tpu.memory_space<semaphore_mem>>) src(%dma_wait3A_132 : memref<10240x128xf32, #tpu.memory_space<hbm>>) dst(%dma_wait3A_126 : memref<128x128xf32, #tpu.memory_space<vmem>>)
        %run_scoped3A_133 = arith.constant 0 : i32
        %run_scoped3A_134 = arith.constant 0 : i32
        %run_scoped3A_135 = arith.constant 1 : i32
        "tpu.region"() ({
          %run_scoped3A_142 = tpu.sem_alloc : memref<!tpu.dma_semaphore, #tpu.memory_space<semaphore_mem>>
          %dma_start3A_143 = arith.constant 0 : i32
          %dma_start3A_144 = arith.constant 0 : i32
          %dma_start3A_145 = tpu.memref_slice %arg6[%run_scoped3A_133, %dma_start3A_143, %dma_start3A_144] : memref<2x128x128xf32, #tpu.memory_space<vmem>> -> memref<1x128x128xf32, #tpu.memory_space<vmem>>
          %dma_start3A_146 = tpu.memref_squeeze %dma_start3A_145 : memref<1x128x128xf32, #tpu.memory_space<vmem>> -> memref<128x128xf32, #tpu.memory_space<vmem>>
          %dma_start3A_147 = arith.constant 0 : i32
          %dma_start3A_148 = tpu.memref_slice %arg5[%run_scoped3A_134, %run_scoped3A_135, %dma_start3A_147] : memref<2x2x128xi32, #tpu.memory_space<vmem>> -> memref<1x1x128xi32, #tpu.memory_space<vmem>>
          %dma_start3A_149 = tpu.memref_squeeze %dma_start3A_148 : memref<1x1x128xi32, #tpu.memory_space<vmem>> -> memref<128xi32, #tpu.memory_space<vmem>>
          %dma_start3A_150 = arith.constant 0 : i32
          %dma_start3A_151 = arith.constant 0 : i32
          %dma_start3A_152 = tpu.memref_slice %arg7[%dma_start3A_150, %dma_start3A_151] : memref<10240x128xf32, #tpu.memory_space<vmem_shared>> -> memref<10240x128xf32, #tpu.memory_space<vmem_shared>>
          tpu.enqueue_indirect_dma source(%dma_start3A_146 : memref<128x128xf32, #tpu.memory_space<vmem>>) target(%dma_start3A_152 : memref<10240x128xf32, #tpu.memory_space<vmem_shared>>) offsets(%dma_start3A_149 : memref<128xi32, #tpu.memory_space<vmem>>) semaphore(%run_scoped3A_142 : memref<!tpu.dma_semaphore, #tpu.memory_space<semaphore_mem>>) {add = true}
          %dma_wait3A_153 = arith.constant 0 : i32
          %dma_wait3A_154 = arith.constant 0 : i32
          %dma_wait3A_155 = tpu.memref_slice %arg6[%run_scoped3A_133, %dma_wait3A_153, %dma_wait3A_154] : memref<2x128x128xf32, #tpu.memory_space<vmem>> -> memref<1x128x128xf32, #tpu.memory_space<vmem>>
          %dma_wait3A_156 = tpu.memref_squeeze %dma_wait3A_155 : memref<1x128x128xf32, #tpu.memory_space<vmem>> -> memref<128x128xf32, #tpu.memory_space<vmem>>
          %dma_wait3A_157 = arith.constant 0 : i32
          %dma_wait3A_158 = tpu.memref_slice %arg5[%run_scoped3A_134, %run_scoped3A_135, %dma_wait3A_157] : memref<2x2x128xi32, #tpu.memory_space<vmem>> -> memref<1x1x128xi32, #tpu.memory_space<vmem>>
          %dma_wait3A_159 = tpu.memref_squeeze %dma_wait3A_158 : memref<1x1x128xi32, #tpu.memory_space<vmem>> -> memref<128xi32, #tpu.memory_space<vmem>>
          %dma_wait3A_160 = arith.constant 0 : i32
          %dma_wait3A_161 = arith.constant 0 : i32
          %dma_wait3A_162 = tpu.memref_slice %arg7[%dma_wait3A_160, %dma_wait3A_161] : memref<10240x128xf32, #tpu.memory_space<vmem_shared>> -> memref<10240x128xf32, #tpu.memory_space<vmem_shared>>
          tpu.wait_indirect_dma semaphore(%run_scoped3A_142 : memref<!tpu.dma_semaphore, #tpu.memory_space<semaphore_mem>>) src(%dma_wait3A_156 : memref<128x128xf32, #tpu.memory_space<vmem>>) dst(%dma_wait3A_162 : memref<10240x128xf32, #tpu.memory_space<vmem_shared>>)
          tpu.yield
        }) : () -> ()
        %add3A_136 = arith.constant 2 : i32
        %add3A_137 = arith.addi %add3A_106, %add3A_136 : i32
        %lt3A_138 = arith.cmpi slt, %add3A_137, %select_n3A : i32
        %convert_element_type3A_139 = arith.extui %lt3A_138 : i1 to i32
        %cond3A_140 = arith.constant 0 : i32
        %cond3A_141 = arith.cmpi ne, %convert_element_type3A_139, %cond3A_140 : i32
        scf.if %cond3A_141 {
          %add3A_142 = arith.addi %select_n3A_8, %add3A_106 : i32
          %add3A_143 = arith.constant 2 : i32
          %add3A_144 = arith.addi %add3A_142, %add3A_143 : i32
          %dma_start3A_145 = arith.constant 0 : i32
          %dma_start3A_146 = arith.constant 0 : i32
          %dma_start3A_147 = arith.constant 0 : i32
          %dma_start3A_148 = tpu.memref_slice %arg5[%dma_start3A_145, %dma_start3A_146, %dma_start3A_147] : memref<2x2x128xi32, #tpu.memory_space<vmem>> -> memref<1x2x128xi32, #tpu.memory_space<vmem>>
          %dma_start3A_149 = tpu.memref_squeeze %dma_start3A_148 : memref<1x2x128xi32, #tpu.memory_space<vmem>> -> memref<2x128xi32, #tpu.memory_space<vmem>>
          %dma_start3A_150 = arith.constant 0 : i32
          %dma_start3A_151 = arith.constant 0 : i32
          %dma_start3A_152 = tpu.memref_slice %arg3[%add3A_144, %dma_start3A_150, %dma_start3A_151] : memref<2528x2x128xi32, #tpu.memory_space<hbm>> -> memref<1x2x128xi32, #tpu.memory_space<hbm>>
          %dma_start3A_153 = tpu.memref_squeeze %dma_start3A_152 : memref<1x2x128xi32, #tpu.memory_space<hbm>> -> memref<2x128xi32, #tpu.memory_space<hbm>>
          %dma_start3A_154 = arith.constant 0 : i32
          %dma_start3A_155 = arith.constant 0 : i32
          %dma_start3A_156 = tpu.memref_slice %arg5[%dma_start3A_145, %dma_start3A_154, %dma_start3A_155] : memref<2x2x128xi32, #tpu.memory_space<vmem>> -> memref<1x2x128xi32, #tpu.memory_space<vmem>>
          %dma_start3A_157 = tpu.memref_squeeze %dma_start3A_156 : memref<1x2x128xi32, #tpu.memory_space<vmem>> -> memref<2x128xi32, #tpu.memory_space<vmem>>
          %dma_start3A_158 = arith.constant 0 : i32
          %dma_start3A_159 = arith.constant 0 : i32
          %dma_start3A_160 = tpu.memref_slice %arg3[%add3A_144, %dma_start3A_158, %dma_start3A_159] : memref<2528x2x128xi32, #tpu.memory_space<hbm>> -> memref<1x2x128xi32, #tpu.memory_space<hbm>>
          %dma_start3A_161 = tpu.memref_squeeze %dma_start3A_160 : memref<1x2x128xi32, #tpu.memory_space<hbm>> -> memref<2x128xi32, #tpu.memory_space<hbm>>
          tpu.enqueue_dma source(%dma_start3A_161 : memref<2x128xi32, #tpu.memory_space<hbm>>) target(%dma_start3A_157 : memref<2x128xi32, #tpu.memory_space<vmem>>) target_semaphore(%arg8 : memref<!tpu.dma_semaphore, #tpu.memory_space<semaphore_mem>>)
        } else {
        }
      } else {
      }
      %add3A_108 = arith.constant 1 : i32
      %add3A_109 = arith.addi %add3A_104, %add3A_108 : i32
      %lt3A_110 = arith.cmpi slt, %add3A_109, %select_n3A : i32
      %convert_element_type3A_111 = arith.extui %lt3A_110 : i1 to i32
      %cond3A_112 = arith.constant 0 : i32
      %cond3A_113 = arith.cmpi ne, %convert_element_type3A_111, %cond3A_112 : i32
      scf.if %cond3A_113 {
        %add3A_114 = arith.constant 1 : i32
        %add3A_115 = arith.addi %add3A_109, %add3A_114 : i32
        %lt3A_116 = arith.cmpi slt, %add3A_115, %select_n3A : i32
        %convert_element_type3A_117 = arith.extui %lt3A_116 : i1 to i32
        %cond3A_118 = arith.constant 0 : i32
        %cond3A_119 = arith.cmpi ne, %convert_element_type3A_117, %cond3A_118 : i32
        scf.if %cond3A_119 {
          %dma_wait3A_142 = arith.constant 0 : i32
          %dma_wait3A_143 = arith.constant 0 : i32
          %dma_wait3A_144 = arith.constant 0 : i32
          %dma_wait3A_145 = tpu.memref_slice %arg5[%dma_wait3A_142, %dma_wait3A_143, %dma_wait3A_144] : memref<2x2x128xi32, #tpu.memory_space<vmem>> -> memref<1x2x128xi32, #tpu.memory_space<vmem>>
          %dma_wait3A_146 = tpu.memref_squeeze %dma_wait3A_145 : memref<1x2x128xi32, #tpu.memory_space<vmem>> -> memref<2x128xi32, #tpu.memory_space<vmem>>
          %dma_wait3A_147 = arith.constant 0 : i32
          %dma_wait3A_148 = arith.constant 0 : i32
          %dma_wait3A_149 = tpu.memref_slice %arg3[%select_n3A_8, %dma_wait3A_147, %dma_wait3A_148] : memref<2528x2x128xi32, #tpu.memory_space<hbm>> -> memref<1x2x128xi32, #tpu.memory_space<hbm>>
          %dma_wait3A_150 = tpu.memref_squeeze %dma_wait3A_149 : memref<1x2x128xi32, #tpu.memory_space<hbm>> -> memref<2x128xi32, #tpu.memory_space<hbm>>
          %dma_wait3A_151 = arith.constant 0 : i32
          %dma_wait3A_152 = arith.constant 0 : i32
          %dma_wait3A_153 = tpu.memref_slice %arg5[%dma_wait3A_142, %dma_wait3A_151, %dma_wait3A_152] : memref<2x2x128xi32, #tpu.memory_space<vmem>> -> memref<1x2x128xi32, #tpu.memory_space<vmem>>
          %dma_wait3A_154 = tpu.memref_squeeze %dma_wait3A_153 : memref<1x2x128xi32, #tpu.memory_space<vmem>> -> memref<2x128xi32, #tpu.memory_space<vmem>>
          %dma_wait3A_155 = arith.constant 0 : i32
          %dma_wait3A_156 = arith.constant 0 : i32
          %dma_wait3A_157 = tpu.memref_slice %arg3[%select_n3A_8, %dma_wait3A_155, %dma_wait3A_156] : memref<2528x2x128xi32, #tpu.memory_space<hbm>> -> memref<1x2x128xi32, #tpu.memory_space<hbm>>
          %dma_wait3A_158 = tpu.memref_squeeze %dma_wait3A_157 : memref<1x2x128xi32, #tpu.memory_space<hbm>> -> memref<2x128xi32, #tpu.memory_space<hbm>>
          tpu.wait_dma2 semaphore(%arg8 : memref<!tpu.dma_semaphore, #tpu.memory_space<semaphore_mem>>) src(%dma_wait3A_158 : memref<2x128xi32, #tpu.memory_space<hbm>>) dst(%dma_wait3A_154 : memref<2x128xi32, #tpu.memory_space<vmem>>)
          %dma_start3A_159 = arith.constant 0 : i32
          %dma_start3A_160 = arith.constant 0 : i32
          %dma_start3A_161 = arith.constant 0 : i32
          %dma_start3A_162 = arith.constant 0 : i32
          %dma_start3A_163 = arith.constant 0 : i32
          %dma_start3A_164 = tpu.memref_slice %arg6[%dma_start3A_161, %dma_start3A_162, %dma_start3A_163] : memref<2x128x128xf32, #tpu.memory_space<vmem>> -> memref<1x128x128xf32, #tpu.memory_space<vmem>>
          %dma_start3A_165 = tpu.memref_squeeze %dma_start3A_164 : memref<1x128x128xf32, #tpu.memory_space<vmem>> -> memref<128x128xf32, #tpu.memory_space<vmem>>
          %dma_start3A_166 = arith.constant 0 : i32
          %dma_start3A_167 = tpu.memref_slice %arg5[%dma_start3A_159, %dma_start3A_160, %dma_start3A_166] : memref<2x2x128xi32, #tpu.memory_space<vmem>> -> memref<1x1x128xi32, #tpu.memory_space<vmem>>
          %dma_start3A_168 = tpu.memref_squeeze %dma_start3A_167 : memref<1x1x128xi32, #tpu.memory_space<vmem>> -> memref<128xi32, #tpu.memory_space<vmem>>
          %dma_start3A_169 = arith.constant 0 : i32
          %dma_start3A_170 = arith.constant 0 : i32
          %dma_start3A_171 = tpu.memref_slice %arg2[%dma_start3A_169, %dma_start3A_170] : memref<10240x128xf32, #tpu.memory_space<hbm>> -> memref<10240x128xf32, #tpu.memory_space<hbm>>
          tpu.enqueue_indirect_dma source(%dma_start3A_171 : memref<10240x128xf32, #tpu.memory_space<hbm>>) target(%dma_start3A_165 : memref<128x128xf32, #tpu.memory_space<vmem>>) offsets(%dma_start3A_168 : memref<128xi32, #tpu.memory_space<vmem>>) semaphore(%arg10 : memref<!tpu.dma_semaphore, #tpu.memory_space<semaphore_mem>>)
        } else {
        }
        %dma_wait3A_120 = arith.constant 1 : i32
        %dma_wait3A_121 = arith.constant 0 : i32
        %dma_wait3A_122 = arith.constant 1 : i32
        %dma_wait3A_123 = arith.constant 0 : i32
        %dma_wait3A_124 = arith.constant 0 : i32
        %dma_wait3A_125 = tpu.memref_slice %arg6[%dma_wait3A_122, %dma_wait3A_123, %dma_wait3A_124] : memref<2x128x128xf32, #tpu.memory_space<vmem>> -> memref<1x128x128xf32, #tpu.memory_space<vmem>>
        %dma_wait3A_126 = tpu.memref_squeeze %dma_wait3A_125 : memref<1x128x128xf32, #tpu.memory_space<vmem>> -> memref<128x128xf32, #tpu.memory_space<vmem>>
        %dma_wait3A_127 = arith.constant 0 : i32
        %dma_wait3A_128 = tpu.memref_slice %arg5[%dma_wait3A_120, %dma_wait3A_121, %dma_wait3A_127] : memref<2x2x128xi32, #tpu.memory_space<vmem>> -> memref<1x1x128xi32, #tpu.memory_space<vmem>>
        %dma_wait3A_129 = tpu.memref_squeeze %dma_wait3A_128 : memref<1x1x128xi32, #tpu.memory_space<vmem>> -> memref<128xi32, #tpu.memory_space<vmem>>
        %dma_wait3A_130 = arith.constant 0 : i32
        %dma_wait3A_131 = arith.constant 0 : i32
        %dma_wait3A_132 = tpu.memref_slice %arg2[%dma_wait3A_130, %dma_wait3A_131] : memref<10240x128xf32, #tpu.memory_space<hbm>> -> memref<10240x128xf32, #tpu.memory_space<hbm>>
        tpu.wait_indirect_dma semaphore(%arg11 : memref<!tpu.dma_semaphore, #tpu.memory_space<semaphore_mem>>) src(%dma_wait3A_132 : memref<10240x128xf32, #tpu.memory_space<hbm>>) dst(%dma_wait3A_126 : memref<128x128xf32, #tpu.memory_space<vmem>>)
        %run_scoped3A_133 = arith.constant 1 : i32
        %run_scoped3A_134 = arith.constant 1 : i32
        %run_scoped3A_135 = arith.constant 1 : i32
        "tpu.region"() ({
          %run_scoped3A_142 = tpu.sem_alloc : memref<!tpu.dma_semaphore, #tpu.memory_space<semaphore_mem>>
          %dma_start3A_143 = arith.constant 0 : i32
          %dma_start3A_144 = arith.constant 0 : i32
          %dma_start3A_145 = tpu.memref_slice %arg6[%run_scoped3A_133, %dma_start3A_143, %dma_start3A_144] : memref<2x128x128xf32, #tpu.memory_space<vmem>> -> memref<1x128x128xf32, #tpu.memory_space<vmem>>
          %dma_start3A_146 = tpu.memref_squeeze %dma_start3A_145 : memref<1x128x128xf32, #tpu.memory_space<vmem>> -> memref<128x128xf32, #tpu.memory_space<vmem>>
          %dma_start3A_147 = arith.constant 0 : i32
          %dma_start3A_148 = tpu.memref_slice %arg5[%run_scoped3A_134, %run_scoped3A_135, %dma_start3A_147] : memref<2x2x128xi32, #tpu.memory_space<vmem>> -> memref<1x1x128xi32, #tpu.memory_space<vmem>>
          %dma_start3A_149 = tpu.memref_squeeze %dma_start3A_148 : memref<1x1x128xi32, #tpu.memory_space<vmem>> -> memref<128xi32, #tpu.memory_space<vmem>>
          %dma_start3A_150 = arith.constant 0 : i32
          %dma_start3A_151 = arith.constant 0 : i32
          %dma_start3A_152 = tpu.memref_slice %arg7[%dma_start3A_150, %dma_start3A_151] : memref<10240x128xf32, #tpu.memory_space<vmem_shared>> -> memref<10240x128xf32, #tpu.memory_space<vmem_shared>>
          tpu.enqueue_indirect_dma source(%dma_start3A_146 : memref<128x128xf32, #tpu.memory_space<vmem>>) target(%dma_start3A_152 : memref<10240x128xf32, #tpu.memory_space<vmem_shared>>) offsets(%dma_start3A_149 : memref<128xi32, #tpu.memory_space<vmem>>) semaphore(%run_scoped3A_142 : memref<!tpu.dma_semaphore, #tpu.memory_space<semaphore_mem>>) {add = true}
          %dma_wait3A_153 = arith.constant 0 : i32
          %dma_wait3A_154 = arith.constant 0 : i32
          %dma_wait3A_155 = tpu.memref_slice %arg6[%run_scoped3A_133, %dma_wait3A_153, %dma_wait3A_154] : memref<2x128x128xf32, #tpu.memory_space<vmem>> -> memref<1x128x128xf32, #tpu.memory_space<vmem>>
          %dma_wait3A_156 = tpu.memref_squeeze %dma_wait3A_155 : memref<1x128x128xf32, #tpu.memory_space<vmem>> -> memref<128x128xf32, #tpu.memory_space<vmem>>
          %dma_wait3A_157 = arith.constant 0 : i32
          %dma_wait3A_158 = tpu.memref_slice %arg5[%run_scoped3A_134, %run_scoped3A_135, %dma_wait3A_157] : memref<2x2x128xi32, #tpu.memory_space<vmem>> -> memref<1x1x128xi32, #tpu.memory_space<vmem>>
          %dma_wait3A_159 = tpu.memref_squeeze %dma_wait3A_158 : memref<1x1x128xi32, #tpu.memory_space<vmem>> -> memref<128xi32, #tpu.memory_space<vmem>>
          %dma_wait3A_160 = arith.constant 0 : i32
          %dma_wait3A_161 = arith.constant 0 : i32
          %dma_wait3A_162 = tpu.memref_slice %arg7[%dma_wait3A_160, %dma_wait3A_161] : memref<10240x128xf32, #tpu.memory_space<vmem_shared>> -> memref<10240x128xf32, #tpu.memory_space<vmem_shared>>
          tpu.wait_indirect_dma semaphore(%run_scoped3A_142 : memref<!tpu.dma_semaphore, #tpu.memory_space<semaphore_mem>>) src(%dma_wait3A_156 : memref<128x128xf32, #tpu.memory_space<vmem>>) dst(%dma_wait3A_162 : memref<10240x128xf32, #tpu.memory_space<vmem_shared>>)
          tpu.yield
        }) : () -> ()
        %add3A_136 = arith.constant 2 : i32
        %add3A_137 = arith.addi %add3A_109, %add3A_136 : i32
        %lt3A_138 = arith.cmpi slt, %add3A_137, %select_n3A : i32
        %convert_element_type3A_139 = arith.extui %lt3A_138 : i1 to i32
        %cond3A_140 = arith.constant 0 : i32
        %cond3A_141 = arith.cmpi ne, %convert_element_type3A_139, %cond3A_140 : i32
        scf.if %cond3A_141 {
          %add3A_142 = arith.addi %select_n3A_8, %add3A_109 : i32
          %add3A_143 = arith.constant 2 : i32
          %add3A_144 = arith.addi %add3A_142, %add3A_143 : i32
          %dma_start3A_145 = arith.constant 1 : i32
          %dma_start3A_146 = arith.constant 0 : i32
          %dma_start3A_147 = arith.constant 0 : i32
          %dma_start3A_148 = tpu.memref_slice %arg5[%dma_start3A_145, %dma_start3A_146, %dma_start3A_147] : memref<2x2x128xi32, #tpu.memory_space<vmem>> -> memref<1x2x128xi32, #tpu.memory_space<vmem>>
          %dma_start3A_149 = tpu.memref_squeeze %dma_start3A_148 : memref<1x2x128xi32, #tpu.memory_space<vmem>> -> memref<2x128xi32, #tpu.memory_space<vmem>>
          %dma_start3A_150 = arith.constant 0 : i32
          %dma_start3A_151 = arith.constant 0 : i32
          %dma_start3A_152 = tpu.memref_slice %arg3[%add3A_144, %dma_start3A_150, %dma_start3A_151] : memref<2528x2x128xi32, #tpu.memory_space<hbm>> -> memref<1x2x128xi32, #tpu.memory_space<hbm>>
          %dma_start3A_153 = tpu.memref_squeeze %dma_start3A_152 : memref<1x2x128xi32, #tpu.memory_space<hbm>> -> memref<2x128xi32, #tpu.memory_space<hbm>>
          %dma_start3A_154 = arith.constant 0 : i32
          %dma_start3A_155 = arith.constant 0 : i32
          %dma_start3A_156 = tpu.memref_slice %arg5[%dma_start3A_145, %dma_start3A_154, %dma_start3A_155] : memref<2x2x128xi32, #tpu.memory_space<vmem>> -> memref<1x2x128xi32, #tpu.memory_space<vmem>>
          %dma_start3A_157 = tpu.memref_squeeze %dma_start3A_156 : memref<1x2x128xi32, #tpu.memory_space<vmem>> -> memref<2x128xi32, #tpu.memory_space<vmem>>
          %dma_start3A_158 = arith.constant 0 : i32
          %dma_start3A_159 = arith.constant 0 : i32
          %dma_start3A_160 = tpu.memref_slice %arg3[%add3A_144, %dma_start3A_158, %dma_start3A_159] : memref<2528x2x128xi32, #tpu.memory_space<hbm>> -> memref<1x2x128xi32, #tpu.memory_space<hbm>>
          %dma_start3A_161 = tpu.memref_squeeze %dma_start3A_160 : memref<1x2x128xi32, #tpu.memory_space<hbm>> -> memref<2x128xi32, #tpu.memory_space<hbm>>
          tpu.enqueue_dma source(%dma_start3A_161 : memref<2x128xi32, #tpu.memory_space<hbm>>) target(%dma_start3A_157 : memref<2x128xi32, #tpu.memory_space<vmem>>) target_semaphore(%arg9 : memref<!tpu.dma_semaphore, #tpu.memory_space<semaphore_mem>>)
        } else {
        }
      } else {
      }
    }
    %scan3A_98 = arith.constant 79 : i32
    %barrier3A_99 = arith.constant 0 : index
    tpu.barrier barrier_id(%barrier3A_99)
    "tpu.region"() ({
      %run_scoped3A_100 = tpu.sem_alloc : memref<!tpu.dma_semaphore, #tpu.memory_space<semaphore_mem>>
      %dma_start3A_101 = arith.constant 0 : i32
      %dma_start3A_102 = tpu.memref_slice %arg4[%arg0, %mul3A_50, %dma_start3A_101] : memref<2x10240x128xf32, #tpu.memory_space<hbm>> -> memref<1x640x128xf32, #tpu.memory_space<hbm>>
      %dma_start3A_103 = tpu.memref_squeeze %dma_start3A_102 : memref<1x640x128xf32, #tpu.memory_space<hbm>> -> memref<640x128xf32, #tpu.memory_space<hbm>>
      %dma_start3A_104 = arith.constant 0 : i32
      %dma_start3A_105 = tpu.memref_slice %arg7[%mul3A_50, %dma_start3A_104] : memref<10240x128xf32, #tpu.memory_space<vmem_shared>> -> memref<640x128xf32, #tpu.memory_space<vmem_shared>>
      tpu.enqueue_dma source(%dma_start3A_105 : memref<640x128xf32, #tpu.memory_space<vmem_shared>>) target(%dma_start3A_103 : memref<640x128xf32, #tpu.memory_space<hbm>>) target_semaphore(%run_scoped3A_100 : memref<!tpu.dma_semaphore, #tpu.memory_space<semaphore_mem>>)
      %dma_wait3A_106 = arith.constant 0 : i32
      %dma_wait3A_107 = tpu.memref_slice %arg4[%arg0, %mul3A_50, %dma_wait3A_106] : memref<2x10240x128xf32, #tpu.memory_space<hbm>> -> memref<1x640x128xf32, #tpu.memory_space<hbm>>
      %dma_wait3A_108 = tpu.memref_squeeze %dma_wait3A_107 : memref<1x640x128xf32, #tpu.memory_space<hbm>> -> memref<640x128xf32, #tpu.memory_space<hbm>>
      %dma_wait3A_109 = arith.constant 0 : i32
      %dma_wait3A_110 = tpu.memref_slice %arg7[%mul3A_50, %dma_wait3A_109] : memref<10240x128xf32, #tpu.memory_space<vmem_shared>> -> memref<640x128xf32, #tpu.memory_space<vmem_shared>>
      tpu.wait_dma2 semaphore(%run_scoped3A_100 : memref<!tpu.dma_semaphore, #tpu.memory_space<semaphore_mem>>) src(%dma_wait3A_110 : memref<640x128xf32, #tpu.memory_space<vmem_shared>>) dst(%dma_wait3A_108 : memref<640x128xf32, #tpu.memory_space<hbm>>)
      tpu.yield
    }) : () -> ()
    return
  }
}

#map = affine_map<(d0, d1) -> (0, 0)>
#map1 = affine_map<(d0, d1) -> (0, 0, 0)>
module attributes {stable_mosaic.version = 14 : i64} {
  func.func @_sc_agg_body(%arg0: i32, %arg1: i32, %arg2: memref<10240x128xf32, #tpu.memory_space<hbm>>, %arg3: memref<2528x2x128xi32, #tpu.memory_space<hbm>>, %arg4: memref<2x10240x128xf32, #tpu.memory_space<hbm>>, %arg5: memref<2x2x128xi32, #tpu.memory_space<vmem>>, %arg6: memref<2x128x128xf32, #tpu.memory_space<vmem>>, %arg7: memref<10240x128xf32, #tpu.memory_space<vmem_shared>>, %arg8: memref<!tpu.dma_semaphore, #tpu.memory_space<semaphore_mem>>, %arg9: memref<!tpu.dma_semaphore, #tpu.memory_space<semaphore_mem>>, %arg10: memref<!tpu.dma_semaphore, #tpu.memory_space<semaphore_mem>>, %arg11: memref<!tpu.dma_semaphore, #tpu.memory_space<semaphore_mem>>) attributes {dimension_semantics = [#tpu.dimension_semantics<core_parallel>, #tpu.dimension_semantics<subcore_parallel>], iteration_bounds = array<i64: 2, 16>, scalar_prefetch = 0 : i64, scratch_operands = 7 : i64, tpu.core_type = #tpu.core_type<sc_vector_subcore>, window_params = [{transform_indices = #map}, {transform_indices = #map1}, {transform_indices = #map1}]} {
    %eq3A = arith.constant 0 : i32
    %eq3A_0 = arith.cmpi eq, %arg0, %eq3A : i32
    %jit3A = arith.constant 112 : i32
    %jit3A_1 = arith.constant 46 : i32
    %select_n3A = arith.select %eq3A_0, %jit3A, %jit3A_1 : i32
    %eq3A_2 = arith.constant 0 : i32
    %eq3A_3 = arith.cmpi eq, %arg0, %eq3A_2 : i32
    %mul3A = arith.constant 112 : i32
    %mul3A_4 = arith.muli %arg1, %mul3A : i32
    %mul3A_5 = arith.constant 46 : i32
    %mul3A_6 = arith.muli %arg1, %mul3A_5 : i32
    %add3A = arith.constant 1792 : i32
    %add3A_7 = arith.addi %add3A, %mul3A_6 : i32
    %select_n3A_8 = arith.select %eq3A_3, %mul3A_4, %add3A_7 : i32
    %dma_start3A = arith.constant 0 : i32
    %dma_start3A_9 = arith.constant 0 : i32
    %dma_start3A_10 = arith.constant 0 : i32
    %dma_start3A_11 = tpu.memref_slice %arg5[%dma_start3A, %dma_start3A_9, %dma_start3A_10] : memref<2x2x128xi32, #tpu.memory_space<vmem>> -> memref<1x2x128xi32, #tpu.memory_space<vmem>>
    %dma_start3A_12 = tpu.memref_squeeze %dma_start3A_11 : memref<1x2x128xi32, #tpu.memory_space<vmem>> -> memref<2x128xi32, #tpu.memory_space<vmem>>
    %dma_start3A_13 = arith.constant 0 : i32
    %dma_start3A_14 = arith.constant 0 : i32
    %dma_start3A_15 = tpu.memref_slice %arg3[%select_n3A_8, %dma_start3A_13, %dma_start3A_14] : memref<2528x2x128xi32, #tpu.memory_space<hbm>> -> memref<1x2x128xi32, #tpu.memory_space<hbm>>
    %dma_start3A_16 = tpu.memref_squeeze %dma_start3A_15 : memref<1x2x128xi32, #tpu.memory_space<hbm>> -> memref<2x128xi32, #tpu.memory_space<hbm>>
    %dma_start3A_17 = arith.constant 0 : i32
    %dma_start3A_18 = arith.constant 0 : i32
    %dma_start3A_19 = tpu.memref_slice %arg5[%dma_start3A, %dma_start3A_17, %dma_start3A_18] : memref<2x2x128xi32, #tpu.memory_space<vmem>> -> memref<1x2x128xi32, #tpu.memory_space<vmem>>
    %dma_start3A_20 = tpu.memref_squeeze %dma_start3A_19 : memref<1x2x128xi32, #tpu.memory_space<vmem>> -> memref<2x128xi32, #tpu.memory_space<vmem>>
    %dma_start3A_21 = arith.constant 0 : i32
    %dma_start3A_22 = arith.constant 0 : i32
    %dma_start3A_23 = tpu.memref_slice %arg3[%select_n3A_8, %dma_start3A_21, %dma_start3A_22] : memref<2528x2x128xi32, #tpu.memory_space<hbm>> -> memref<1x2x128xi32, #tpu.memory_space<hbm>>
    %dma_start3A_24 = tpu.memref_squeeze %dma_start3A_23 : memref<1x2x128xi32, #tpu.memory_space<hbm>> -> memref<2x128xi32, #tpu.memory_space<hbm>>
    tpu.enqueue_dma source(%dma_start3A_24 : memref<2x128xi32, #tpu.memory_space<hbm>>) target(%dma_start3A_20 : memref<2x128xi32, #tpu.memory_space<vmem>>) target_semaphore(%arg8 : memref<!tpu.dma_semaphore, #tpu.memory_space<semaphore_mem>>)
    %add3A_25 = arith.constant 1 : i32
    %add3A_26 = arith.addi %select_n3A_8, %add3A_25 : i32
    %dma_start3A_27 = arith.constant 1 : i32
    %dma_start3A_28 = arith.constant 0 : i32
    %dma_start3A_29 = arith.constant 0 : i32
    %dma_start3A_30 = tpu.memref_slice %arg5[%dma_start3A_27, %dma_start3A_28, %dma_start3A_29] : memref<2x2x128xi32, #tpu.memory_space<vmem>> -> memref<1x2x128xi32, #tpu.memory_space<vmem>>
    %dma_start3A_31 = tpu.memref_squeeze %dma_start3A_30 : memref<1x2x128xi32, #tpu.memory_space<vmem>> -> memref<2x128xi32, #tpu.memory_space<vmem>>
    %dma_start3A_32 = arith.constant 0 : i32
    %dma_start3A_33 = arith.constant 0 : i32
    %dma_start3A_34 = tpu.memref_slice %arg3[%add3A_26, %dma_start3A_32, %dma_start3A_33] : memref<2528x2x128xi32, #tpu.memory_space<hbm>> -> memref<1x2x128xi32, #tpu.memory_space<hbm>>
    %dma_start3A_35 = tpu.memref_squeeze %dma_start3A_34 : memref<1x2x128xi32, #tpu.memory_space<hbm>> -> memref<2x128xi32, #tpu.memory_space<hbm>>
    %dma_start3A_36 = arith.constant 0 : i32
    %dma_start3A_37 = arith.constant 0 : i32
    %dma_start3A_38 = tpu.memref_slice %arg5[%dma_start3A_27, %dma_start3A_36, %dma_start3A_37] : memref<2x2x128xi32, #tpu.memory_space<vmem>> -> memref<1x2x128xi32, #tpu.memory_space<vmem>>
    %dma_start3A_39 = tpu.memref_squeeze %dma_start3A_38 : memref<1x2x128xi32, #tpu.memory_space<vmem>> -> memref<2x128xi32, #tpu.memory_space<vmem>>
    %dma_start3A_40 = arith.constant 0 : i32
    %dma_start3A_41 = arith.constant 0 : i32
    %dma_start3A_42 = tpu.memref_slice %arg3[%add3A_26, %dma_start3A_40, %dma_start3A_41] : memref<2528x2x128xi32, #tpu.memory_space<hbm>> -> memref<1x2x128xi32, #tpu.memory_space<hbm>>
    %dma_start3A_43 = tpu.memref_squeeze %dma_start3A_42 : memref<1x2x128xi32, #tpu.memory_space<hbm>> -> memref<2x128xi32, #tpu.memory_space<hbm>>
    tpu.enqueue_dma source(%dma_start3A_43 : memref<2x128xi32, #tpu.memory_space<hbm>>) target(%dma_start3A_39 : memref<2x128xi32, #tpu.memory_space<vmem>>) target_semaphore(%arg9 : memref<!tpu.dma_semaphore, #tpu.memory_space<semaphore_mem>>)
    %broadcast_in_dim3A = arith.constant 0.000000e+00 : f32
    %broadcast_in_dim3A_44 = vector.broadcast %broadcast_in_dim3A : f32 to vector<16xf32>
    %scan3A = arith.constant 0 : i32
    %scan3A_45 = arith.constant 128 : i32
    %scan3A_46 = arith.addi %scan3A, %scan3A_45 : i32
    %scan3A_47 = arith.constant 1 : i32
    scf.for %scan3A_100 = %scan3A to %scan3A_46 step %scan3A_47  : i32 {
      %mul3A_101 = arith.constant 1 : i32
      %mul3A_102 = arith.muli %scan3A_100, %mul3A_101 : i32
      %add3A_103 = arith.constant 0 : i32
      %add3A_104 = arith.addi %add3A_103, %mul3A_102 : i32
      %swap3A = arith.constant 0 : i32
      %swap3A_105 = arith.index_cast %swap3A : i32 to index
      %swap3A_106 = arith.index_cast %add3A_104 : i32 to index
      %swap3A_107 = arith.constant 0 : index
      %swap3A_108 = tpu.vector_load %arg6[%swap3A_105, %swap3A_106, %swap3A_107] {strides = array<i32>} : memref<2x128x128xf32, #tpu.memory_space<vmem>>, vector<1x1x16xf32>,
      %swap3A_109 = vector.shape_cast %swap3A_108 : vector<1x1x16xf32> to vector<16xf32>
      %swap3A_110 = vector.shape_cast %broadcast_in_dim3A_44 : vector<16xf32> to vector<1x1x16xf32>
      tpu.vector_store %arg6[%swap3A_105, %swap3A_106, %swap3A_107], %swap3A_110 {strides = array<i32>} : memref<2x128x128xf32, #tpu.memory_space<vmem>>, vector<1x1x16xf32>,
      %swap3A_111 = arith.constant 0 : i32
      %swap3A_112 = arith.index_cast %swap3A_111 : i32 to index
      %swap3A_113 = arith.index_cast %add3A_104 : i32 to index
      %swap3A_114 = arith.constant 16 : index
      %swap3A_115 = tpu.vector_load %arg6[%swap3A_112, %swap3A_113, %swap3A_114] {strides = array<i32>} : memref<2x128x128xf32, #tpu.memory_space<vmem>>, vector<1x1x16xf32>,
      %swap3A_116 = vector.shape_cast %swap3A_115 : vector<1x1x16xf32> to vector<16xf32>
      %swap3A_117 = vector.shape_cast %broadcast_in_dim3A_44 : vector<16xf32> to vector<1x1x16xf32>
      tpu.vector_store %arg6[%swap3A_112, %swap3A_113, %swap3A_114], %swap3A_117 {strides = array<i32>} : memref<2x128x128xf32, #tpu.memory_space<vmem>>, vector<1x1x16xf32>,
      %swap3A_118 = arith.constant 0 : i32
      %swap3A_119 = arith.index_cast %swap3A_118 : i32 to index
      %swap3A_120 = arith.index_cast %add3A_104 : i32 to index
      %swap3A_121 = arith.constant 32 : index
      %swap3A_122 = tpu.vector_load %arg6[%swap3A_119, %swap3A_120, %swap3A_121] {strides = array<i32>} : memref<2x128x128xf32, #tpu.memory_space<vmem>>, vector<1x1x16xf32>,
      %swap3A_123 = vector.shape_cast %swap3A_122 : vector<1x1x16xf32> to vector<16xf32>
      %swap3A_124 = vector.shape_cast %broadcast_in_dim3A_44 : vector<16xf32> to vector<1x1x16xf32>
      tpu.vector_store %arg6[%swap3A_119, %swap3A_120, %swap3A_121], %swap3A_124 {strides = array<i32>} : memref<2x128x128xf32, #tpu.memory_space<vmem>>, vector<1x1x16xf32>,
      %swap3A_125 = arith.constant 0 : i32
      %swap3A_126 = arith.index_cast %swap3A_125 : i32 to index
      %swap3A_127 = arith.index_cast %add3A_104 : i32 to index
      %swap3A_128 = arith.constant 48 : index
      %swap3A_129 = tpu.vector_load %arg6[%swap3A_126, %swap3A_127, %swap3A_128] {strides = array<i32>} : memref<2x128x128xf32, #tpu.memory_space<vmem>>, vector<1x1x16xf32>,
      %swap3A_130 = vector.shape_cast %swap3A_129 : vector<1x1x16xf32> to vector<16xf32>
      %swap3A_131 = vector.shape_cast %broadcast_in_dim3A_44 : vector<16xf32> to vector<1x1x16xf32>
      tpu.vector_store %arg6[%swap3A_126, %swap3A_127, %swap3A_128], %swap3A_131 {strides = array<i32>} : memref<2x128x128xf32, #tpu.memory_space<vmem>>, vector<1x1x16xf32>,
      %swap3A_132 = arith.constant 0 : i32
      %swap3A_133 = arith.index_cast %swap3A_132 : i32 to index
      %swap3A_134 = arith.index_cast %add3A_104 : i32 to index
      %swap3A_135 = arith.constant 64 : index
      %swap3A_136 = tpu.vector_load %arg6[%swap3A_133, %swap3A_134, %swap3A_135] {strides = array<i32>} : memref<2x128x128xf32, #tpu.memory_space<vmem>>, vector<1x1x16xf32>,
      %swap3A_137 = vector.shape_cast %swap3A_136 : vector<1x1x16xf32> to vector<16xf32>
      %swap3A_138 = vector.shape_cast %broadcast_in_dim3A_44 : vector<16xf32> to vector<1x1x16xf32>
      tpu.vector_store %arg6[%swap3A_133, %swap3A_134, %swap3A_135], %swap3A_138 {strides = array<i32>} : memref<2x128x128xf32, #tpu.memory_space<vmem>>, vector<1x1x16xf32>,
      %swap3A_139 = arith.constant 0 : i32
      %swap3A_140 = arith.index_cast %swap3A_139 : i32 to index
      %swap3A_141 = arith.index_cast %add3A_104 : i32 to index
      %swap3A_142 = arith.constant 80 : index
      %swap3A_143 = tpu.vector_load %arg6[%swap3A_140, %swap3A_141, %swap3A_142] {strides = array<i32>} : memref<2x128x128xf32, #tpu.memory_space<vmem>>, vector<1x1x16xf32>,
      %swap3A_144 = vector.shape_cast %swap3A_143 : vector<1x1x16xf32> to vector<16xf32>
      %swap3A_145 = vector.shape_cast %broadcast_in_dim3A_44 : vector<16xf32> to vector<1x1x16xf32>
      tpu.vector_store %arg6[%swap3A_140, %swap3A_141, %swap3A_142], %swap3A_145 {strides = array<i32>} : memref<2x128x128xf32, #tpu.memory_space<vmem>>, vector<1x1x16xf32>,
      %swap3A_146 = arith.constant 0 : i32
      %swap3A_147 = arith.index_cast %swap3A_146 : i32 to index
      %swap3A_148 = arith.index_cast %add3A_104 : i32 to index
      %swap3A_149 = arith.constant 96 : index
      %swap3A_150 = tpu.vector_load %arg6[%swap3A_147, %swap3A_148, %swap3A_149] {strides = array<i32>} : memref<2x128x128xf32, #tpu.memory_space<vmem>>, vector<1x1x16xf32>,
      %swap3A_151 = vector.shape_cast %swap3A_150 : vector<1x1x16xf32> to vector<16xf32>
      %swap3A_152 = vector.shape_cast %broadcast_in_dim3A_44 : vector<16xf32> to vector<1x1x16xf32>
      tpu.vector_store %arg6[%swap3A_147, %swap3A_148, %swap3A_149], %swap3A_152 {strides = array<i32>} : memref<2x128x128xf32, #tpu.memory_space<vmem>>, vector<1x1x16xf32>,
      %swap3A_153 = arith.constant 0 : i32
      %swap3A_154 = arith.index_cast %swap3A_153 : i32 to index
      %swap3A_155 = arith.index_cast %add3A_104 : i32 to index
      %swap3A_156 = arith.constant 112 : index
      %swap3A_157 = tpu.vector_load %arg6[%swap3A_154, %swap3A_155, %swap3A_156] {strides = array<i32>} : memref<2x128x128xf32, #tpu.memory_space<vmem>>, vector<1x1x16xf32>,
      %swap3A_158 = vector.shape_cast %swap3A_157 : vector<1x1x16xf32> to vector<16xf32>
      %swap3A_159 = vector.shape_cast %broadcast_in_dim3A_44 : vector<16xf32> to vector<1x1x16xf32>
      tpu.vector_store %arg6[%swap3A_154, %swap3A_155, %swap3A_156], %swap3A_159 {strides = array<i32>} : memref<2x128x128xf32, #tpu.memory_space<vmem>>, vector<1x1x16xf32>,
    }
    %scan3A_48 = arith.constant 128 : i32
    %mul3A_49 = arith.constant 640 : i32
    %mul3A_50 = arith.muli %arg1, %mul3A_49 : i32
    %add3A_51 = arith.constant 0 : i32
    %add3A_52 = arith.addi %mul3A_50, %add3A_51 : i32
    %run_scoped3A = arith.constant 0 : i32
    "tpu.region"() ({
      %run_scoped3A_100 = tpu.sem_alloc : memref<!tpu.dma_semaphore, #tpu.memory_space<semaphore_mem>>
      %dma_start3A_101 = arith.constant 0 : i32
      %dma_start3A_102 = arith.constant 0 : i32
      %dma_start3A_103 = tpu.memref_slice %arg6[%run_scoped3A, %dma_start3A_101, %dma_start3A_102] : memref<2x128x128xf32, #tpu.memory_space<vmem>> -> memref<1x128x128xf32, #tpu.memory_space<vmem>>
      %dma_start3A_104 = tpu.memref_squeeze %dma_start3A_103 : memref<1x128x128xf32, #tpu.memory_space<vmem>> -> memref<128x128xf32, #tpu.memory_space<vmem>>
      %dma_start3A_105 = arith.constant 0 : i32
      %dma_start3A_106 = tpu.memref_slice %arg7[%add3A_52, %dma_start3A_105] : memref<10240x128xf32, #tpu.memory_space<vmem_shared>> -> memref<128x128xf32, #tpu.memory_space<vmem_shared>>
      %dma_start3A_107 = arith.constant 0 : i32
      %dma_start3A_108 = tpu.memref_slice %arg7[%add3A_52, %dma_start3A_107] : memref<10240x128xf32, #tpu.memory_space<vmem_shared>> -> memref<128x128xf32, #tpu.memory_space<vmem_shared>>
      %dma_start3A_109 = arith.constant 0 : i32
      %dma_start3A_110 = arith.constant 0 : i32
      %dma_start3A_111 = tpu.memref_slice %arg6[%run_scoped3A, %dma_start3A_109, %dma_start3A_110] : memref<2x128x128xf32, #tpu.memory_space<vmem>> -> memref<1x128x128xf32, #tpu.memory_space<vmem>>
      %dma_start3A_112 = tpu.memref_squeeze %dma_start3A_111 : memref<1x128x128xf32, #tpu.memory_space<vmem>> -> memref<128x128xf32, #tpu.memory_space<vmem>>
      tpu.enqueue_dma source(%dma_start3A_112 : memref<128x128xf32, #tpu.memory_space<vmem>>) target(%dma_start3A_108 : memref<128x128xf32, #tpu.memory_space<vmem_shared>>) target_semaphore(%run_scoped3A_100 : memref<!tpu.dma_semaphore, #tpu.memory_space<semaphore_mem>>)
      %dma_wait3A_113 = arith.constant 0 : i32
      %dma_wait3A_114 = arith.constant 0 : i32
      %dma_wait3A_115 = tpu.memref_slice %arg6[%run_scoped3A, %dma_wait3A_113, %dma_wait3A_114] : memref<2x128x128xf32, #tpu.memory_space<vmem>> -> memref<1x128x128xf32, #tpu.memory_space<vmem>>
      %dma_wait3A_116 = tpu.memref_squeeze %dma_wait3A_115 : memref<1x128x128xf32, #tpu.memory_space<vmem>> -> memref<128x128xf32, #tpu.memory_space<vmem>>
      %dma_wait3A_117 = arith.constant 0 : i32
      %dma_wait3A_118 = tpu.memref_slice %arg7[%add3A_52, %dma_wait3A_117] : memref<10240x128xf32, #tpu.memory_space<vmem_shared>> -> memref<128x128xf32, #tpu.memory_space<vmem_shared>>
      %dma_wait3A_119 = arith.constant 0 : i32
      %dma_wait3A_120 = tpu.memref_slice %arg7[%add3A_52, %dma_wait3A_119] : memref<10240x128xf32, #tpu.memory_space<vmem_shared>> -> memref<128x128xf32, #tpu.memory_space<vmem_shared>>
      %dma_wait3A_121 = arith.constant 0 : i32
      %dma_wait3A_122 = arith.constant 0 : i32
      %dma_wait3A_123 = tpu.memref_slice %arg6[%run_scoped3A, %dma_wait3A_121, %dma_wait3A_122] : memref<2x128x128xf32, #tpu.memory_space<vmem>> -> memref<1x128x128xf32, #tpu.memory_space<vmem>>
      %dma_wait3A_124 = tpu.memref_squeeze %dma_wait3A_123 : memref<1x128x128xf32, #tpu.memory_space<vmem>> -> memref<128x128xf32, #tpu.memory_space<vmem>>
      tpu.wait_dma2 semaphore(%run_scoped3A_100 : memref<!tpu.dma_semaphore, #tpu.memory_space<semaphore_mem>>) src(%dma_wait3A_124 : memref<128x128xf32, #tpu.memory_space<vmem>>) dst(%dma_wait3A_120 : memref<128x128xf32, #tpu.memory_space<vmem_shared>>)
      tpu.yield
    }) : () -> ()
    %add3A_53 = arith.constant 128 : i32
    %add3A_54 = arith.addi %mul3A_50, %add3A_53 : i32
    %run_scoped3A_55 = arith.constant 0 : i32
    "tpu.region"() ({
      %run_scoped3A_100 = tpu.sem_alloc : memref<!tpu.dma_semaphore, #tpu.memory_space<semaphore_mem>>
      %dma_start3A_101 = arith.constant 0 : i32
      %dma_start3A_102 = arith.constant 0 : i32
      %dma_start3A_103 = tpu.memref_slice %arg6[%run_scoped3A_55, %dma_start3A_101, %dma_start3A_102] : memref<2x128x128xf32, #tpu.memory_space<vmem>> -> memref<1x128x128xf32, #tpu.memory_space<vmem>>
      %dma_start3A_104 = tpu.memref_squeeze %dma_start3A_103 : memref<1x128x128xf32, #tpu.memory_space<vmem>> -> memref<128x128xf32, #tpu.memory_space<vmem>>
      %dma_start3A_105 = arith.constant 0 : i32
      %dma_start3A_106 = tpu.memref_slice %arg7[%add3A_54, %dma_start3A_105] : memref<10240x128xf32, #tpu.memory_space<vmem_shared>> -> memref<128x128xf32, #tpu.memory_space<vmem_shared>>
      %dma_start3A_107 = arith.constant 0 : i32
      %dma_start3A_108 = tpu.memref_slice %arg7[%add3A_54, %dma_start3A_107] : memref<10240x128xf32, #tpu.memory_space<vmem_shared>> -> memref<128x128xf32, #tpu.memory_space<vmem_shared>>
      %dma_start3A_109 = arith.constant 0 : i32
      %dma_start3A_110 = arith.constant 0 : i32
      %dma_start3A_111 = tpu.memref_slice %arg6[%run_scoped3A_55, %dma_start3A_109, %dma_start3A_110] : memref<2x128x128xf32, #tpu.memory_space<vmem>> -> memref<1x128x128xf32, #tpu.memory_space<vmem>>
      %dma_start3A_112 = tpu.memref_squeeze %dma_start3A_111 : memref<1x128x128xf32, #tpu.memory_space<vmem>> -> memref<128x128xf32, #tpu.memory_space<vmem>>
      tpu.enqueue_dma source(%dma_start3A_112 : memref<128x128xf32, #tpu.memory_space<vmem>>) target(%dma_start3A_108 : memref<128x128xf32, #tpu.memory_space<vmem_shared>>) target_semaphore(%run_scoped3A_100 : memref<!tpu.dma_semaphore, #tpu.memory_space<semaphore_mem>>)
      %dma_wait3A_113 = arith.constant 0 : i32
      %dma_wait3A_114 = arith.constant 0 : i32
      %dma_wait3A_115 = tpu.memref_slice %arg6[%run_scoped3A_55, %dma_wait3A_113, %dma_wait3A_114] : memref<2x128x128xf32, #tpu.memory_space<vmem>> -> memref<1x128x128xf32, #tpu.memory_space<vmem>>
      %dma_wait3A_116 = tpu.memref_squeeze %dma_wait3A_115 : memref<1x128x128xf32, #tpu.memory_space<vmem>> -> memref<128x128xf32, #tpu.memory_space<vmem>>
      %dma_wait3A_117 = arith.constant 0 : i32
      %dma_wait3A_118 = tpu.memref_slice %arg7[%add3A_54, %dma_wait3A_117] : memref<10240x128xf32, #tpu.memory_space<vmem_shared>> -> memref<128x128xf32, #tpu.memory_space<vmem_shared>>
      %dma_wait3A_119 = arith.constant 0 : i32
      %dma_wait3A_120 = tpu.memref_slice %arg7[%add3A_54, %dma_wait3A_119] : memref<10240x128xf32, #tpu.memory_space<vmem_shared>> -> memref<128x128xf32, #tpu.memory_space<vmem_shared>>
      %dma_wait3A_121 = arith.constant 0 : i32
      %dma_wait3A_122 = arith.constant 0 : i32
      %dma_wait3A_123 = tpu.memref_slice %arg6[%run_scoped3A_55, %dma_wait3A_121, %dma_wait3A_122] : memref<2x128x128xf32, #tpu.memory_space<vmem>> -> memref<1x128x128xf32, #tpu.memory_space<vmem>>
      %dma_wait3A_124 = tpu.memref_squeeze %dma_wait3A_123 : memref<1x128x128xf32, #tpu.memory_space<vmem>> -> memref<128x128xf32, #tpu.memory_space<vmem>>
      tpu.wait_dma2 semaphore(%run_scoped3A_100 : memref<!tpu.dma_semaphore, #tpu.memory_space<semaphore_mem>>) src(%dma_wait3A_124 : memref<128x128xf32, #tpu.memory_space<vmem>>) dst(%dma_wait3A_120 : memref<128x128xf32, #tpu.memory_space<vmem_shared>>)
      tpu.yield
    }) : () -> ()
    %add3A_56 = arith.constant 256 : i32
    %add3A_57 = arith.addi %mul3A_50, %add3A_56 : i32
    %run_scoped3A_58 = arith.constant 0 : i32
    "tpu.region"() ({
      %run_scoped3A_100 = tpu.sem_alloc : memref<!tpu.dma_semaphore, #tpu.memory_space<semaphore_mem>>
      %dma_start3A_101 = arith.constant 0 : i32
      %dma_start3A_102 = arith.constant 0 : i32
      %dma_start3A_103 = tpu.memref_slice %arg6[%run_scoped3A_58, %dma_start3A_101, %dma_start3A_102] : memref<2x128x128xf32, #tpu.memory_space<vmem>> -> memref<1x128x128xf32, #tpu.memory_space<vmem>>
      %dma_start3A_104 = tpu.memref_squeeze %dma_start3A_103 : memref<1x128x128xf32, #tpu.memory_space<vmem>> -> memref<128x128xf32, #tpu.memory_space<vmem>>
      %dma_start3A_105 = arith.constant 0 : i32
      %dma_start3A_106 = tpu.memref_slice %arg7[%add3A_57, %dma_start3A_105] : memref<10240x128xf32, #tpu.memory_space<vmem_shared>> -> memref<128x128xf32, #tpu.memory_space<vmem_shared>>
      %dma_start3A_107 = arith.constant 0 : i32
      %dma_start3A_108 = tpu.memref_slice %arg7[%add3A_57, %dma_start3A_107] : memref<10240x128xf32, #tpu.memory_space<vmem_shared>> -> memref<128x128xf32, #tpu.memory_space<vmem_shared>>
      %dma_start3A_109 = arith.constant 0 : i32
      %dma_start3A_110 = arith.constant 0 : i32
      %dma_start3A_111 = tpu.memref_slice %arg6[%run_scoped3A_58, %dma_start3A_109, %dma_start3A_110] : memref<2x128x128xf32, #tpu.memory_space<vmem>> -> memref<1x128x128xf32, #tpu.memory_space<vmem>>
      %dma_start3A_112 = tpu.memref_squeeze %dma_start3A_111 : memref<1x128x128xf32, #tpu.memory_space<vmem>> -> memref<128x128xf32, #tpu.memory_space<vmem>>
      tpu.enqueue_dma source(%dma_start3A_112 : memref<128x128xf32, #tpu.memory_space<vmem>>) target(%dma_start3A_108 : memref<128x128xf32, #tpu.memory_space<vmem_shared>>) target_semaphore(%run_scoped3A_100 : memref<!tpu.dma_semaphore, #tpu.memory_space<semaphore_mem>>)
      %dma_wait3A_113 = arith.constant 0 : i32
      %dma_wait3A_114 = arith.constant 0 : i32
      %dma_wait3A_115 = tpu.memref_slice %arg6[%run_scoped3A_58, %dma_wait3A_113, %dma_wait3A_114] : memref<2x128x128xf32, #tpu.memory_space<vmem>> -> memref<1x128x128xf32, #tpu.memory_space<vmem>>
      %dma_wait3A_116 = tpu.memref_squeeze %dma_wait3A_115 : memref<1x128x128xf32, #tpu.memory_space<vmem>> -> memref<128x128xf32, #tpu.memory_space<vmem>>
      %dma_wait3A_117 = arith.constant 0 : i32
      %dma_wait3A_118 = tpu.memref_slice %arg7[%add3A_57, %dma_wait3A_117] : memref<10240x128xf32, #tpu.memory_space<vmem_shared>> -> memref<128x128xf32, #tpu.memory_space<vmem_shared>>
      %dma_wait3A_119 = arith.constant 0 : i32
      %dma_wait3A_120 = tpu.memref_slice %arg7[%add3A_57, %dma_wait3A_119] : memref<10240x128xf32, #tpu.memory_space<vmem_shared>> -> memref<128x128xf32, #tpu.memory_space<vmem_shared>>
      %dma_wait3A_121 = arith.constant 0 : i32
      %dma_wait3A_122 = arith.constant 0 : i32
      %dma_wait3A_123 = tpu.memref_slice %arg6[%run_scoped3A_58, %dma_wait3A_121, %dma_wait3A_122] : memref<2x128x128xf32, #tpu.memory_space<vmem>> -> memref<1x128x128xf32, #tpu.memory_space<vmem>>
      %dma_wait3A_124 = tpu.memref_squeeze %dma_wait3A_123 : memref<1x128x128xf32, #tpu.memory_space<vmem>> -> memref<128x128xf32, #tpu.memory_space<vmem>>
      tpu.wait_dma2 semaphore(%run_scoped3A_100 : memref<!tpu.dma_semaphore, #tpu.memory_space<semaphore_mem>>) src(%dma_wait3A_124 : memref<128x128xf32, #tpu.memory_space<vmem>>) dst(%dma_wait3A_120 : memref<128x128xf32, #tpu.memory_space<vmem_shared>>)
      tpu.yield
    }) : () -> ()
    %add3A_59 = arith.constant 384 : i32
    %add3A_60 = arith.addi %mul3A_50, %add3A_59 : i32
    %run_scoped3A_61 = arith.constant 0 : i32
    "tpu.region"() ({
      %run_scoped3A_100 = tpu.sem_alloc : memref<!tpu.dma_semaphore, #tpu.memory_space<semaphore_mem>>
      %dma_start3A_101 = arith.constant 0 : i32
      %dma_start3A_102 = arith.constant 0 : i32
      %dma_start3A_103 = tpu.memref_slice %arg6[%run_scoped3A_61, %dma_start3A_101, %dma_start3A_102] : memref<2x128x128xf32, #tpu.memory_space<vmem>> -> memref<1x128x128xf32, #tpu.memory_space<vmem>>
      %dma_start3A_104 = tpu.memref_squeeze %dma_start3A_103 : memref<1x128x128xf32, #tpu.memory_space<vmem>> -> memref<128x128xf32, #tpu.memory_space<vmem>>
      %dma_start3A_105 = arith.constant 0 : i32
      %dma_start3A_106 = tpu.memref_slice %arg7[%add3A_60, %dma_start3A_105] : memref<10240x128xf32, #tpu.memory_space<vmem_shared>> -> memref<128x128xf32, #tpu.memory_space<vmem_shared>>
      %dma_start3A_107 = arith.constant 0 : i32
      %dma_start3A_108 = tpu.memref_slice %arg7[%add3A_60, %dma_start3A_107] : memref<10240x128xf32, #tpu.memory_space<vmem_shared>> -> memref<128x128xf32, #tpu.memory_space<vmem_shared>>
      %dma_start3A_109 = arith.constant 0 : i32
      %dma_start3A_110 = arith.constant 0 : i32
      %dma_start3A_111 = tpu.memref_slice %arg6[%run_scoped3A_61, %dma_start3A_109, %dma_start3A_110] : memref<2x128x128xf32, #tpu.memory_space<vmem>> -> memref<1x128x128xf32, #tpu.memory_space<vmem>>
      %dma_start3A_112 = tpu.memref_squeeze %dma_start3A_111 : memref<1x128x128xf32, #tpu.memory_space<vmem>> -> memref<128x128xf32, #tpu.memory_space<vmem>>
      tpu.enqueue_dma source(%dma_start3A_112 : memref<128x128xf32, #tpu.memory_space<vmem>>) target(%dma_start3A_108 : memref<128x128xf32, #tpu.memory_space<vmem_shared>>) target_semaphore(%run_scoped3A_100 : memref<!tpu.dma_semaphore, #tpu.memory_space<semaphore_mem>>)
      %dma_wait3A_113 = arith.constant 0 : i32
      %dma_wait3A_114 = arith.constant 0 : i32
      %dma_wait3A_115 = tpu.memref_slice %arg6[%run_scoped3A_61, %dma_wait3A_113, %dma_wait3A_114] : memref<2x128x128xf32, #tpu.memory_space<vmem>> -> memref<1x128x128xf32, #tpu.memory_space<vmem>>
      %dma_wait3A_116 = tpu.memref_squeeze %dma_wait3A_115 : memref<1x128x128xf32, #tpu.memory_space<vmem>> -> memref<128x128xf32, #tpu.memory_space<vmem>>
      %dma_wait3A_117 = arith.constant 0 : i32
      %dma_wait3A_118 = tpu.memref_slice %arg7[%add3A_60, %dma_wait3A_117] : memref<10240x128xf32, #tpu.memory_space<vmem_shared>> -> memref<128x128xf32, #tpu.memory_space<vmem_shared>>
      %dma_wait3A_119 = arith.constant 0 : i32
      %dma_wait3A_120 = tpu.memref_slice %arg7[%add3A_60, %dma_wait3A_119] : memref<10240x128xf32, #tpu.memory_space<vmem_shared>> -> memref<128x128xf32, #tpu.memory_space<vmem_shared>>
      %dma_wait3A_121 = arith.constant 0 : i32
      %dma_wait3A_122 = arith.constant 0 : i32
      %dma_wait3A_123 = tpu.memref_slice %arg6[%run_scoped3A_61, %dma_wait3A_121, %dma_wait3A_122] : memref<2x128x128xf32, #tpu.memory_space<vmem>> -> memref<1x128x128xf32, #tpu.memory_space<vmem>>
      %dma_wait3A_124 = tpu.memref_squeeze %dma_wait3A_123 : memref<1x128x128xf32, #tpu.memory_space<vmem>> -> memref<128x128xf32, #tpu.memory_space<vmem>>
      tpu.wait_dma2 semaphore(%run_scoped3A_100 : memref<!tpu.dma_semaphore, #tpu.memory_space<semaphore_mem>>) src(%dma_wait3A_124 : memref<128x128xf32, #tpu.memory_space<vmem>>) dst(%dma_wait3A_120 : memref<128x128xf32, #tpu.memory_space<vmem_shared>>)
      tpu.yield
    }) : () -> ()
    %add3A_62 = arith.constant 512 : i32
    %add3A_63 = arith.addi %mul3A_50, %add3A_62 : i32
    %run_scoped3A_64 = arith.constant 0 : i32
    "tpu.region"() ({
      %run_scoped3A_100 = tpu.sem_alloc : memref<!tpu.dma_semaphore, #tpu.memory_space<semaphore_mem>>
      %dma_start3A_101 = arith.constant 0 : i32
      %dma_start3A_102 = arith.constant 0 : i32
      %dma_start3A_103 = tpu.memref_slice %arg6[%run_scoped3A_64, %dma_start3A_101, %dma_start3A_102] : memref<2x128x128xf32, #tpu.memory_space<vmem>> -> memref<1x128x128xf32, #tpu.memory_space<vmem>>
      %dma_start3A_104 = tpu.memref_squeeze %dma_start3A_103 : memref<1x128x128xf32, #tpu.memory_space<vmem>> -> memref<128x128xf32, #tpu.memory_space<vmem>>
      %dma_start3A_105 = arith.constant 0 : i32
      %dma_start3A_106 = tpu.memref_slice %arg7[%add3A_63, %dma_start3A_105] : memref<10240x128xf32, #tpu.memory_space<vmem_shared>> -> memref<128x128xf32, #tpu.memory_space<vmem_shared>>
      %dma_start3A_107 = arith.constant 0 : i32
      %dma_start3A_108 = tpu.memref_slice %arg7[%add3A_63, %dma_start3A_107] : memref<10240x128xf32, #tpu.memory_space<vmem_shared>> -> memref<128x128xf32, #tpu.memory_space<vmem_shared>>
      %dma_start3A_109 = arith.constant 0 : i32
      %dma_start3A_110 = arith.constant 0 : i32
      %dma_start3A_111 = tpu.memref_slice %arg6[%run_scoped3A_64, %dma_start3A_109, %dma_start3A_110] : memref<2x128x128xf32, #tpu.memory_space<vmem>> -> memref<1x128x128xf32, #tpu.memory_space<vmem>>
      %dma_start3A_112 = tpu.memref_squeeze %dma_start3A_111 : memref<1x128x128xf32, #tpu.memory_space<vmem>> -> memref<128x128xf32, #tpu.memory_space<vmem>>
      tpu.enqueue_dma source(%dma_start3A_112 : memref<128x128xf32, #tpu.memory_space<vmem>>) target(%dma_start3A_108 : memref<128x128xf32, #tpu.memory_space<vmem_shared>>) target_semaphore(%run_scoped3A_100 : memref<!tpu.dma_semaphore, #tpu.memory_space<semaphore_mem>>)
      %dma_wait3A_113 = arith.constant 0 : i32
      %dma_wait3A_114 = arith.constant 0 : i32
      %dma_wait3A_115 = tpu.memref_slice %arg6[%run_scoped3A_64, %dma_wait3A_113, %dma_wait3A_114] : memref<2x128x128xf32, #tpu.memory_space<vmem>> -> memref<1x128x128xf32, #tpu.memory_space<vmem>>
      %dma_wait3A_116 = tpu.memref_squeeze %dma_wait3A_115 : memref<1x128x128xf32, #tpu.memory_space<vmem>> -> memref<128x128xf32, #tpu.memory_space<vmem>>
      %dma_wait3A_117 = arith.constant 0 : i32
      %dma_wait3A_118 = tpu.memref_slice %arg7[%add3A_63, %dma_wait3A_117] : memref<10240x128xf32, #tpu.memory_space<vmem_shared>> -> memref<128x128xf32, #tpu.memory_space<vmem_shared>>
      %dma_wait3A_119 = arith.constant 0 : i32
      %dma_wait3A_120 = tpu.memref_slice %arg7[%add3A_63, %dma_wait3A_119] : memref<10240x128xf32, #tpu.memory_space<vmem_shared>> -> memref<128x128xf32, #tpu.memory_space<vmem_shared>>
      %dma_wait3A_121 = arith.constant 0 : i32
      %dma_wait3A_122 = arith.constant 0 : i32
      %dma_wait3A_123 = tpu.memref_slice %arg6[%run_scoped3A_64, %dma_wait3A_121, %dma_wait3A_122] : memref<2x128x128xf32, #tpu.memory_space<vmem>> -> memref<1x128x128xf32, #tpu.memory_space<vmem>>
      %dma_wait3A_124 = tpu.memref_squeeze %dma_wait3A_123 : memref<1x128x128xf32, #tpu.memory_space<vmem>> -> memref<128x128xf32, #tpu.memory_space<vmem>>
      tpu.wait_dma2 semaphore(%run_scoped3A_100 : memref<!tpu.dma_semaphore, #tpu.memory_space<semaphore_mem>>) src(%dma_wait3A_124 : memref<128x128xf32, #tpu.memory_space<vmem>>) dst(%dma_wait3A_120 : memref<128x128xf32, #tpu.memory_space<vmem_shared>>)
      tpu.yield
    }) : () -> ()
    %dma_wait3A = arith.constant 0 : i32
    %dma_wait3A_65 = arith.constant 0 : i32
    %dma_wait3A_66 = arith.constant 0 : i32
    %dma_wait3A_67 = tpu.memref_slice %arg5[%dma_wait3A, %dma_wait3A_65, %dma_wait3A_66] : memref<2x2x128xi32, #tpu.memory_space<vmem>> -> memref<1x2x128xi32, #tpu.memory_space<vmem>>
    %dma_wait3A_68 = tpu.memref_squeeze %dma_wait3A_67 : memref<1x2x128xi32, #tpu.memory_space<vmem>> -> memref<2x128xi32, #tpu.memory_space<vmem>>
    %dma_wait3A_69 = arith.constant 0 : i32
    %dma_wait3A_70 = arith.constant 0 : i32
    %dma_wait3A_71 = tpu.memref_slice %arg3[%select_n3A_8, %dma_wait3A_69, %dma_wait3A_70] : memref<2528x2x128xi32, #tpu.memory_space<hbm>> -> memref<1x2x128xi32, #tpu.memory_space<hbm>>
    %dma_wait3A_72 = tpu.memref_squeeze %dma_wait3A_71 : memref<1x2x128xi32, #tpu.memory_space<hbm>> -> memref<2x128xi32, #tpu.memory_space<hbm>>
    %dma_wait3A_73 = arith.constant 0 : i32
    %dma_wait3A_74 = arith.constant 0 : i32
    %dma_wait3A_75 = tpu.memref_slice %arg5[%dma_wait3A, %dma_wait3A_73, %dma_wait3A_74] : memref<2x2x128xi32, #tpu.memory_space<vmem>> -> memref<1x2x128xi32, #tpu.memory_space<vmem>>
    %dma_wait3A_76 = tpu.memref_squeeze %dma_wait3A_75 : memref<1x2x128xi32, #tpu.memory_space<vmem>> -> memref<2x128xi32, #tpu.memory_space<vmem>>
    %dma_wait3A_77 = arith.constant 0 : i32
    %dma_wait3A_78 = arith.constant 0 : i32
    %dma_wait3A_79 = tpu.memref_slice %arg3[%select_n3A_8, %dma_wait3A_77, %dma_wait3A_78] : memref<2528x2x128xi32, #tpu.memory_space<hbm>> -> memref<1x2x128xi32, #tpu.memory_space<hbm>>
    %dma_wait3A_80 = tpu.memref_squeeze %dma_wait3A_79 : memref<1x2x128xi32, #tpu.memory_space<hbm>> -> memref<2x128xi32, #tpu.memory_space<hbm>>
    tpu.wait_dma2 semaphore(%arg8 : memref<!tpu.dma_semaphore, #tpu.memory_space<semaphore_mem>>) src(%dma_wait3A_80 : memref<2x128xi32, #tpu.memory_space<hbm>>) dst(%dma_wait3A_76 : memref<2x128xi32, #tpu.memory_space<vmem>>)
    %dma_start3A_81 = arith.constant 0 : i32
    %dma_start3A_82 = arith.constant 0 : i32
    %dma_start3A_83 = arith.constant 0 : i32
    %dma_start3A_84 = arith.constant 0 : i32
    %dma_start3A_85 = arith.constant 0 : i32
    %dma_start3A_86 = tpu.memref_slice %arg6[%dma_start3A_83, %dma_start3A_84, %dma_start3A_85] : memref<2x128x128xf32, #tpu.memory_space<vmem>> -> memref<1x128x128xf32, #tpu.memory_space<vmem>>
    %dma_start3A_87 = tpu.memref_squeeze %dma_start3A_86 : memref<1x128x128xf32, #tpu.memory_space<vmem>> -> memref<128x128xf32, #tpu.memory_space<vmem>>
    %dma_start3A_88 = arith.constant 0 : i32
    %dma_start3A_89 = tpu.memref_slice %arg5[%dma_start3A_81, %dma_start3A_82, %dma_start3A_88] : memref<2x2x128xi32, #tpu.memory_space<vmem>> -> memref<1x1x128xi32, #tpu.memory_space<vmem>>
    %dma_start3A_90 = tpu.memref_squeeze %dma_start3A_89 : memref<1x1x128xi32, #tpu.memory_space<vmem>> -> memref<128xi32, #tpu.memory_space<vmem>>
    %dma_start3A_91 = arith.constant 0 : i32
    %dma_start3A_92 = arith.constant 0 : i32
    %dma_start3A_93 = tpu.memref_slice %arg2[%dma_start3A_91, %dma_start3A_92] : memref<10240x128xf32, #tpu.memory_space<hbm>> -> memref<10240x128xf32, #tpu.memory_space<hbm>>
    tpu.enqueue_indirect_dma source(%dma_start3A_93 : memref<10240x128xf32, #tpu.memory_space<hbm>>) target(%dma_start3A_87 : memref<128x128xf32, #tpu.memory_space<vmem>>) offsets(%dma_start3A_90 : memref<128xi32, #tpu.memory_space<vmem>>) semaphore(%arg10 : memref<!tpu.dma_semaphore, #tpu.memory_space<semaphore_mem>>)
    %barrier3A = arith.constant 0 : index
    tpu.barrier barrier_id(%barrier3A)
    %scan3A_94 = arith.constant 0 : i32
    %scan3A_95 = arith.constant 79 : i32
    %scan3A_96 = arith.addi %scan3A_94, %scan3A_95 : i32
    %scan3A_97 = arith.constant 1 : i32
    scf.for %scan3A_100 = %scan3A_94 to %scan3A_96 step %scan3A_97  : i32 {
      %mul3A_101 = arith.constant 2 : i32
      %mul3A_102 = arith.muli %scan3A_100, %mul3A_101 : i32
      %add3A_103 = arith.constant 0 : i32
      %add3A_104 = arith.addi %add3A_103, %mul3A_102 : i32
      %add3A_105 = arith.constant 0 : i32
      %add3A_106 = arith.addi %add3A_104, %add3A_105 : i32
      %lt3A = arith.cmpi slt, %add3A_106, %select_n3A : i32
      %convert_element_type3A = arith.extui %lt3A : i1 to i32
      %cond3A = arith.constant 0 : i32
      %cond3A_107 = arith.cmpi ne, %convert_element_type3A, %cond3A : i32
      scf.if %cond3A_107 {
        %add3A_114 = arith.constant 1 : i32
        %add3A_115 = arith.addi %add3A_106, %add3A_114 : i32
        %lt3A_116 = arith.cmpi slt, %add3A_115, %select_n3A : i32
        %convert_element_type3A_117 = arith.extui %lt3A_116 : i1 to i32
        %cond3A_118 = arith.constant 0 : i32
        %cond3A_119 = arith.cmpi ne, %convert_element_type3A_117, %cond3A_118 : i32
        scf.if %cond3A_119 {
          %dma_wait3A_142 = arith.constant 1 : i32
          %dma_wait3A_143 = arith.constant 0 : i32
          %dma_wait3A_144 = arith.constant 0 : i32
          %dma_wait3A_145 = tpu.memref_slice %arg5[%dma_wait3A_142, %dma_wait3A_143, %dma_wait3A_144] : memref<2x2x128xi32, #tpu.memory_space<vmem>> -> memref<1x2x128xi32, #tpu.memory_space<vmem>>
          %dma_wait3A_146 = tpu.memref_squeeze %dma_wait3A_145 : memref<1x2x128xi32, #tpu.memory_space<vmem>> -> memref<2x128xi32, #tpu.memory_space<vmem>>
          %dma_wait3A_147 = arith.constant 0 : i32
          %dma_wait3A_148 = arith.constant 0 : i32
          %dma_wait3A_149 = tpu.memref_slice %arg3[%select_n3A_8, %dma_wait3A_147, %dma_wait3A_148] : memref<2528x2x128xi32, #tpu.memory_space<hbm>> -> memref<1x2x128xi32, #tpu.memory_space<hbm>>
          %dma_wait3A_150 = tpu.memref_squeeze %dma_wait3A_149 : memref<1x2x128xi32, #tpu.memory_space<hbm>> -> memref<2x128xi32, #tpu.memory_space<hbm>>
          %dma_wait3A_151 = arith.constant 0 : i32
          %dma_wait3A_152 = arith.constant 0 : i32
          %dma_wait3A_153 = tpu.memref_slice %arg5[%dma_wait3A_142, %dma_wait3A_151, %dma_wait3A_152] : memref<2x2x128xi32, #tpu.memory_space<vmem>> -> memref<1x2x128xi32, #tpu.memory_space<vmem>>
          %dma_wait3A_154 = tpu.memref_squeeze %dma_wait3A_153 : memref<1x2x128xi32, #tpu.memory_space<vmem>> -> memref<2x128xi32, #tpu.memory_space<vmem>>
          %dma_wait3A_155 = arith.constant 0 : i32
          %dma_wait3A_156 = arith.constant 0 : i32
          %dma_wait3A_157 = tpu.memref_slice %arg3[%select_n3A_8, %dma_wait3A_155, %dma_wait3A_156] : memref<2528x2x128xi32, #tpu.memory_space<hbm>> -> memref<1x2x128xi32, #tpu.memory_space<hbm>>
          %dma_wait3A_158 = tpu.memref_squeeze %dma_wait3A_157 : memref<1x2x128xi32, #tpu.memory_space<hbm>> -> memref<2x128xi32, #tpu.memory_space<hbm>>
          tpu.wait_dma2 semaphore(%arg9 : memref<!tpu.dma_semaphore, #tpu.memory_space<semaphore_mem>>) src(%dma_wait3A_158 : memref<2x128xi32, #tpu.memory_space<hbm>>) dst(%dma_wait3A_154 : memref<2x128xi32, #tpu.memory_space<vmem>>)
          %dma_start3A_159 = arith.constant 1 : i32
          %dma_start3A_160 = arith.constant 0 : i32
          %dma_start3A_161 = arith.constant 1 : i32
          %dma_start3A_162 = arith.constant 0 : i32
          %dma_start3A_163 = arith.constant 0 : i32
          %dma_start3A_164 = tpu.memref_slice %arg6[%dma_start3A_161, %dma_start3A_162, %dma_start3A_163] : memref<2x128x128xf32, #tpu.memory_space<vmem>> -> memref<1x128x128xf32, #tpu.memory_space<vmem>>
          %dma_start3A_165 = tpu.memref_squeeze %dma_start3A_164 : memref<1x128x128xf32, #tpu.memory_space<vmem>> -> memref<128x128xf32, #tpu.memory_space<vmem>>
          %dma_start3A_166 = arith.constant 0 : i32
          %dma_start3A_167 = tpu.memref_slice %arg5[%dma_start3A_159, %dma_start3A_160, %dma_start3A_166] : memref<2x2x128xi32, #tpu.memory_space<vmem>> -> memref<1x1x128xi32, #tpu.memory_space<vmem>>
          %dma_start3A_168 = tpu.memref_squeeze %dma_start3A_167 : memref<1x1x128xi32, #tpu.memory_space<vmem>> -> memref<128xi32, #tpu.memory_space<vmem>>
          %dma_start3A_169 = arith.constant 0 : i32
          %dma_start3A_170 = arith.constant 0 : i32
          %dma_start3A_171 = tpu.memref_slice %arg2[%dma_start3A_169, %dma_start3A_170] : memref<10240x128xf32, #tpu.memory_space<hbm>> -> memref<10240x128xf32, #tpu.memory_space<hbm>>
          tpu.enqueue_indirect_dma source(%dma_start3A_171 : memref<10240x128xf32, #tpu.memory_space<hbm>>) target(%dma_start3A_165 : memref<128x128xf32, #tpu.memory_space<vmem>>) offsets(%dma_start3A_168 : memref<128xi32, #tpu.memory_space<vmem>>) semaphore(%arg11 : memref<!tpu.dma_semaphore, #tpu.memory_space<semaphore_mem>>)
        } else {
        }
        %dma_wait3A_120 = arith.constant 0 : i32
        %dma_wait3A_121 = arith.constant 0 : i32
        %dma_wait3A_122 = arith.constant 0 : i32
        %dma_wait3A_123 = arith.constant 0 : i32
        %dma_wait3A_124 = arith.constant 0 : i32
        %dma_wait3A_125 = tpu.memref_slice %arg6[%dma_wait3A_122, %dma_wait3A_123, %dma_wait3A_124] : memref<2x128x128xf32, #tpu.memory_space<vmem>> -> memref<1x128x128xf32, #tpu.memory_space<vmem>>
        %dma_wait3A_126 = tpu.memref_squeeze %dma_wait3A_125 : memref<1x128x128xf32, #tpu.memory_space<vmem>> -> memref<128x128xf32, #tpu.memory_space<vmem>>
        %dma_wait3A_127 = arith.constant 0 : i32
        %dma_wait3A_128 = tpu.memref_slice %arg5[%dma_wait3A_120, %dma_wait3A_121, %dma_wait3A_127] : memref<2x2x128xi32, #tpu.memory_space<vmem>> -> memref<1x1x128xi32, #tpu.memory_space<vmem>>
        %dma_wait3A_129 = tpu.memref_squeeze %dma_wait3A_128 : memref<1x1x128xi32, #tpu.memory_space<vmem>> -> memref<128xi32, #tpu.memory_space<vmem>>
        %dma_wait3A_130 = arith.constant 0 : i32
        %dma_wait3A_131 = arith.constant 0 : i32
        %dma_wait3A_132 = tpu.memref_slice %arg2[%dma_wait3A_130, %dma_wait3A_131] : memref<10240x128xf32, #tpu.memory_space<hbm>> -> memref<10240x128xf32, #tpu.memory_space<hbm>>
        tpu.wait_indirect_dma semaphore(%arg10 : memref<!tpu.dma_semaphore, #tpu.memory_space<semaphore_mem>>) src(%dma_wait3A_132 : memref<10240x128xf32, #tpu.memory_space<hbm>>) dst(%dma_wait3A_126 : memref<128x128xf32, #tpu.memory_space<vmem>>)
        %run_scoped3A_133 = arith.constant 0 : i32
        %run_scoped3A_134 = arith.constant 0 : i32
        %run_scoped3A_135 = arith.constant 1 : i32
        "tpu.region"() ({
          %run_scoped3A_142 = tpu.sem_alloc : memref<!tpu.dma_semaphore, #tpu.memory_space<semaphore_mem>>
          %dma_start3A_143 = arith.constant 0 : i32
          %dma_start3A_144 = arith.constant 0 : i32
          %dma_start3A_145 = tpu.memref_slice %arg6[%run_scoped3A_133, %dma_start3A_143, %dma_start3A_144] : memref<2x128x128xf32, #tpu.memory_space<vmem>> -> memref<1x128x128xf32, #tpu.memory_space<vmem>>
          %dma_start3A_146 = tpu.memref_squeeze %dma_start3A_145 : memref<1x128x128xf32, #tpu.memory_space<vmem>> -> memref<128x128xf32, #tpu.memory_space<vmem>>
          %dma_start3A_147 = arith.constant 0 : i32
          %dma_start3A_148 = tpu.memref_slice %arg5[%run_scoped3A_134, %run_scoped3A_135, %dma_start3A_147] : memref<2x2x128xi32, #tpu.memory_space<vmem>> -> memref<1x1x128xi32, #tpu.memory_space<vmem>>
          %dma_start3A_149 = tpu.memref_squeeze %dma_start3A_148 : memref<1x1x128xi32, #tpu.memory_space<vmem>> -> memref<128xi32, #tpu.memory_space<vmem>>
          %dma_start3A_150 = arith.constant 0 : i32
          %dma_start3A_151 = arith.constant 0 : i32
          %dma_start3A_152 = tpu.memref_slice %arg7[%dma_start3A_150, %dma_start3A_151] : memref<10240x128xf32, #tpu.memory_space<vmem_shared>> -> memref<10240x128xf32, #tpu.memory_space<vmem_shared>>
          tpu.enqueue_indirect_dma source(%dma_start3A_146 : memref<128x128xf32, #tpu.memory_space<vmem>>) target(%dma_start3A_152 : memref<10240x128xf32, #tpu.memory_space<vmem_shared>>) offsets(%dma_start3A_149 : memref<128xi32, #tpu.memory_space<vmem>>) semaphore(%run_scoped3A_142 : memref<!tpu.dma_semaphore, #tpu.memory_space<semaphore_mem>>) {add = true}
          %dma_wait3A_153 = arith.constant 0 : i32
          %dma_wait3A_154 = arith.constant 0 : i32
          %dma_wait3A_155 = tpu.memref_slice %arg6[%run_scoped3A_133, %dma_wait3A_153, %dma_wait3A_154] : memref<2x128x128xf32, #tpu.memory_space<vmem>> -> memref<1x128x128xf32, #tpu.memory_space<vmem>>
          %dma_wait3A_156 = tpu.memref_squeeze %dma_wait3A_155 : memref<1x128x128xf32, #tpu.memory_space<vmem>> -> memref<128x128xf32, #tpu.memory_space<vmem>>
          %dma_wait3A_157 = arith.constant 0 : i32
          %dma_wait3A_158 = tpu.memref_slice %arg5[%run_scoped3A_134, %run_scoped3A_135, %dma_wait3A_157] : memref<2x2x128xi32, #tpu.memory_space<vmem>> -> memref<1x1x128xi32, #tpu.memory_space<vmem>>
          %dma_wait3A_159 = tpu.memref_squeeze %dma_wait3A_158 : memref<1x1x128xi32, #tpu.memory_space<vmem>> -> memref<128xi32, #tpu.memory_space<vmem>>
          %dma_wait3A_160 = arith.constant 0 : i32
          %dma_wait3A_161 = arith.constant 0 : i32
          %dma_wait3A_162 = tpu.memref_slice %arg7[%dma_wait3A_160, %dma_wait3A_161] : memref<10240x128xf32, #tpu.memory_space<vmem_shared>> -> memref<10240x128xf32, #tpu.memory_space<vmem_shared>>
          tpu.wait_indirect_dma semaphore(%run_scoped3A_142 : memref<!tpu.dma_semaphore, #tpu.memory_space<semaphore_mem>>) src(%dma_wait3A_156 : memref<128x128xf32, #tpu.memory_space<vmem>>) dst(%dma_wait3A_162 : memref<10240x128xf32, #tpu.memory_space<vmem_shared>>)
          tpu.yield
        }) : () -> ()
        %add3A_136 = arith.constant 2 : i32
        %add3A_137 = arith.addi %add3A_106, %add3A_136 : i32
        %lt3A_138 = arith.cmpi slt, %add3A_137, %select_n3A : i32
        %convert_element_type3A_139 = arith.extui %lt3A_138 : i1 to i32
        %cond3A_140 = arith.constant 0 : i32
        %cond3A_141 = arith.cmpi ne, %convert_element_type3A_139, %cond3A_140 : i32
        scf.if %cond3A_141 {
          %add3A_142 = arith.addi %select_n3A_8, %add3A_106 : i32
          %add3A_143 = arith.constant 2 : i32
          %add3A_144 = arith.addi %add3A_142, %add3A_143 : i32
          %dma_start3A_145 = arith.constant 0 : i32
          %dma_start3A_146 = arith.constant 0 : i32
          %dma_start3A_147 = arith.constant 0 : i32
          %dma_start3A_148 = tpu.memref_slice %arg5[%dma_start3A_145, %dma_start3A_146, %dma_start3A_147] : memref<2x2x128xi32, #tpu.memory_space<vmem>> -> memref<1x2x128xi32, #tpu.memory_space<vmem>>
          %dma_start3A_149 = tpu.memref_squeeze %dma_start3A_148 : memref<1x2x128xi32, #tpu.memory_space<vmem>> -> memref<2x128xi32, #tpu.memory_space<vmem>>
          %dma_start3A_150 = arith.constant 0 : i32
          %dma_start3A_151 = arith.constant 0 : i32
          %dma_start3A_152 = tpu.memref_slice %arg3[%add3A_144, %dma_start3A_150, %dma_start3A_151] : memref<2528x2x128xi32, #tpu.memory_space<hbm>> -> memref<1x2x128xi32, #tpu.memory_space<hbm>>
          %dma_start3A_153 = tpu.memref_squeeze %dma_start3A_152 : memref<1x2x128xi32, #tpu.memory_space<hbm>> -> memref<2x128xi32, #tpu.memory_space<hbm>>
          %dma_start3A_154 = arith.constant 0 : i32
          %dma_start3A_155 = arith.constant 0 : i32
          %dma_start3A_156 = tpu.memref_slice %arg5[%dma_start3A_145, %dma_start3A_154, %dma_start3A_155] : memref<2x2x128xi32, #tpu.memory_space<vmem>> -> memref<1x2x128xi32, #tpu.memory_space<vmem>>
          %dma_start3A_157 = tpu.memref_squeeze %dma_start3A_156 : memref<1x2x128xi32, #tpu.memory_space<vmem>> -> memref<2x128xi32, #tpu.memory_space<vmem>>
          %dma_start3A_158 = arith.constant 0 : i32
          %dma_start3A_159 = arith.constant 0 : i32
          %dma_start3A_160 = tpu.memref_slice %arg3[%add3A_144, %dma_start3A_158, %dma_start3A_159] : memref<2528x2x128xi32, #tpu.memory_space<hbm>> -> memref<1x2x128xi32, #tpu.memory_space<hbm>>
          %dma_start3A_161 = tpu.memref_squeeze %dma_start3A_160 : memref<1x2x128xi32, #tpu.memory_space<hbm>> -> memref<2x128xi32, #tpu.memory_space<hbm>>
          tpu.enqueue_dma source(%dma_start3A_161 : memref<2x128xi32, #tpu.memory_space<hbm>>) target(%dma_start3A_157 : memref<2x128xi32, #tpu.memory_space<vmem>>) target_semaphore(%arg8 : memref<!tpu.dma_semaphore, #tpu.memory_space<semaphore_mem>>)
        } else {
        }
      } else {
      }
      %add3A_108 = arith.constant 1 : i32
      %add3A_109 = arith.addi %add3A_104, %add3A_108 : i32
      %lt3A_110 = arith.cmpi slt, %add3A_109, %select_n3A : i32
      %convert_element_type3A_111 = arith.extui %lt3A_110 : i1 to i32
      %cond3A_112 = arith.constant 0 : i32
      %cond3A_113 = arith.cmpi ne, %convert_element_type3A_111, %cond3A_112 : i32
      scf.if %cond3A_113 {
        %add3A_114 = arith.constant 1 : i32
        %add3A_115 = arith.addi %add3A_109, %add3A_114 : i32
        %lt3A_116 = arith.cmpi slt, %add3A_115, %select_n3A : i32
        %convert_element_type3A_117 = arith.extui %lt3A_116 : i1 to i32
        %cond3A_118 = arith.constant 0 : i32
        %cond3A_119 = arith.cmpi ne, %convert_element_type3A_117, %cond3A_118 : i32
        scf.if %cond3A_119 {
          %dma_wait3A_142 = arith.constant 0 : i32
          %dma_wait3A_143 = arith.constant 0 : i32
          %dma_wait3A_144 = arith.constant 0 : i32
          %dma_wait3A_145 = tpu.memref_slice %arg5[%dma_wait3A_142, %dma_wait3A_143, %dma_wait3A_144] : memref<2x2x128xi32, #tpu.memory_space<vmem>> -> memref<1x2x128xi32, #tpu.memory_space<vmem>>
          %dma_wait3A_146 = tpu.memref_squeeze %dma_wait3A_145 : memref<1x2x128xi32, #tpu.memory_space<vmem>> -> memref<2x128xi32, #tpu.memory_space<vmem>>
          %dma_wait3A_147 = arith.constant 0 : i32
          %dma_wait3A_148 = arith.constant 0 : i32
          %dma_wait3A_149 = tpu.memref_slice %arg3[%select_n3A_8, %dma_wait3A_147, %dma_wait3A_148] : memref<2528x2x128xi32, #tpu.memory_space<hbm>> -> memref<1x2x128xi32, #tpu.memory_space<hbm>>
          %dma_wait3A_150 = tpu.memref_squeeze %dma_wait3A_149 : memref<1x2x128xi32, #tpu.memory_space<hbm>> -> memref<2x128xi32, #tpu.memory_space<hbm>>
          %dma_wait3A_151 = arith.constant 0 : i32
          %dma_wait3A_152 = arith.constant 0 : i32
          %dma_wait3A_153 = tpu.memref_slice %arg5[%dma_wait3A_142, %dma_wait3A_151, %dma_wait3A_152] : memref<2x2x128xi32, #tpu.memory_space<vmem>> -> memref<1x2x128xi32, #tpu.memory_space<vmem>>
          %dma_wait3A_154 = tpu.memref_squeeze %dma_wait3A_153 : memref<1x2x128xi32, #tpu.memory_space<vmem>> -> memref<2x128xi32, #tpu.memory_space<vmem>>
          %dma_wait3A_155 = arith.constant 0 : i32
          %dma_wait3A_156 = arith.constant 0 : i32
          %dma_wait3A_157 = tpu.memref_slice %arg3[%select_n3A_8, %dma_wait3A_155, %dma_wait3A_156] : memref<2528x2x128xi32, #tpu.memory_space<hbm>> -> memref<1x2x128xi32, #tpu.memory_space<hbm>>
          %dma_wait3A_158 = tpu.memref_squeeze %dma_wait3A_157 : memref<1x2x128xi32, #tpu.memory_space<hbm>> -> memref<2x128xi32, #tpu.memory_space<hbm>>
          tpu.wait_dma2 semaphore(%arg8 : memref<!tpu.dma_semaphore, #tpu.memory_space<semaphore_mem>>) src(%dma_wait3A_158 : memref<2x128xi32, #tpu.memory_space<hbm>>) dst(%dma_wait3A_154 : memref<2x128xi32, #tpu.memory_space<vmem>>)
          %dma_start3A_159 = arith.constant 0 : i32
          %dma_start3A_160 = arith.constant 0 : i32
          %dma_start3A_161 = arith.constant 0 : i32
          %dma_start3A_162 = arith.constant 0 : i32
          %dma_start3A_163 = arith.constant 0 : i32
          %dma_start3A_164 = tpu.memref_slice %arg6[%dma_start3A_161, %dma_start3A_162, %dma_start3A_163] : memref<2x128x128xf32, #tpu.memory_space<vmem>> -> memref<1x128x128xf32, #tpu.memory_space<vmem>>
          %dma_start3A_165 = tpu.memref_squeeze %dma_start3A_164 : memref<1x128x128xf32, #tpu.memory_space<vmem>> -> memref<128x128xf32, #tpu.memory_space<vmem>>
          %dma_start3A_166 = arith.constant 0 : i32
          %dma_start3A_167 = tpu.memref_slice %arg5[%dma_start3A_159, %dma_start3A_160, %dma_start3A_166] : memref<2x2x128xi32, #tpu.memory_space<vmem>> -> memref<1x1x128xi32, #tpu.memory_space<vmem>>
          %dma_start3A_168 = tpu.memref_squeeze %dma_start3A_167 : memref<1x1x128xi32, #tpu.memory_space<vmem>> -> memref<128xi32, #tpu.memory_space<vmem>>
          %dma_start3A_169 = arith.constant 0 : i32
          %dma_start3A_170 = arith.constant 0 : i32
          %dma_start3A_171 = tpu.memref_slice %arg2[%dma_start3A_169, %dma_start3A_170] : memref<10240x128xf32, #tpu.memory_space<hbm>> -> memref<10240x128xf32, #tpu.memory_space<hbm>>
          tpu.enqueue_indirect_dma source(%dma_start3A_171 : memref<10240x128xf32, #tpu.memory_space<hbm>>) target(%dma_start3A_165 : memref<128x128xf32, #tpu.memory_space<vmem>>) offsets(%dma_start3A_168 : memref<128xi32, #tpu.memory_space<vmem>>) semaphore(%arg10 : memref<!tpu.dma_semaphore, #tpu.memory_space<semaphore_mem>>)
        } else {
        }
        %dma_wait3A_120 = arith.constant 1 : i32
        %dma_wait3A_121 = arith.constant 0 : i32
        %dma_wait3A_122 = arith.constant 1 : i32
        %dma_wait3A_123 = arith.constant 0 : i32
        %dma_wait3A_124 = arith.constant 0 : i32
        %dma_wait3A_125 = tpu.memref_slice %arg6[%dma_wait3A_122, %dma_wait3A_123, %dma_wait3A_124] : memref<2x128x128xf32, #tpu.memory_space<vmem>> -> memref<1x128x128xf32, #tpu.memory_space<vmem>>
        %dma_wait3A_126 = tpu.memref_squeeze %dma_wait3A_125 : memref<1x128x128xf32, #tpu.memory_space<vmem>> -> memref<128x128xf32, #tpu.memory_space<vmem>>
        %dma_wait3A_127 = arith.constant 0 : i32
        %dma_wait3A_128 = tpu.memref_slice %arg5[%dma_wait3A_120, %dma_wait3A_121, %dma_wait3A_127] : memref<2x2x128xi32, #tpu.memory_space<vmem>> -> memref<1x1x128xi32, #tpu.memory_space<vmem>>
        %dma_wait3A_129 = tpu.memref_squeeze %dma_wait3A_128 : memref<1x1x128xi32, #tpu.memory_space<vmem>> -> memref<128xi32, #tpu.memory_space<vmem>>
        %dma_wait3A_130 = arith.constant 0 : i32
        %dma_wait3A_131 = arith.constant 0 : i32
        %dma_wait3A_132 = tpu.memref_slice %arg2[%dma_wait3A_130, %dma_wait3A_131] : memref<10240x128xf32, #tpu.memory_space<hbm>> -> memref<10240x128xf32, #tpu.memory_space<hbm>>
        tpu.wait_indirect_dma semaphore(%arg11 : memref<!tpu.dma_semaphore, #tpu.memory_space<semaphore_mem>>) src(%dma_wait3A_132 : memref<10240x128xf32, #tpu.memory_space<hbm>>) dst(%dma_wait3A_126 : memref<128x128xf32, #tpu.memory_space<vmem>>)
        %run_scoped3A_133 = arith.constant 1 : i32
        %run_scoped3A_134 = arith.constant 1 : i32
        %run_scoped3A_135 = arith.constant 1 : i32
        "tpu.region"() ({
          %run_scoped3A_142 = tpu.sem_alloc : memref<!tpu.dma_semaphore, #tpu.memory_space<semaphore_mem>>
          %dma_start3A_143 = arith.constant 0 : i32
          %dma_start3A_144 = arith.constant 0 : i32
          %dma_start3A_145 = tpu.memref_slice %arg6[%run_scoped3A_133, %dma_start3A_143, %dma_start3A_144] : memref<2x128x128xf32, #tpu.memory_space<vmem>> -> memref<1x128x128xf32, #tpu.memory_space<vmem>>
          %dma_start3A_146 = tpu.memref_squeeze %dma_start3A_145 : memref<1x128x128xf32, #tpu.memory_space<vmem>> -> memref<128x128xf32, #tpu.memory_space<vmem>>
          %dma_start3A_147 = arith.constant 0 : i32
          %dma_start3A_148 = tpu.memref_slice %arg5[%run_scoped3A_134, %run_scoped3A_135, %dma_start3A_147] : memref<2x2x128xi32, #tpu.memory_space<vmem>> -> memref<1x1x128xi32, #tpu.memory_space<vmem>>
          %dma_start3A_149 = tpu.memref_squeeze %dma_start3A_148 : memref<1x1x128xi32, #tpu.memory_space<vmem>> -> memref<128xi32, #tpu.memory_space<vmem>>
          %dma_start3A_150 = arith.constant 0 : i32
          %dma_start3A_151 = arith.constant 0 : i32
          %dma_start3A_152 = tpu.memref_slice %arg7[%dma_start3A_150, %dma_start3A_151] : memref<10240x128xf32, #tpu.memory_space<vmem_shared>> -> memref<10240x128xf32, #tpu.memory_space<vmem_shared>>
          tpu.enqueue_indirect_dma source(%dma_start3A_146 : memref<128x128xf32, #tpu.memory_space<vmem>>) target(%dma_start3A_152 : memref<10240x128xf32, #tpu.memory_space<vmem_shared>>) offsets(%dma_start3A_149 : memref<128xi32, #tpu.memory_space<vmem>>) semaphore(%run_scoped3A_142 : memref<!tpu.dma_semaphore, #tpu.memory_space<semaphore_mem>>) {add = true}
          %dma_wait3A_153 = arith.constant 0 : i32
          %dma_wait3A_154 = arith.constant 0 : i32
          %dma_wait3A_155 = tpu.memref_slice %arg6[%run_scoped3A_133, %dma_wait3A_153, %dma_wait3A_154] : memref<2x128x128xf32, #tpu.memory_space<vmem>> -> memref<1x128x128xf32, #tpu.memory_space<vmem>>
          %dma_wait3A_156 = tpu.memref_squeeze %dma_wait3A_155 : memref<1x128x128xf32, #tpu.memory_space<vmem>> -> memref<128x128xf32, #tpu.memory_space<vmem>>
          %dma_wait3A_157 = arith.constant 0 : i32
          %dma_wait3A_158 = tpu.memref_slice %arg5[%run_scoped3A_134, %run_scoped3A_135, %dma_wait3A_157] : memref<2x2x128xi32, #tpu.memory_space<vmem>> -> memref<1x1x128xi32, #tpu.memory_space<vmem>>
          %dma_wait3A_159 = tpu.memref_squeeze %dma_wait3A_158 : memref<1x1x128xi32, #tpu.memory_space<vmem>> -> memref<128xi32, #tpu.memory_space<vmem>>
          %dma_wait3A_160 = arith.constant 0 : i32
          %dma_wait3A_161 = arith.constant 0 : i32
          %dma_wait3A_162 = tpu.memref_slice %arg7[%dma_wait3A_160, %dma_wait3A_161] : memref<10240x128xf32, #tpu.memory_space<vmem_shared>> -> memref<10240x128xf32, #tpu.memory_space<vmem_shared>>
          tpu.wait_indirect_dma semaphore(%run_scoped3A_142 : memref<!tpu.dma_semaphore, #tpu.memory_space<semaphore_mem>>) src(%dma_wait3A_156 : memref<128x128xf32, #tpu.memory_space<vmem>>) dst(%dma_wait3A_162 : memref<10240x128xf32, #tpu.memory_space<vmem_shared>>)
          tpu.yield
        }) : () -> ()
        %add3A_136 = arith.constant 2 : i32
        %add3A_137 = arith.addi %add3A_109, %add3A_136 : i32
        %lt3A_138 = arith.cmpi slt, %add3A_137, %select_n3A : i32
        %convert_element_type3A_139 = arith.extui %lt3A_138 : i1 to i32
        %cond3A_140 = arith.constant 0 : i32
        %cond3A_141 = arith.cmpi ne, %convert_element_type3A_139, %cond3A_140 : i32
        scf.if %cond3A_141 {
          %add3A_142 = arith.addi %select_n3A_8, %add3A_109 : i32
          %add3A_143 = arith.constant 2 : i32
          %add3A_144 = arith.addi %add3A_142, %add3A_143 : i32
          %dma_start3A_145 = arith.constant 1 : i32
          %dma_start3A_146 = arith.constant 0 : i32
          %dma_start3A_147 = arith.constant 0 : i32
          %dma_start3A_148 = tpu.memref_slice %arg5[%dma_start3A_145, %dma_start3A_146, %dma_start3A_147] : memref<2x2x128xi32, #tpu.memory_space<vmem>> -> memref<1x2x128xi32, #tpu.memory_space<vmem>>
          %dma_start3A_149 = tpu.memref_squeeze %dma_start3A_148 : memref<1x2x128xi32, #tpu.memory_space<vmem>> -> memref<2x128xi32, #tpu.memory_space<vmem>>
          %dma_start3A_150 = arith.constant 0 : i32
          %dma_start3A_151 = arith.constant 0 : i32
          %dma_start3A_152 = tpu.memref_slice %arg3[%add3A_144, %dma_start3A_150, %dma_start3A_151] : memref<2528x2x128xi32, #tpu.memory_space<hbm>> -> memref<1x2x128xi32, #tpu.memory_space<hbm>>
          %dma_start3A_153 = tpu.memref_squeeze %dma_start3A_152 : memref<1x2x128xi32, #tpu.memory_space<hbm>> -> memref<2x128xi32, #tpu.memory_space<hbm>>
          %dma_start3A_154 = arith.constant 0 : i32
          %dma_start3A_155 = arith.constant 0 : i32
          %dma_start3A_156 = tpu.memref_slice %arg5[%dma_start3A_145, %dma_start3A_154, %dma_start3A_155] : memref<2x2x128xi32, #tpu.memory_space<vmem>> -> memref<1x2x128xi32, #tpu.memory_space<vmem>>
          %dma_start3A_157 = tpu.memref_squeeze %dma_start3A_156 : memref<1x2x128xi32, #tpu.memory_space<vmem>> -> memref<2x128xi32, #tpu.memory_space<vmem>>
          %dma_start3A_158 = arith.constant 0 : i32
          %dma_start3A_159 = arith.constant 0 : i32
          %dma_start3A_160 = tpu.memref_slice %arg3[%add3A_144, %dma_start3A_158, %dma_start3A_159] : memref<2528x2x128xi32, #tpu.memory_space<hbm>> -> memref<1x2x128xi32, #tpu.memory_space<hbm>>
          %dma_start3A_161 = tpu.memref_squeeze %dma_start3A_160 : memref<1x2x128xi32, #tpu.memory_space<hbm>> -> memref<2x128xi32, #tpu.memory_space<hbm>>
          tpu.enqueue_dma source(%dma_start3A_161 : memref<2x128xi32, #tpu.memory_space<hbm>>) target(%dma_start3A_157 : memref<2x128xi32, #tpu.memory_space<vmem>>) target_semaphore(%arg9 : memref<!tpu.dma_semaphore, #tpu.memory_space<semaphore_mem>>)
        } else {
        }
      } else {
      }
    }
    %scan3A_98 = arith.constant 79 : i32
    %barrier3A_99 = arith.constant 0 : index
    tpu.barrier barrier_id(%barrier3A_99)
    "tpu.region"() ({
      %run_scoped3A_100 = tpu.sem_alloc : memref<!tpu.dma_semaphore, #tpu.memory_space<semaphore_mem>>
      %dma_start3A_101 = arith.constant 0 : i32
      %dma_start3A_102 = tpu.memref_slice %arg4[%arg0, %mul3A_50, %dma_start3A_101] : memref<2x10240x128xf32, #tpu.memory_space<hbm>> -> memref<1x640x128xf32, #tpu.memory_space<hbm>>
      %dma_start3A_103 = tpu.memref_squeeze %dma_start3A_102 : memref<1x640x128xf32, #tpu.memory_space<hbm>> -> memref<640x128xf32, #tpu.memory_space<hbm>>
      %dma_start3A_104 = arith.constant 0 : i32
      %dma_start3A_105 = tpu.memref_slice %arg7[%mul3A_50, %dma_start3A_104] : memref<10240x128xf32, #tpu.memory_space<vmem_shared>> -> memref<640x128xf32, #tpu.memory_space<vmem_shared>>
      tpu.enqueue_dma source(%dma_start3A_105 : memref<640x128xf32, #tpu.memory_space<vmem_shared>>) target(%dma_start3A_103 : memref<640x128xf32, #tpu.memory_space<hbm>>) target_semaphore(%run_scoped3A_100 : memref<!tpu.dma_semaphore, #tpu.memory_space<semaphore_mem>>)
      %dma_wait3A_106 = arith.constant 0 : i32
      %dma_wait3A_107 = tpu.memref_slice %arg4[%arg0, %mul3A_50, %dma_wait3A_106] : memref<2x10240x128xf32, #tpu.memory_space<hbm>> -> memref<1x640x128xf32, #tpu.memory_space<hbm>>
      %dma_wait3A_108 = tpu.memref_squeeze %dma_wait3A_107 : memref<1x640x128xf32, #tpu.memory_space<hbm>> -> memref<640x128xf32, #tpu.memory_space<hbm>>
      %dma_wait3A_109 = arith.constant 0 : i32
      %dma_wait3A_110 = tpu.memref_slice %arg7[%mul3A_50, %dma_wait3A_109] : memref<10240x128xf32, #tpu.memory_space<vmem_shared>> -> memref<640x128xf32, #tpu.memory_space<vmem_shared>>
      tpu.wait_dma2 semaphore(%run_scoped3A_100 : memref<!tpu.dma_semaphore, #tpu.memory_space<semaphore_mem>>) src(%dma_wait3A_110 : memref<640x128xf32, #tpu.memory_space<vmem_shared>>) dst(%dma_wait3A_108 : memref<640x128xf32, #tpu.memory_space<hbm>>)
      tpu.yield
    }) : () -> ()
    return
  }
}

#map = affine_map<(d0, d1) -> (0, 0)>
#map1 = affine_map<(d0, d1) -> (0, 0, 0)>
module attributes {stable_mosaic.version = 14 : i64} {
  func.func @_sc_agg_body(%arg0: i32, %arg1: i32, %arg2: memref<10240x128xf32, #tpu.memory_space<hbm>>, %arg3: memref<2528x2x128xi32, #tpu.memory_space<hbm>>, %arg4: memref<2x10240x128xf32, #tpu.memory_space<hbm>>, %arg5: memref<2x2x128xi32, #tpu.memory_space<vmem>>, %arg6: memref<2x128x128xf32, #tpu.memory_space<vmem>>, %arg7: memref<10240x128xf32, #tpu.memory_space<vmem_shared>>, %arg8: memref<!tpu.dma_semaphore, #tpu.memory_space<semaphore_mem>>, %arg9: memref<!tpu.dma_semaphore, #tpu.memory_space<semaphore_mem>>, %arg10: memref<!tpu.dma_semaphore, #tpu.memory_space<semaphore_mem>>, %arg11: memref<!tpu.dma_semaphore, #tpu.memory_space<semaphore_mem>>) attributes {dimension_semantics = [#tpu.dimension_semantics<core_parallel>, #tpu.dimension_semantics<subcore_parallel>], iteration_bounds = array<i64: 2, 16>, scalar_prefetch = 0 : i64, scratch_operands = 7 : i64, tpu.core_type = #tpu.core_type<sc_vector_subcore>, window_params = [{transform_indices = #map}, {transform_indices = #map1}, {transform_indices = #map1}]} {
    %eq3A = arith.constant 0 : i32
    %eq3A_0 = arith.cmpi eq, %arg0, %eq3A : i32
    %jit3A = arith.constant 112 : i32
    %jit3A_1 = arith.constant 46 : i32
    %select_n3A = arith.select %eq3A_0, %jit3A, %jit3A_1 : i32
    %eq3A_2 = arith.constant 0 : i32
    %eq3A_3 = arith.cmpi eq, %arg0, %eq3A_2 : i32
    %mul3A = arith.constant 112 : i32
    %mul3A_4 = arith.muli %arg1, %mul3A : i32
    %mul3A_5 = arith.constant 46 : i32
    %mul3A_6 = arith.muli %arg1, %mul3A_5 : i32
    %add3A = arith.constant 1792 : i32
    %add3A_7 = arith.addi %add3A, %mul3A_6 : i32
    %select_n3A_8 = arith.select %eq3A_3, %mul3A_4, %add3A_7 : i32
    %dma_start3A = arith.constant 0 : i32
    %dma_start3A_9 = arith.constant 0 : i32
    %dma_start3A_10 = arith.constant 0 : i32
    %dma_start3A_11 = tpu.memref_slice %arg5[%dma_start3A, %dma_start3A_9, %dma_start3A_10] : memref<2x2x128xi32, #tpu.memory_space<vmem>> -> memref<1x2x128xi32, #tpu.memory_space<vmem>>
    %dma_start3A_12 = tpu.memref_squeeze %dma_start3A_11 : memref<1x2x128xi32, #tpu.memory_space<vmem>> -> memref<2x128xi32, #tpu.memory_space<vmem>>
    %dma_start3A_13 = arith.constant 0 : i32
    %dma_start3A_14 = arith.constant 0 : i32
    %dma_start3A_15 = tpu.memref_slice %arg3[%select_n3A_8, %dma_start3A_13, %dma_start3A_14] : memref<2528x2x128xi32, #tpu.memory_space<hbm>> -> memref<1x2x128xi32, #tpu.memory_space<hbm>>
    %dma_start3A_16 = tpu.memref_squeeze %dma_start3A_15 : memref<1x2x128xi32, #tpu.memory_space<hbm>> -> memref<2x128xi32, #tpu.memory_space<hbm>>
    %dma_start3A_17 = arith.constant 0 : i32
    %dma_start3A_18 = arith.constant 0 : i32
    %dma_start3A_19 = tpu.memref_slice %arg5[%dma_start3A, %dma_start3A_17, %dma_start3A_18] : memref<2x2x128xi32, #tpu.memory_space<vmem>> -> memref<1x2x128xi32, #tpu.memory_space<vmem>>
    %dma_start3A_20 = tpu.memref_squeeze %dma_start3A_19 : memref<1x2x128xi32, #tpu.memory_space<vmem>> -> memref<2x128xi32, #tpu.memory_space<vmem>>
    %dma_start3A_21 = arith.constant 0 : i32
    %dma_start3A_22 = arith.constant 0 : i32
    %dma_start3A_23 = tpu.memref_slice %arg3[%select_n3A_8, %dma_start3A_21, %dma_start3A_22] : memref<2528x2x128xi32, #tpu.memory_space<hbm>> -> memref<1x2x128xi32, #tpu.memory_space<hbm>>
    %dma_start3A_24 = tpu.memref_squeeze %dma_start3A_23 : memref<1x2x128xi32, #tpu.memory_space<hbm>> -> memref<2x128xi32, #tpu.memory_space<hbm>>
    tpu.enqueue_dma source(%dma_start3A_24 : memref<2x128xi32, #tpu.memory_space<hbm>>) target(%dma_start3A_20 : memref<2x128xi32, #tpu.memory_space<vmem>>) target_semaphore(%arg8 : memref<!tpu.dma_semaphore, #tpu.memory_space<semaphore_mem>>)
    %add3A_25 = arith.constant 1 : i32
    %add3A_26 = arith.addi %select_n3A_8, %add3A_25 : i32
    %dma_start3A_27 = arith.constant 1 : i32
    %dma_start3A_28 = arith.constant 0 : i32
    %dma_start3A_29 = arith.constant 0 : i32
    %dma_start3A_30 = tpu.memref_slice %arg5[%dma_start3A_27, %dma_start3A_28, %dma_start3A_29] : memref<2x2x128xi32, #tpu.memory_space<vmem>> -> memref<1x2x128xi32, #tpu.memory_space<vmem>>
    %dma_start3A_31 = tpu.memref_squeeze %dma_start3A_30 : memref<1x2x128xi32, #tpu.memory_space<vmem>> -> memref<2x128xi32, #tpu.memory_space<vmem>>
    %dma_start3A_32 = arith.constant 0 : i32
    %dma_start3A_33 = arith.constant 0 : i32
    %dma_start3A_34 = tpu.memref_slice %arg3[%add3A_26, %dma_start3A_32, %dma_start3A_33] : memref<2528x2x128xi32, #tpu.memory_space<hbm>> -> memref<1x2x128xi32, #tpu.memory_space<hbm>>
    %dma_start3A_35 = tpu.memref_squeeze %dma_start3A_34 : memref<1x2x128xi32, #tpu.memory_space<hbm>> -> memref<2x128xi32, #tpu.memory_space<hbm>>
    %dma_start3A_36 = arith.constant 0 : i32
    %dma_start3A_37 = arith.constant 0 : i32
    %dma_start3A_38 = tpu.memref_slice %arg5[%dma_start3A_27, %dma_start3A_36, %dma_start3A_37] : memref<2x2x128xi32, #tpu.memory_space<vmem>> -> memref<1x2x128xi32, #tpu.memory_space<vmem>>
    %dma_start3A_39 = tpu.memref_squeeze %dma_start3A_38 : memref<1x2x128xi32, #tpu.memory_space<vmem>> -> memref<2x128xi32, #tpu.memory_space<vmem>>
    %dma_start3A_40 = arith.constant 0 : i32
    %dma_start3A_41 = arith.constant 0 : i32
    %dma_start3A_42 = tpu.memref_slice %arg3[%add3A_26, %dma_start3A_40, %dma_start3A_41] : memref<2528x2x128xi32, #tpu.memory_space<hbm>> -> memref<1x2x128xi32, #tpu.memory_space<hbm>>
    %dma_start3A_43 = tpu.memref_squeeze %dma_start3A_42 : memref<1x2x128xi32, #tpu.memory_space<hbm>> -> memref<2x128xi32, #tpu.memory_space<hbm>>
    tpu.enqueue_dma source(%dma_start3A_43 : memref<2x128xi32, #tpu.memory_space<hbm>>) target(%dma_start3A_39 : memref<2x128xi32, #tpu.memory_space<vmem>>) target_semaphore(%arg9 : memref<!tpu.dma_semaphore, #tpu.memory_space<semaphore_mem>>)
    %broadcast_in_dim3A = arith.constant 0.000000e+00 : f32
    %broadcast_in_dim3A_44 = vector.broadcast %broadcast_in_dim3A : f32 to vector<16xf32>
    %scan3A = arith.constant 0 : i32
    %scan3A_45 = arith.constant 128 : i32
    %scan3A_46 = arith.addi %scan3A, %scan3A_45 : i32
    %scan3A_47 = arith.constant 1 : i32
    scf.for %scan3A_100 = %scan3A to %scan3A_46 step %scan3A_47  : i32 {
      %mul3A_101 = arith.constant 1 : i32
      %mul3A_102 = arith.muli %scan3A_100, %mul3A_101 : i32
      %add3A_103 = arith.constant 0 : i32
      %add3A_104 = arith.addi %add3A_103, %mul3A_102 : i32
      %swap3A = arith.constant 0 : i32
      %swap3A_105 = arith.index_cast %swap3A : i32 to index
      %swap3A_106 = arith.index_cast %add3A_104 : i32 to index
      %swap3A_107 = arith.constant 0 : index
      %swap3A_108 = tpu.vector_load %arg6[%swap3A_105, %swap3A_106, %swap3A_107] {strides = array<i32>} : memref<2x128x128xf32, #tpu.memory_space<vmem>>, vector<1x1x16xf32>,
      %swap3A_109 = vector.shape_cast %swap3A_108 : vector<1x1x16xf32> to vector<16xf32>
      %swap3A_110 = vector.shape_cast %broadcast_in_dim3A_44 : vector<16xf32> to vector<1x1x16xf32>
      tpu.vector_store %arg6[%swap3A_105, %swap3A_106, %swap3A_107], %swap3A_110 {strides = array<i32>} : memref<2x128x128xf32, #tpu.memory_space<vmem>>, vector<1x1x16xf32>,
      %swap3A_111 = arith.constant 0 : i32
      %swap3A_112 = arith.index_cast %swap3A_111 : i32 to index
      %swap3A_113 = arith.index_cast %add3A_104 : i32 to index
      %swap3A_114 = arith.constant 16 : index
      %swap3A_115 = tpu.vector_load %arg6[%swap3A_112, %swap3A_113, %swap3A_114] {strides = array<i32>} : memref<2x128x128xf32, #tpu.memory_space<vmem>>, vector<1x1x16xf32>,
      %swap3A_116 = vector.shape_cast %swap3A_115 : vector<1x1x16xf32> to vector<16xf32>
      %swap3A_117 = vector.shape_cast %broadcast_in_dim3A_44 : vector<16xf32> to vector<1x1x16xf32>
      tpu.vector_store %arg6[%swap3A_112, %swap3A_113, %swap3A_114], %swap3A_117 {strides = array<i32>} : memref<2x128x128xf32, #tpu.memory_space<vmem>>, vector<1x1x16xf32>,
      %swap3A_118 = arith.constant 0 : i32
      %swap3A_119 = arith.index_cast %swap3A_118 : i32 to index
      %swap3A_120 = arith.index_cast %add3A_104 : i32 to index
      %swap3A_121 = arith.constant 32 : index
      %swap3A_122 = tpu.vector_load %arg6[%swap3A_119, %swap3A_120, %swap3A_121] {strides = array<i32>} : memref<2x128x128xf32, #tpu.memory_space<vmem>>, vector<1x1x16xf32>,
      %swap3A_123 = vector.shape_cast %swap3A_122 : vector<1x1x16xf32> to vector<16xf32>
      %swap3A_124 = vector.shape_cast %broadcast_in_dim3A_44 : vector<16xf32> to vector<1x1x16xf32>
      tpu.vector_store %arg6[%swap3A_119, %swap3A_120, %swap3A_121], %swap3A_124 {strides = array<i32>} : memref<2x128x128xf32, #tpu.memory_space<vmem>>, vector<1x1x16xf32>,
      %swap3A_125 = arith.constant 0 : i32
      %swap3A_126 = arith.index_cast %swap3A_125 : i32 to index
      %swap3A_127 = arith.index_cast %add3A_104 : i32 to index
      %swap3A_128 = arith.constant 48 : index
      %swap3A_129 = tpu.vector_load %arg6[%swap3A_126, %swap3A_127, %swap3A_128] {strides = array<i32>} : memref<2x128x128xf32, #tpu.memory_space<vmem>>, vector<1x1x16xf32>,
      %swap3A_130 = vector.shape_cast %swap3A_129 : vector<1x1x16xf32> to vector<16xf32>
      %swap3A_131 = vector.shape_cast %broadcast_in_dim3A_44 : vector<16xf32> to vector<1x1x16xf32>
      tpu.vector_store %arg6[%swap3A_126, %swap3A_127, %swap3A_128], %swap3A_131 {strides = array<i32>} : memref<2x128x128xf32, #tpu.memory_space<vmem>>, vector<1x1x16xf32>,
      %swap3A_132 = arith.constant 0 : i32
      %swap3A_133 = arith.index_cast %swap3A_132 : i32 to index
      %swap3A_134 = arith.index_cast %add3A_104 : i32 to index
      %swap3A_135 = arith.constant 64 : index
      %swap3A_136 = tpu.vector_load %arg6[%swap3A_133, %swap3A_134, %swap3A_135] {strides = array<i32>} : memref<2x128x128xf32, #tpu.memory_space<vmem>>, vector<1x1x16xf32>,
      %swap3A_137 = vector.shape_cast %swap3A_136 : vector<1x1x16xf32> to vector<16xf32>
      %swap3A_138 = vector.shape_cast %broadcast_in_dim3A_44 : vector<16xf32> to vector<1x1x16xf32>
      tpu.vector_store %arg6[%swap3A_133, %swap3A_134, %swap3A_135], %swap3A_138 {strides = array<i32>} : memref<2x128x128xf32, #tpu.memory_space<vmem>>, vector<1x1x16xf32>,
      %swap3A_139 = arith.constant 0 : i32
      %swap3A_140 = arith.index_cast %swap3A_139 : i32 to index
      %swap3A_141 = arith.index_cast %add3A_104 : i32 to index
      %swap3A_142 = arith.constant 80 : index
      %swap3A_143 = tpu.vector_load %arg6[%swap3A_140, %swap3A_141, %swap3A_142] {strides = array<i32>} : memref<2x128x128xf32, #tpu.memory_space<vmem>>, vector<1x1x16xf32>,
      %swap3A_144 = vector.shape_cast %swap3A_143 : vector<1x1x16xf32> to vector<16xf32>
      %swap3A_145 = vector.shape_cast %broadcast_in_dim3A_44 : vector<16xf32> to vector<1x1x16xf32>
      tpu.vector_store %arg6[%swap3A_140, %swap3A_141, %swap3A_142], %swap3A_145 {strides = array<i32>} : memref<2x128x128xf32, #tpu.memory_space<vmem>>, vector<1x1x16xf32>,
      %swap3A_146 = arith.constant 0 : i32
      %swap3A_147 = arith.index_cast %swap3A_146 : i32 to index
      %swap3A_148 = arith.index_cast %add3A_104 : i32 to index
      %swap3A_149 = arith.constant 96 : index
      %swap3A_150 = tpu.vector_load %arg6[%swap3A_147, %swap3A_148, %swap3A_149] {strides = array<i32>} : memref<2x128x128xf32, #tpu.memory_space<vmem>>, vector<1x1x16xf32>,
      %swap3A_151 = vector.shape_cast %swap3A_150 : vector<1x1x16xf32> to vector<16xf32>
      %swap3A_152 = vector.shape_cast %broadcast_in_dim3A_44 : vector<16xf32> to vector<1x1x16xf32>
      tpu.vector_store %arg6[%swap3A_147, %swap3A_148, %swap3A_149], %swap3A_152 {strides = array<i32>} : memref<2x128x128xf32, #tpu.memory_space<vmem>>, vector<1x1x16xf32>,
      %swap3A_153 = arith.constant 0 : i32
      %swap3A_154 = arith.index_cast %swap3A_153 : i32 to index
      %swap3A_155 = arith.index_cast %add3A_104 : i32 to index
      %swap3A_156 = arith.constant 112 : index
      %swap3A_157 = tpu.vector_load %arg6[%swap3A_154, %swap3A_155, %swap3A_156] {strides = array<i32>} : memref<2x128x128xf32, #tpu.memory_space<vmem>>, vector<1x1x16xf32>,
      %swap3A_158 = vector.shape_cast %swap3A_157 : vector<1x1x16xf32> to vector<16xf32>
      %swap3A_159 = vector.shape_cast %broadcast_in_dim3A_44 : vector<16xf32> to vector<1x1x16xf32>
      tpu.vector_store %arg6[%swap3A_154, %swap3A_155, %swap3A_156], %swap3A_159 {strides = array<i32>} : memref<2x128x128xf32, #tpu.memory_space<vmem>>, vector<1x1x16xf32>,
    }
    %scan3A_48 = arith.constant 128 : i32
    %mul3A_49 = arith.constant 640 : i32
    %mul3A_50 = arith.muli %arg1, %mul3A_49 : i32
    %add3A_51 = arith.constant 0 : i32
    %add3A_52 = arith.addi %mul3A_50, %add3A_51 : i32
    %run_scoped3A = arith.constant 0 : i32
    "tpu.region"() ({
      %run_scoped3A_100 = tpu.sem_alloc : memref<!tpu.dma_semaphore, #tpu.memory_space<semaphore_mem>>
      %dma_start3A_101 = arith.constant 0 : i32
      %dma_start3A_102 = arith.constant 0 : i32
      %dma_start3A_103 = tpu.memref_slice %arg6[%run_scoped3A, %dma_start3A_101, %dma_start3A_102] : memref<2x128x128xf32, #tpu.memory_space<vmem>> -> memref<1x128x128xf32, #tpu.memory_space<vmem>>
      %dma_start3A_104 = tpu.memref_squeeze %dma_start3A_103 : memref<1x128x128xf32, #tpu.memory_space<vmem>> -> memref<128x128xf32, #tpu.memory_space<vmem>>
      %dma_start3A_105 = arith.constant 0 : i32
      %dma_start3A_106 = tpu.memref_slice %arg7[%add3A_52, %dma_start3A_105] : memref<10240x128xf32, #tpu.memory_space<vmem_shared>> -> memref<128x128xf32, #tpu.memory_space<vmem_shared>>
      %dma_start3A_107 = arith.constant 0 : i32
      %dma_start3A_108 = tpu.memref_slice %arg7[%add3A_52, %dma_start3A_107] : memref<10240x128xf32, #tpu.memory_space<vmem_shared>> -> memref<128x128xf32, #tpu.memory_space<vmem_shared>>
      %dma_start3A_109 = arith.constant 0 : i32
      %dma_start3A_110 = arith.constant 0 : i32
      %dma_start3A_111 = tpu.memref_slice %arg6[%run_scoped3A, %dma_start3A_109, %dma_start3A_110] : memref<2x128x128xf32, #tpu.memory_space<vmem>> -> memref<1x128x128xf32, #tpu.memory_space<vmem>>
      %dma_start3A_112 = tpu.memref_squeeze %dma_start3A_111 : memref<1x128x128xf32, #tpu.memory_space<vmem>> -> memref<128x128xf32, #tpu.memory_space<vmem>>
      tpu.enqueue_dma source(%dma_start3A_112 : memref<128x128xf32, #tpu.memory_space<vmem>>) target(%dma_start3A_108 : memref<128x128xf32, #tpu.memory_space<vmem_shared>>) target_semaphore(%run_scoped3A_100 : memref<!tpu.dma_semaphore, #tpu.memory_space<semaphore_mem>>)
      %dma_wait3A_113 = arith.constant 0 : i32
      %dma_wait3A_114 = arith.constant 0 : i32
      %dma_wait3A_115 = tpu.memref_slice %arg6[%run_scoped3A, %dma_wait3A_113, %dma_wait3A_114] : memref<2x128x128xf32, #tpu.memory_space<vmem>> -> memref<1x128x128xf32, #tpu.memory_space<vmem>>
      %dma_wait3A_116 = tpu.memref_squeeze %dma_wait3A_115 : memref<1x128x128xf32, #tpu.memory_space<vmem>> -> memref<128x128xf32, #tpu.memory_space<vmem>>
      %dma_wait3A_117 = arith.constant 0 : i32
      %dma_wait3A_118 = tpu.memref_slice %arg7[%add3A_52, %dma_wait3A_117] : memref<10240x128xf32, #tpu.memory_space<vmem_shared>> -> memref<128x128xf32, #tpu.memory_space<vmem_shared>>
      %dma_wait3A_119 = arith.constant 0 : i32
      %dma_wait3A_120 = tpu.memref_slice %arg7[%add3A_52, %dma_wait3A_119] : memref<10240x128xf32, #tpu.memory_space<vmem_shared>> -> memref<128x128xf32, #tpu.memory_space<vmem_shared>>
      %dma_wait3A_121 = arith.constant 0 : i32
      %dma_wait3A_122 = arith.constant 0 : i32
      %dma_wait3A_123 = tpu.memref_slice %arg6[%run_scoped3A, %dma_wait3A_121, %dma_wait3A_122] : memref<2x128x128xf32, #tpu.memory_space<vmem>> -> memref<1x128x128xf32, #tpu.memory_space<vmem>>
      %dma_wait3A_124 = tpu.memref_squeeze %dma_wait3A_123 : memref<1x128x128xf32, #tpu.memory_space<vmem>> -> memref<128x128xf32, #tpu.memory_space<vmem>>
      tpu.wait_dma2 semaphore(%run_scoped3A_100 : memref<!tpu.dma_semaphore, #tpu.memory_space<semaphore_mem>>) src(%dma_wait3A_124 : memref<128x128xf32, #tpu.memory_space<vmem>>) dst(%dma_wait3A_120 : memref<128x128xf32, #tpu.memory_space<vmem_shared>>)
      tpu.yield
    }) : () -> ()
    %add3A_53 = arith.constant 128 : i32
    %add3A_54 = arith.addi %mul3A_50, %add3A_53 : i32
    %run_scoped3A_55 = arith.constant 0 : i32
    "tpu.region"() ({
      %run_scoped3A_100 = tpu.sem_alloc : memref<!tpu.dma_semaphore, #tpu.memory_space<semaphore_mem>>
      %dma_start3A_101 = arith.constant 0 : i32
      %dma_start3A_102 = arith.constant 0 : i32
      %dma_start3A_103 = tpu.memref_slice %arg6[%run_scoped3A_55, %dma_start3A_101, %dma_start3A_102] : memref<2x128x128xf32, #tpu.memory_space<vmem>> -> memref<1x128x128xf32, #tpu.memory_space<vmem>>
      %dma_start3A_104 = tpu.memref_squeeze %dma_start3A_103 : memref<1x128x128xf32, #tpu.memory_space<vmem>> -> memref<128x128xf32, #tpu.memory_space<vmem>>
      %dma_start3A_105 = arith.constant 0 : i32
      %dma_start3A_106 = tpu.memref_slice %arg7[%add3A_54, %dma_start3A_105] : memref<10240x128xf32, #tpu.memory_space<vmem_shared>> -> memref<128x128xf32, #tpu.memory_space<vmem_shared>>
      %dma_start3A_107 = arith.constant 0 : i32
      %dma_start3A_108 = tpu.memref_slice %arg7[%add3A_54, %dma_start3A_107] : memref<10240x128xf32, #tpu.memory_space<vmem_shared>> -> memref<128x128xf32, #tpu.memory_space<vmem_shared>>
      %dma_start3A_109 = arith.constant 0 : i32
      %dma_start3A_110 = arith.constant 0 : i32
      %dma_start3A_111 = tpu.memref_slice %arg6[%run_scoped3A_55, %dma_start3A_109, %dma_start3A_110] : memref<2x128x128xf32, #tpu.memory_space<vmem>> -> memref<1x128x128xf32, #tpu.memory_space<vmem>>
      %dma_start3A_112 = tpu.memref_squeeze %dma_start3A_111 : memref<1x128x128xf32, #tpu.memory_space<vmem>> -> memref<128x128xf32, #tpu.memory_space<vmem>>
      tpu.enqueue_dma source(%dma_start3A_112 : memref<128x128xf32, #tpu.memory_space<vmem>>) target(%dma_start3A_108 : memref<128x128xf32, #tpu.memory_space<vmem_shared>>) target_semaphore(%run_scoped3A_100 : memref<!tpu.dma_semaphore, #tpu.memory_space<semaphore_mem>>)
      %dma_wait3A_113 = arith.constant 0 : i32
      %dma_wait3A_114 = arith.constant 0 : i32
      %dma_wait3A_115 = tpu.memref_slice %arg6[%run_scoped3A_55, %dma_wait3A_113, %dma_wait3A_114] : memref<2x128x128xf32, #tpu.memory_space<vmem>> -> memref<1x128x128xf32, #tpu.memory_space<vmem>>
      %dma_wait3A_116 = tpu.memref_squeeze %dma_wait3A_115 : memref<1x128x128xf32, #tpu.memory_space<vmem>> -> memref<128x128xf32, #tpu.memory_space<vmem>>
      %dma_wait3A_117 = arith.constant 0 : i32
      %dma_wait3A_118 = tpu.memref_slice %arg7[%add3A_54, %dma_wait3A_117] : memref<10240x128xf32, #tpu.memory_space<vmem_shared>> -> memref<128x128xf32, #tpu.memory_space<vmem_shared>>
      %dma_wait3A_119 = arith.constant 0 : i32
      %dma_wait3A_120 = tpu.memref_slice %arg7[%add3A_54, %dma_wait3A_119] : memref<10240x128xf32, #tpu.memory_space<vmem_shared>> -> memref<128x128xf32, #tpu.memory_space<vmem_shared>>
      %dma_wait3A_121 = arith.constant 0 : i32
      %dma_wait3A_122 = arith.constant 0 : i32
      %dma_wait3A_123 = tpu.memref_slice %arg6[%run_scoped3A_55, %dma_wait3A_121, %dma_wait3A_122] : memref<2x128x128xf32, #tpu.memory_space<vmem>> -> memref<1x128x128xf32, #tpu.memory_space<vmem>>
      %dma_wait3A_124 = tpu.memref_squeeze %dma_wait3A_123 : memref<1x128x128xf32, #tpu.memory_space<vmem>> -> memref<128x128xf32, #tpu.memory_space<vmem>>
      tpu.wait_dma2 semaphore(%run_scoped3A_100 : memref<!tpu.dma_semaphore, #tpu.memory_space<semaphore_mem>>) src(%dma_wait3A_124 : memref<128x128xf32, #tpu.memory_space<vmem>>) dst(%dma_wait3A_120 : memref<128x128xf32, #tpu.memory_space<vmem_shared>>)
      tpu.yield
    }) : () -> ()
    %add3A_56 = arith.constant 256 : i32
    %add3A_57 = arith.addi %mul3A_50, %add3A_56 : i32
    %run_scoped3A_58 = arith.constant 0 : i32
    "tpu.region"() ({
      %run_scoped3A_100 = tpu.sem_alloc : memref<!tpu.dma_semaphore, #tpu.memory_space<semaphore_mem>>
      %dma_start3A_101 = arith.constant 0 : i32
      %dma_start3A_102 = arith.constant 0 : i32
      %dma_start3A_103 = tpu.memref_slice %arg6[%run_scoped3A_58, %dma_start3A_101, %dma_start3A_102] : memref<2x128x128xf32, #tpu.memory_space<vmem>> -> memref<1x128x128xf32, #tpu.memory_space<vmem>>
      %dma_start3A_104 = tpu.memref_squeeze %dma_start3A_103 : memref<1x128x128xf32, #tpu.memory_space<vmem>> -> memref<128x128xf32, #tpu.memory_space<vmem>>
      %dma_start3A_105 = arith.constant 0 : i32
      %dma_start3A_106 = tpu.memref_slice %arg7[%add3A_57, %dma_start3A_105] : memref<10240x128xf32, #tpu.memory_space<vmem_shared>> -> memref<128x128xf32, #tpu.memory_space<vmem_shared>>
      %dma_start3A_107 = arith.constant 0 : i32
      %dma_start3A_108 = tpu.memref_slice %arg7[%add3A_57, %dma_start3A_107] : memref<10240x128xf32, #tpu.memory_space<vmem_shared>> -> memref<128x128xf32, #tpu.memory_space<vmem_shared>>
      %dma_start3A_109 = arith.constant 0 : i32
      %dma_start3A_110 = arith.constant 0 : i32
      %dma_start3A_111 = tpu.memref_slice %arg6[%run_scoped3A_58, %dma_start3A_109, %dma_start3A_110] : memref<2x128x128xf32, #tpu.memory_space<vmem>> -> memref<1x128x128xf32, #tpu.memory_space<vmem>>
      %dma_start3A_112 = tpu.memref_squeeze %dma_start3A_111 : memref<1x128x128xf32, #tpu.memory_space<vmem>> -> memref<128x128xf32, #tpu.memory_space<vmem>>
      tpu.enqueue_dma source(%dma_start3A_112 : memref<128x128xf32, #tpu.memory_space<vmem>>) target(%dma_start3A_108 : memref<128x128xf32, #tpu.memory_space<vmem_shared>>) target_semaphore(%run_scoped3A_100 : memref<!tpu.dma_semaphore, #tpu.memory_space<semaphore_mem>>)
      %dma_wait3A_113 = arith.constant 0 : i32
      %dma_wait3A_114 = arith.constant 0 : i32
      %dma_wait3A_115 = tpu.memref_slice %arg6[%run_scoped3A_58, %dma_wait3A_113, %dma_wait3A_114] : memref<2x128x128xf32, #tpu.memory_space<vmem>> -> memref<1x128x128xf32, #tpu.memory_space<vmem>>
      %dma_wait3A_116 = tpu.memref_squeeze %dma_wait3A_115 : memref<1x128x128xf32, #tpu.memory_space<vmem>> -> memref<128x128xf32, #tpu.memory_space<vmem>>
      %dma_wait3A_117 = arith.constant 0 : i32
      %dma_wait3A_118 = tpu.memref_slice %arg7[%add3A_57, %dma_wait3A_117] : memref<10240x128xf32, #tpu.memory_space<vmem_shared>> -> memref<128x128xf32, #tpu.memory_space<vmem_shared>>
      %dma_wait3A_119 = arith.constant 0 : i32
      %dma_wait3A_120 = tpu.memref_slice %arg7[%add3A_57, %dma_wait3A_119] : memref<10240x128xf32, #tpu.memory_space<vmem_shared>> -> memref<128x128xf32, #tpu.memory_space<vmem_shared>>
      %dma_wait3A_121 = arith.constant 0 : i32
      %dma_wait3A_122 = arith.constant 0 : i32
      %dma_wait3A_123 = tpu.memref_slice %arg6[%run_scoped3A_58, %dma_wait3A_121, %dma_wait3A_122] : memref<2x128x128xf32, #tpu.memory_space<vmem>> -> memref<1x128x128xf32, #tpu.memory_space<vmem>>
      %dma_wait3A_124 = tpu.memref_squeeze %dma_wait3A_123 : memref<1x128x128xf32, #tpu.memory_space<vmem>> -> memref<128x128xf32, #tpu.memory_space<vmem>>
      tpu.wait_dma2 semaphore(%run_scoped3A_100 : memref<!tpu.dma_semaphore, #tpu.memory_space<semaphore_mem>>) src(%dma_wait3A_124 : memref<128x128xf32, #tpu.memory_space<vmem>>) dst(%dma_wait3A_120 : memref<128x128xf32, #tpu.memory_space<vmem_shared>>)
      tpu.yield
    }) : () -> ()
    %add3A_59 = arith.constant 384 : i32
    %add3A_60 = arith.addi %mul3A_50, %add3A_59 : i32
    %run_scoped3A_61 = arith.constant 0 : i32
    "tpu.region"() ({
      %run_scoped3A_100 = tpu.sem_alloc : memref<!tpu.dma_semaphore, #tpu.memory_space<semaphore_mem>>
      %dma_start3A_101 = arith.constant 0 : i32
      %dma_start3A_102 = arith.constant 0 : i32
      %dma_start3A_103 = tpu.memref_slice %arg6[%run_scoped3A_61, %dma_start3A_101, %dma_start3A_102] : memref<2x128x128xf32, #tpu.memory_space<vmem>> -> memref<1x128x128xf32, #tpu.memory_space<vmem>>
      %dma_start3A_104 = tpu.memref_squeeze %dma_start3A_103 : memref<1x128x128xf32, #tpu.memory_space<vmem>> -> memref<128x128xf32, #tpu.memory_space<vmem>>
      %dma_start3A_105 = arith.constant 0 : i32
      %dma_start3A_106 = tpu.memref_slice %arg7[%add3A_60, %dma_start3A_105] : memref<10240x128xf32, #tpu.memory_space<vmem_shared>> -> memref<128x128xf32, #tpu.memory_space<vmem_shared>>
      %dma_start3A_107 = arith.constant 0 : i32
      %dma_start3A_108 = tpu.memref_slice %arg7[%add3A_60, %dma_start3A_107] : memref<10240x128xf32, #tpu.memory_space<vmem_shared>> -> memref<128x128xf32, #tpu.memory_space<vmem_shared>>
      %dma_start3A_109 = arith.constant 0 : i32
      %dma_start3A_110 = arith.constant 0 : i32
      %dma_start3A_111 = tpu.memref_slice %arg6[%run_scoped3A_61, %dma_start3A_109, %dma_start3A_110] : memref<2x128x128xf32, #tpu.memory_space<vmem>> -> memref<1x128x128xf32, #tpu.memory_space<vmem>>
      %dma_start3A_112 = tpu.memref_squeeze %dma_start3A_111 : memref<1x128x128xf32, #tpu.memory_space<vmem>> -> memref<128x128xf32, #tpu.memory_space<vmem>>
      tpu.enqueue_dma source(%dma_start3A_112 : memref<128x128xf32, #tpu.memory_space<vmem>>) target(%dma_start3A_108 : memref<128x128xf32, #tpu.memory_space<vmem_shared>>) target_semaphore(%run_scoped3A_100 : memref<!tpu.dma_semaphore, #tpu.memory_space<semaphore_mem>>)
      %dma_wait3A_113 = arith.constant 0 : i32
      %dma_wait3A_114 = arith.constant 0 : i32
      %dma_wait3A_115 = tpu.memref_slice %arg6[%run_scoped3A_61, %dma_wait3A_113, %dma_wait3A_114] : memref<2x128x128xf32, #tpu.memory_space<vmem>> -> memref<1x128x128xf32, #tpu.memory_space<vmem>>
      %dma_wait3A_116 = tpu.memref_squeeze %dma_wait3A_115 : memref<1x128x128xf32, #tpu.memory_space<vmem>> -> memref<128x128xf32, #tpu.memory_space<vmem>>
      %dma_wait3A_117 = arith.constant 0 : i32
      %dma_wait3A_118 = tpu.memref_slice %arg7[%add3A_60, %dma_wait3A_117] : memref<10240x128xf32, #tpu.memory_space<vmem_shared>> -> memref<128x128xf32, #tpu.memory_space<vmem_shared>>
      %dma_wait3A_119 = arith.constant 0 : i32
      %dma_wait3A_120 = tpu.memref_slice %arg7[%add3A_60, %dma_wait3A_119] : memref<10240x128xf32, #tpu.memory_space<vmem_shared>> -> memref<128x128xf32, #tpu.memory_space<vmem_shared>>
      %dma_wait3A_121 = arith.constant 0 : i32
      %dma_wait3A_122 = arith.constant 0 : i32
      %dma_wait3A_123 = tpu.memref_slice %arg6[%run_scoped3A_61, %dma_wait3A_121, %dma_wait3A_122] : memref<2x128x128xf32, #tpu.memory_space<vmem>> -> memref<1x128x128xf32, #tpu.memory_space<vmem>>
      %dma_wait3A_124 = tpu.memref_squeeze %dma_wait3A_123 : memref<1x128x128xf32, #tpu.memory_space<vmem>> -> memref<128x128xf32, #tpu.memory_space<vmem>>
      tpu.wait_dma2 semaphore(%run_scoped3A_100 : memref<!tpu.dma_semaphore, #tpu.memory_space<semaphore_mem>>) src(%dma_wait3A_124 : memref<128x128xf32, #tpu.memory_space<vmem>>) dst(%dma_wait3A_120 : memref<128x128xf32, #tpu.memory_space<vmem_shared>>)
      tpu.yield
    }) : () -> ()
    %add3A_62 = arith.constant 512 : i32
    %add3A_63 = arith.addi %mul3A_50, %add3A_62 : i32
    %run_scoped3A_64 = arith.constant 0 : i32
    "tpu.region"() ({
      %run_scoped3A_100 = tpu.sem_alloc : memref<!tpu.dma_semaphore, #tpu.memory_space<semaphore_mem>>
      %dma_start3A_101 = arith.constant 0 : i32
      %dma_start3A_102 = arith.constant 0 : i32
      %dma_start3A_103 = tpu.memref_slice %arg6[%run_scoped3A_64, %dma_start3A_101, %dma_start3A_102] : memref<2x128x128xf32, #tpu.memory_space<vmem>> -> memref<1x128x128xf32, #tpu.memory_space<vmem>>
      %dma_start3A_104 = tpu.memref_squeeze %dma_start3A_103 : memref<1x128x128xf32, #tpu.memory_space<vmem>> -> memref<128x128xf32, #tpu.memory_space<vmem>>
      %dma_start3A_105 = arith.constant 0 : i32
      %dma_start3A_106 = tpu.memref_slice %arg7[%add3A_63, %dma_start3A_105] : memref<10240x128xf32, #tpu.memory_space<vmem_shared>> -> memref<128x128xf32, #tpu.memory_space<vmem_shared>>
      %dma_start3A_107 = arith.constant 0 : i32
      %dma_start3A_108 = tpu.memref_slice %arg7[%add3A_63, %dma_start3A_107] : memref<10240x128xf32, #tpu.memory_space<vmem_shared>> -> memref<128x128xf32, #tpu.memory_space<vmem_shared>>
      %dma_start3A_109 = arith.constant 0 : i32
      %dma_start3A_110 = arith.constant 0 : i32
      %dma_start3A_111 = tpu.memref_slice %arg6[%run_scoped3A_64, %dma_start3A_109, %dma_start3A_110] : memref<2x128x128xf32, #tpu.memory_space<vmem>> -> memref<1x128x128xf32, #tpu.memory_space<vmem>>
      %dma_start3A_112 = tpu.memref_squeeze %dma_start3A_111 : memref<1x128x128xf32, #tpu.memory_space<vmem>> -> memref<128x128xf32, #tpu.memory_space<vmem>>
      tpu.enqueue_dma source(%dma_start3A_112 : memref<128x128xf32, #tpu.memory_space<vmem>>) target(%dma_start3A_108 : memref<128x128xf32, #tpu.memory_space<vmem_shared>>) target_semaphore(%run_scoped3A_100 : memref<!tpu.dma_semaphore, #tpu.memory_space<semaphore_mem>>)
      %dma_wait3A_113 = arith.constant 0 : i32
      %dma_wait3A_114 = arith.constant 0 : i32
      %dma_wait3A_115 = tpu.memref_slice %arg6[%run_scoped3A_64, %dma_wait3A_113, %dma_wait3A_114] : memref<2x128x128xf32, #tpu.memory_space<vmem>> -> memref<1x128x128xf32, #tpu.memory_space<vmem>>
      %dma_wait3A_116 = tpu.memref_squeeze %dma_wait3A_115 : memref<1x128x128xf32, #tpu.memory_space<vmem>> -> memref<128x128xf32, #tpu.memory_space<vmem>>
      %dma_wait3A_117 = arith.constant 0 : i32
      %dma_wait3A_118 = tpu.memref_slice %arg7[%add3A_63, %dma_wait3A_117] : memref<10240x128xf32, #tpu.memory_space<vmem_shared>> -> memref<128x128xf32, #tpu.memory_space<vmem_shared>>
      %dma_wait3A_119 = arith.constant 0 : i32
      %dma_wait3A_120 = tpu.memref_slice %arg7[%add3A_63, %dma_wait3A_119] : memref<10240x128xf32, #tpu.memory_space<vmem_shared>> -> memref<128x128xf32, #tpu.memory_space<vmem_shared>>
      %dma_wait3A_121 = arith.constant 0 : i32
      %dma_wait3A_122 = arith.constant 0 : i32
      %dma_wait3A_123 = tpu.memref_slice %arg6[%run_scoped3A_64, %dma_wait3A_121, %dma_wait3A_122] : memref<2x128x128xf32, #tpu.memory_space<vmem>> -> memref<1x128x128xf32, #tpu.memory_space<vmem>>
      %dma_wait3A_124 = tpu.memref_squeeze %dma_wait3A_123 : memref<1x128x128xf32, #tpu.memory_space<vmem>> -> memref<128x128xf32, #tpu.memory_space<vmem>>
      tpu.wait_dma2 semaphore(%run_scoped3A_100 : memref<!tpu.dma_semaphore, #tpu.memory_space<semaphore_mem>>) src(%dma_wait3A_124 : memref<128x128xf32, #tpu.memory_space<vmem>>) dst(%dma_wait3A_120 : memref<128x128xf32, #tpu.memory_space<vmem_shared>>)
      tpu.yield
    }) : () -> ()
    %dma_wait3A = arith.constant 0 : i32
    %dma_wait3A_65 = arith.constant 0 : i32
    %dma_wait3A_66 = arith.constant 0 : i32
    %dma_wait3A_67 = tpu.memref_slice %arg5[%dma_wait3A, %dma_wait3A_65, %dma_wait3A_66] : memref<2x2x128xi32, #tpu.memory_space<vmem>> -> memref<1x2x128xi32, #tpu.memory_space<vmem>>
    %dma_wait3A_68 = tpu.memref_squeeze %dma_wait3A_67 : memref<1x2x128xi32, #tpu.memory_space<vmem>> -> memref<2x128xi32, #tpu.memory_space<vmem>>
    %dma_wait3A_69 = arith.constant 0 : i32
    %dma_wait3A_70 = arith.constant 0 : i32
    %dma_wait3A_71 = tpu.memref_slice %arg3[%select_n3A_8, %dma_wait3A_69, %dma_wait3A_70] : memref<2528x2x128xi32, #tpu.memory_space<hbm>> -> memref<1x2x128xi32, #tpu.memory_space<hbm>>
    %dma_wait3A_72 = tpu.memref_squeeze %dma_wait3A_71 : memref<1x2x128xi32, #tpu.memory_space<hbm>> -> memref<2x128xi32, #tpu.memory_space<hbm>>
    %dma_wait3A_73 = arith.constant 0 : i32
    %dma_wait3A_74 = arith.constant 0 : i32
    %dma_wait3A_75 = tpu.memref_slice %arg5[%dma_wait3A, %dma_wait3A_73, %dma_wait3A_74] : memref<2x2x128xi32, #tpu.memory_space<vmem>> -> memref<1x2x128xi32, #tpu.memory_space<vmem>>
    %dma_wait3A_76 = tpu.memref_squeeze %dma_wait3A_75 : memref<1x2x128xi32, #tpu.memory_space<vmem>> -> memref<2x128xi32, #tpu.memory_space<vmem>>
    %dma_wait3A_77 = arith.constant 0 : i32
    %dma_wait3A_78 = arith.constant 0 : i32
    %dma_wait3A_79 = tpu.memref_slice %arg3[%select_n3A_8, %dma_wait3A_77, %dma_wait3A_78] : memref<2528x2x128xi32, #tpu.memory_space<hbm>> -> memref<1x2x128xi32, #tpu.memory_space<hbm>>
    %dma_wait3A_80 = tpu.memref_squeeze %dma_wait3A_79 : memref<1x2x128xi32, #tpu.memory_space<hbm>> -> memref<2x128xi32, #tpu.memory_space<hbm>>
    tpu.wait_dma2 semaphore(%arg8 : memref<!tpu.dma_semaphore, #tpu.memory_space<semaphore_mem>>) src(%dma_wait3A_80 : memref<2x128xi32, #tpu.memory_space<hbm>>) dst(%dma_wait3A_76 : memref<2x128xi32, #tpu.memory_space<vmem>>)
    %dma_start3A_81 = arith.constant 0 : i32
    %dma_start3A_82 = arith.constant 0 : i32
    %dma_start3A_83 = arith.constant 0 : i32
    %dma_start3A_84 = arith.constant 0 : i32
    %dma_start3A_85 = arith.constant 0 : i32
    %dma_start3A_86 = tpu.memref_slice %arg6[%dma_start3A_83, %dma_start3A_84, %dma_start3A_85] : memref<2x128x128xf32, #tpu.memory_space<vmem>> -> memref<1x128x128xf32, #tpu.memory_space<vmem>>
    %dma_start3A_87 = tpu.memref_squeeze %dma_start3A_86 : memref<1x128x128xf32, #tpu.memory_space<vmem>> -> memref<128x128xf32, #tpu.memory_space<vmem>>
    %dma_start3A_88 = arith.constant 0 : i32
    %dma_start3A_89 = tpu.memref_slice %arg5[%dma_start3A_81, %dma_start3A_82, %dma_start3A_88] : memref<2x2x128xi32, #tpu.memory_space<vmem>> -> memref<1x1x128xi32, #tpu.memory_space<vmem>>
    %dma_start3A_90 = tpu.memref_squeeze %dma_start3A_89 : memref<1x1x128xi32, #tpu.memory_space<vmem>> -> memref<128xi32, #tpu.memory_space<vmem>>
    %dma_start3A_91 = arith.constant 0 : i32
    %dma_start3A_92 = arith.constant 0 : i32
    %dma_start3A_93 = tpu.memref_slice %arg2[%dma_start3A_91, %dma_start3A_92] : memref<10240x128xf32, #tpu.memory_space<hbm>> -> memref<10240x128xf32, #tpu.memory_space<hbm>>
    tpu.enqueue_indirect_dma source(%dma_start3A_93 : memref<10240x128xf32, #tpu.memory_space<hbm>>) target(%dma_start3A_87 : memref<128x128xf32, #tpu.memory_space<vmem>>) offsets(%dma_start3A_90 : memref<128xi32, #tpu.memory_space<vmem>>) semaphore(%arg10 : memref<!tpu.dma_semaphore, #tpu.memory_space<semaphore_mem>>)
    %barrier3A = arith.constant 0 : index
    tpu.barrier barrier_id(%barrier3A)
    %scan3A_94 = arith.constant 0 : i32
    %scan3A_95 = arith.constant 79 : i32
    %scan3A_96 = arith.addi %scan3A_94, %scan3A_95 : i32
    %scan3A_97 = arith.constant 1 : i32
    scf.for %scan3A_100 = %scan3A_94 to %scan3A_96 step %scan3A_97  : i32 {
      %mul3A_101 = arith.constant 2 : i32
      %mul3A_102 = arith.muli %scan3A_100, %mul3A_101 : i32
      %add3A_103 = arith.constant 0 : i32
      %add3A_104 = arith.addi %add3A_103, %mul3A_102 : i32
      %add3A_105 = arith.constant 0 : i32
      %add3A_106 = arith.addi %add3A_104, %add3A_105 : i32
      %lt3A = arith.cmpi slt, %add3A_106, %select_n3A : i32
      %convert_element_type3A = arith.extui %lt3A : i1 to i32
      %cond3A = arith.constant 0 : i32
      %cond3A_107 = arith.cmpi ne, %convert_element_type3A, %cond3A : i32
      scf.if %cond3A_107 {
        %add3A_114 = arith.constant 1 : i32
        %add3A_115 = arith.addi %add3A_106, %add3A_114 : i32
        %lt3A_116 = arith.cmpi slt, %add3A_115, %select_n3A : i32
        %convert_element_type3A_117 = arith.extui %lt3A_116 : i1 to i32
        %cond3A_118 = arith.constant 0 : i32
        %cond3A_119 = arith.cmpi ne, %convert_element_type3A_117, %cond3A_118 : i32
        scf.if %cond3A_119 {
          %dma_wait3A_142 = arith.constant 1 : i32
          %dma_wait3A_143 = arith.constant 0 : i32
          %dma_wait3A_144 = arith.constant 0 : i32
          %dma_wait3A_145 = tpu.memref_slice %arg5[%dma_wait3A_142, %dma_wait3A_143, %dma_wait3A_144] : memref<2x2x128xi32, #tpu.memory_space<vmem>> -> memref<1x2x128xi32, #tpu.memory_space<vmem>>
          %dma_wait3A_146 = tpu.memref_squeeze %dma_wait3A_145 : memref<1x2x128xi32, #tpu.memory_space<vmem>> -> memref<2x128xi32, #tpu.memory_space<vmem>>
          %dma_wait3A_147 = arith.constant 0 : i32
          %dma_wait3A_148 = arith.constant 0 : i32
          %dma_wait3A_149 = tpu.memref_slice %arg3[%select_n3A_8, %dma_wait3A_147, %dma_wait3A_148] : memref<2528x2x128xi32, #tpu.memory_space<hbm>> -> memref<1x2x128xi32, #tpu.memory_space<hbm>>
          %dma_wait3A_150 = tpu.memref_squeeze %dma_wait3A_149 : memref<1x2x128xi32, #tpu.memory_space<hbm>> -> memref<2x128xi32, #tpu.memory_space<hbm>>
          %dma_wait3A_151 = arith.constant 0 : i32
          %dma_wait3A_152 = arith.constant 0 : i32
          %dma_wait3A_153 = tpu.memref_slice %arg5[%dma_wait3A_142, %dma_wait3A_151, %dma_wait3A_152] : memref<2x2x128xi32, #tpu.memory_space<vmem>> -> memref<1x2x128xi32, #tpu.memory_space<vmem>>
          %dma_wait3A_154 = tpu.memref_squeeze %dma_wait3A_153 : memref<1x2x128xi32, #tpu.memory_space<vmem>> -> memref<2x128xi32, #tpu.memory_space<vmem>>
          %dma_wait3A_155 = arith.constant 0 : i32
          %dma_wait3A_156 = arith.constant 0 : i32
          %dma_wait3A_157 = tpu.memref_slice %arg3[%select_n3A_8, %dma_wait3A_155, %dma_wait3A_156] : memref<2528x2x128xi32, #tpu.memory_space<hbm>> -> memref<1x2x128xi32, #tpu.memory_space<hbm>>
          %dma_wait3A_158 = tpu.memref_squeeze %dma_wait3A_157 : memref<1x2x128xi32, #tpu.memory_space<hbm>> -> memref<2x128xi32, #tpu.memory_space<hbm>>
          tpu.wait_dma2 semaphore(%arg9 : memref<!tpu.dma_semaphore, #tpu.memory_space<semaphore_mem>>) src(%dma_wait3A_158 : memref<2x128xi32, #tpu.memory_space<hbm>>) dst(%dma_wait3A_154 : memref<2x128xi32, #tpu.memory_space<vmem>>)
          %dma_start3A_159 = arith.constant 1 : i32
          %dma_start3A_160 = arith.constant 0 : i32
          %dma_start3A_161 = arith.constant 1 : i32
          %dma_start3A_162 = arith.constant 0 : i32
          %dma_start3A_163 = arith.constant 0 : i32
          %dma_start3A_164 = tpu.memref_slice %arg6[%dma_start3A_161, %dma_start3A_162, %dma_start3A_163] : memref<2x128x128xf32, #tpu.memory_space<vmem>> -> memref<1x128x128xf32, #tpu.memory_space<vmem>>
          %dma_start3A_165 = tpu.memref_squeeze %dma_start3A_164 : memref<1x128x128xf32, #tpu.memory_space<vmem>> -> memref<128x128xf32, #tpu.memory_space<vmem>>
          %dma_start3A_166 = arith.constant 0 : i32
          %dma_start3A_167 = tpu.memref_slice %arg5[%dma_start3A_159, %dma_start3A_160, %dma_start3A_166] : memref<2x2x128xi32, #tpu.memory_space<vmem>> -> memref<1x1x128xi32, #tpu.memory_space<vmem>>
          %dma_start3A_168 = tpu.memref_squeeze %dma_start3A_167 : memref<1x1x128xi32, #tpu.memory_space<vmem>> -> memref<128xi32, #tpu.memory_space<vmem>>
          %dma_start3A_169 = arith.constant 0 : i32
          %dma_start3A_170 = arith.constant 0 : i32
          %dma_start3A_171 = tpu.memref_slice %arg2[%dma_start3A_169, %dma_start3A_170] : memref<10240x128xf32, #tpu.memory_space<hbm>> -> memref<10240x128xf32, #tpu.memory_space<hbm>>
          tpu.enqueue_indirect_dma source(%dma_start3A_171 : memref<10240x128xf32, #tpu.memory_space<hbm>>) target(%dma_start3A_165 : memref<128x128xf32, #tpu.memory_space<vmem>>) offsets(%dma_start3A_168 : memref<128xi32, #tpu.memory_space<vmem>>) semaphore(%arg11 : memref<!tpu.dma_semaphore, #tpu.memory_space<semaphore_mem>>)
        } else {
        }
        %dma_wait3A_120 = arith.constant 0 : i32
        %dma_wait3A_121 = arith.constant 0 : i32
        %dma_wait3A_122 = arith.constant 0 : i32
        %dma_wait3A_123 = arith.constant 0 : i32
        %dma_wait3A_124 = arith.constant 0 : i32
        %dma_wait3A_125 = tpu.memref_slice %arg6[%dma_wait3A_122, %dma_wait3A_123, %dma_wait3A_124] : memref<2x128x128xf32, #tpu.memory_space<vmem>> -> memref<1x128x128xf32, #tpu.memory_space<vmem>>
        %dma_wait3A_126 = tpu.memref_squeeze %dma_wait3A_125 : memref<1x128x128xf32, #tpu.memory_space<vmem>> -> memref<128x128xf32, #tpu.memory_space<vmem>>
        %dma_wait3A_127 = arith.constant 0 : i32
        %dma_wait3A_128 = tpu.memref_slice %arg5[%dma_wait3A_120, %dma_wait3A_121, %dma_wait3A_127] : memref<2x2x128xi32, #tpu.memory_space<vmem>> -> memref<1x1x128xi32, #tpu.memory_space<vmem>>
        %dma_wait3A_129 = tpu.memref_squeeze %dma_wait3A_128 : memref<1x1x128xi32, #tpu.memory_space<vmem>> -> memref<128xi32, #tpu.memory_space<vmem>>
        %dma_wait3A_130 = arith.constant 0 : i32
        %dma_wait3A_131 = arith.constant 0 : i32
        %dma_wait3A_132 = tpu.memref_slice %arg2[%dma_wait3A_130, %dma_wait3A_131] : memref<10240x128xf32, #tpu.memory_space<hbm>> -> memref<10240x128xf32, #tpu.memory_space<hbm>>
        tpu.wait_indirect_dma semaphore(%arg10 : memref<!tpu.dma_semaphore, #tpu.memory_space<semaphore_mem>>) src(%dma_wait3A_132 : memref<10240x128xf32, #tpu.memory_space<hbm>>) dst(%dma_wait3A_126 : memref<128x128xf32, #tpu.memory_space<vmem>>)
        %run_scoped3A_133 = arith.constant 0 : i32
        %run_scoped3A_134 = arith.constant 0 : i32
        %run_scoped3A_135 = arith.constant 1 : i32
        "tpu.region"() ({
          %run_scoped3A_142 = tpu.sem_alloc : memref<!tpu.dma_semaphore, #tpu.memory_space<semaphore_mem>>
          %dma_start3A_143 = arith.constant 0 : i32
          %dma_start3A_144 = arith.constant 0 : i32
          %dma_start3A_145 = tpu.memref_slice %arg6[%run_scoped3A_133, %dma_start3A_143, %dma_start3A_144] : memref<2x128x128xf32, #tpu.memory_space<vmem>> -> memref<1x128x128xf32, #tpu.memory_space<vmem>>
          %dma_start3A_146 = tpu.memref_squeeze %dma_start3A_145 : memref<1x128x128xf32, #tpu.memory_space<vmem>> -> memref<128x128xf32, #tpu.memory_space<vmem>>
          %dma_start3A_147 = arith.constant 0 : i32
          %dma_start3A_148 = tpu.memref_slice %arg5[%run_scoped3A_134, %run_scoped3A_135, %dma_start3A_147] : memref<2x2x128xi32, #tpu.memory_space<vmem>> -> memref<1x1x128xi32, #tpu.memory_space<vmem>>
          %dma_start3A_149 = tpu.memref_squeeze %dma_start3A_148 : memref<1x1x128xi32, #tpu.memory_space<vmem>> -> memref<128xi32, #tpu.memory_space<vmem>>
          %dma_start3A_150 = arith.constant 0 : i32
          %dma_start3A_151 = arith.constant 0 : i32
          %dma_start3A_152 = tpu.memref_slice %arg7[%dma_start3A_150, %dma_start3A_151] : memref<10240x128xf32, #tpu.memory_space<vmem_shared>> -> memref<10240x128xf32, #tpu.memory_space<vmem_shared>>
          tpu.enqueue_indirect_dma source(%dma_start3A_146 : memref<128x128xf32, #tpu.memory_space<vmem>>) target(%dma_start3A_152 : memref<10240x128xf32, #tpu.memory_space<vmem_shared>>) offsets(%dma_start3A_149 : memref<128xi32, #tpu.memory_space<vmem>>) semaphore(%run_scoped3A_142 : memref<!tpu.dma_semaphore, #tpu.memory_space<semaphore_mem>>) {add = true}
          %dma_wait3A_153 = arith.constant 0 : i32
          %dma_wait3A_154 = arith.constant 0 : i32
          %dma_wait3A_155 = tpu.memref_slice %arg6[%run_scoped3A_133, %dma_wait3A_153, %dma_wait3A_154] : memref<2x128x128xf32, #tpu.memory_space<vmem>> -> memref<1x128x128xf32, #tpu.memory_space<vmem>>
          %dma_wait3A_156 = tpu.memref_squeeze %dma_wait3A_155 : memref<1x128x128xf32, #tpu.memory_space<vmem>> -> memref<128x128xf32, #tpu.memory_space<vmem>>
          %dma_wait3A_157 = arith.constant 0 : i32
          %dma_wait3A_158 = tpu.memref_slice %arg5[%run_scoped3A_134, %run_scoped3A_135, %dma_wait3A_157] : memref<2x2x128xi32, #tpu.memory_space<vmem>> -> memref<1x1x128xi32, #tpu.memory_space<vmem>>
          %dma_wait3A_159 = tpu.memref_squeeze %dma_wait3A_158 : memref<1x1x128xi32, #tpu.memory_space<vmem>> -> memref<128xi32, #tpu.memory_space<vmem>>
          %dma_wait3A_160 = arith.constant 0 : i32
          %dma_wait3A_161 = arith.constant 0 : i32
          %dma_wait3A_162 = tpu.memref_slice %arg7[%dma_wait3A_160, %dma_wait3A_161] : memref<10240x128xf32, #tpu.memory_space<vmem_shared>> -> memref<10240x128xf32, #tpu.memory_space<vmem_shared>>
          tpu.wait_indirect_dma semaphore(%run_scoped3A_142 : memref<!tpu.dma_semaphore, #tpu.memory_space<semaphore_mem>>) src(%dma_wait3A_156 : memref<128x128xf32, #tpu.memory_space<vmem>>) dst(%dma_wait3A_162 : memref<10240x128xf32, #tpu.memory_space<vmem_shared>>)
          tpu.yield
        }) : () -> ()
        %add3A_136 = arith.constant 2 : i32
        %add3A_137 = arith.addi %add3A_106, %add3A_136 : i32
        %lt3A_138 = arith.cmpi slt, %add3A_137, %select_n3A : i32
        %convert_element_type3A_139 = arith.extui %lt3A_138 : i1 to i32
        %cond3A_140 = arith.constant 0 : i32
        %cond3A_141 = arith.cmpi ne, %convert_element_type3A_139, %cond3A_140 : i32
        scf.if %cond3A_141 {
          %add3A_142 = arith.addi %select_n3A_8, %add3A_106 : i32
          %add3A_143 = arith.constant 2 : i32
          %add3A_144 = arith.addi %add3A_142, %add3A_143 : i32
          %dma_start3A_145 = arith.constant 0 : i32
          %dma_start3A_146 = arith.constant 0 : i32
          %dma_start3A_147 = arith.constant 0 : i32
          %dma_start3A_148 = tpu.memref_slice %arg5[%dma_start3A_145, %dma_start3A_146, %dma_start3A_147] : memref<2x2x128xi32, #tpu.memory_space<vmem>> -> memref<1x2x128xi32, #tpu.memory_space<vmem>>
          %dma_start3A_149 = tpu.memref_squeeze %dma_start3A_148 : memref<1x2x128xi32, #tpu.memory_space<vmem>> -> memref<2x128xi32, #tpu.memory_space<vmem>>
          %dma_start3A_150 = arith.constant 0 : i32
          %dma_start3A_151 = arith.constant 0 : i32
          %dma_start3A_152 = tpu.memref_slice %arg3[%add3A_144, %dma_start3A_150, %dma_start3A_151] : memref<2528x2x128xi32, #tpu.memory_space<hbm>> -> memref<1x2x128xi32, #tpu.memory_space<hbm>>
          %dma_start3A_153 = tpu.memref_squeeze %dma_start3A_152 : memref<1x2x128xi32, #tpu.memory_space<hbm>> -> memref<2x128xi32, #tpu.memory_space<hbm>>
          %dma_start3A_154 = arith.constant 0 : i32
          %dma_start3A_155 = arith.constant 0 : i32
          %dma_start3A_156 = tpu.memref_slice %arg5[%dma_start3A_145, %dma_start3A_154, %dma_start3A_155] : memref<2x2x128xi32, #tpu.memory_space<vmem>> -> memref<1x2x128xi32, #tpu.memory_space<vmem>>
          %dma_start3A_157 = tpu.memref_squeeze %dma_start3A_156 : memref<1x2x128xi32, #tpu.memory_space<vmem>> -> memref<2x128xi32, #tpu.memory_space<vmem>>
          %dma_start3A_158 = arith.constant 0 : i32
          %dma_start3A_159 = arith.constant 0 : i32
          %dma_start3A_160 = tpu.memref_slice %arg3[%add3A_144, %dma_start3A_158, %dma_start3A_159] : memref<2528x2x128xi32, #tpu.memory_space<hbm>> -> memref<1x2x128xi32, #tpu.memory_space<hbm>>
          %dma_start3A_161 = tpu.memref_squeeze %dma_start3A_160 : memref<1x2x128xi32, #tpu.memory_space<hbm>> -> memref<2x128xi32, #tpu.memory_space<hbm>>
          tpu.enqueue_dma source(%dma_start3A_161 : memref<2x128xi32, #tpu.memory_space<hbm>>) target(%dma_start3A_157 : memref<2x128xi32, #tpu.memory_space<vmem>>) target_semaphore(%arg8 : memref<!tpu.dma_semaphore, #tpu.memory_space<semaphore_mem>>)
        } else {
        }
      } else {
      }
      %add3A_108 = arith.constant 1 : i32
      %add3A_109 = arith.addi %add3A_104, %add3A_108 : i32
      %lt3A_110 = arith.cmpi slt, %add3A_109, %select_n3A : i32
      %convert_element_type3A_111 = arith.extui %lt3A_110 : i1 to i32
      %cond3A_112 = arith.constant 0 : i32
      %cond3A_113 = arith.cmpi ne, %convert_element_type3A_111, %cond3A_112 : i32
      scf.if %cond3A_113 {
        %add3A_114 = arith.constant 1 : i32
        %add3A_115 = arith.addi %add3A_109, %add3A_114 : i32
        %lt3A_116 = arith.cmpi slt, %add3A_115, %select_n3A : i32
        %convert_element_type3A_117 = arith.extui %lt3A_116 : i1 to i32
        %cond3A_118 = arith.constant 0 : i32
        %cond3A_119 = arith.cmpi ne, %convert_element_type3A_117, %cond3A_118 : i32
        scf.if %cond3A_119 {
          %dma_wait3A_142 = arith.constant 0 : i32
          %dma_wait3A_143 = arith.constant 0 : i32
          %dma_wait3A_144 = arith.constant 0 : i32
          %dma_wait3A_145 = tpu.memref_slice %arg5[%dma_wait3A_142, %dma_wait3A_143, %dma_wait3A_144] : memref<2x2x128xi32, #tpu.memory_space<vmem>> -> memref<1x2x128xi32, #tpu.memory_space<vmem>>
          %dma_wait3A_146 = tpu.memref_squeeze %dma_wait3A_145 : memref<1x2x128xi32, #tpu.memory_space<vmem>> -> memref<2x128xi32, #tpu.memory_space<vmem>>
          %dma_wait3A_147 = arith.constant 0 : i32
          %dma_wait3A_148 = arith.constant 0 : i32
          %dma_wait3A_149 = tpu.memref_slice %arg3[%select_n3A_8, %dma_wait3A_147, %dma_wait3A_148] : memref<2528x2x128xi32, #tpu.memory_space<hbm>> -> memref<1x2x128xi32, #tpu.memory_space<hbm>>
          %dma_wait3A_150 = tpu.memref_squeeze %dma_wait3A_149 : memref<1x2x128xi32, #tpu.memory_space<hbm>> -> memref<2x128xi32, #tpu.memory_space<hbm>>
          %dma_wait3A_151 = arith.constant 0 : i32
          %dma_wait3A_152 = arith.constant 0 : i32
          %dma_wait3A_153 = tpu.memref_slice %arg5[%dma_wait3A_142, %dma_wait3A_151, %dma_wait3A_152] : memref<2x2x128xi32, #tpu.memory_space<vmem>> -> memref<1x2x128xi32, #tpu.memory_space<vmem>>
          %dma_wait3A_154 = tpu.memref_squeeze %dma_wait3A_153 : memref<1x2x128xi32, #tpu.memory_space<vmem>> -> memref<2x128xi32, #tpu.memory_space<vmem>>
          %dma_wait3A_155 = arith.constant 0 : i32
          %dma_wait3A_156 = arith.constant 0 : i32
          %dma_wait3A_157 = tpu.memref_slice %arg3[%select_n3A_8, %dma_wait3A_155, %dma_wait3A_156] : memref<2528x2x128xi32, #tpu.memory_space<hbm>> -> memref<1x2x128xi32, #tpu.memory_space<hbm>>
          %dma_wait3A_158 = tpu.memref_squeeze %dma_wait3A_157 : memref<1x2x128xi32, #tpu.memory_space<hbm>> -> memref<2x128xi32, #tpu.memory_space<hbm>>
          tpu.wait_dma2 semaphore(%arg8 : memref<!tpu.dma_semaphore, #tpu.memory_space<semaphore_mem>>) src(%dma_wait3A_158 : memref<2x128xi32, #tpu.memory_space<hbm>>) dst(%dma_wait3A_154 : memref<2x128xi32, #tpu.memory_space<vmem>>)
          %dma_start3A_159 = arith.constant 0 : i32
          %dma_start3A_160 = arith.constant 0 : i32
          %dma_start3A_161 = arith.constant 0 : i32
          %dma_start3A_162 = arith.constant 0 : i32
          %dma_start3A_163 = arith.constant 0 : i32
          %dma_start3A_164 = tpu.memref_slice %arg6[%dma_start3A_161, %dma_start3A_162, %dma_start3A_163] : memref<2x128x128xf32, #tpu.memory_space<vmem>> -> memref<1x128x128xf32, #tpu.memory_space<vmem>>
          %dma_start3A_165 = tpu.memref_squeeze %dma_start3A_164 : memref<1x128x128xf32, #tpu.memory_space<vmem>> -> memref<128x128xf32, #tpu.memory_space<vmem>>
          %dma_start3A_166 = arith.constant 0 : i32
          %dma_start3A_167 = tpu.memref_slice %arg5[%dma_start3A_159, %dma_start3A_160, %dma_start3A_166] : memref<2x2x128xi32, #tpu.memory_space<vmem>> -> memref<1x1x128xi32, #tpu.memory_space<vmem>>
          %dma_start3A_168 = tpu.memref_squeeze %dma_start3A_167 : memref<1x1x128xi32, #tpu.memory_space<vmem>> -> memref<128xi32, #tpu.memory_space<vmem>>
          %dma_start3A_169 = arith.constant 0 : i32
          %dma_start3A_170 = arith.constant 0 : i32
          %dma_start3A_171 = tpu.memref_slice %arg2[%dma_start3A_169, %dma_start3A_170] : memref<10240x128xf32, #tpu.memory_space<hbm>> -> memref<10240x128xf32, #tpu.memory_space<hbm>>
          tpu.enqueue_indirect_dma source(%dma_start3A_171 : memref<10240x128xf32, #tpu.memory_space<hbm>>) target(%dma_start3A_165 : memref<128x128xf32, #tpu.memory_space<vmem>>) offsets(%dma_start3A_168 : memref<128xi32, #tpu.memory_space<vmem>>) semaphore(%arg10 : memref<!tpu.dma_semaphore, #tpu.memory_space<semaphore_mem>>)
        } else {
        }
        %dma_wait3A_120 = arith.constant 1 : i32
        %dma_wait3A_121 = arith.constant 0 : i32
        %dma_wait3A_122 = arith.constant 1 : i32
        %dma_wait3A_123 = arith.constant 0 : i32
        %dma_wait3A_124 = arith.constant 0 : i32
        %dma_wait3A_125 = tpu.memref_slice %arg6[%dma_wait3A_122, %dma_wait3A_123, %dma_wait3A_124] : memref<2x128x128xf32, #tpu.memory_space<vmem>> -> memref<1x128x128xf32, #tpu.memory_space<vmem>>
        %dma_wait3A_126 = tpu.memref_squeeze %dma_wait3A_125 : memref<1x128x128xf32, #tpu.memory_space<vmem>> -> memref<128x128xf32, #tpu.memory_space<vmem>>
        %dma_wait3A_127 = arith.constant 0 : i32
        %dma_wait3A_128 = tpu.memref_slice %arg5[%dma_wait3A_120, %dma_wait3A_121, %dma_wait3A_127] : memref<2x2x128xi32, #tpu.memory_space<vmem>> -> memref<1x1x128xi32, #tpu.memory_space<vmem>>
        %dma_wait3A_129 = tpu.memref_squeeze %dma_wait3A_128 : memref<1x1x128xi32, #tpu.memory_space<vmem>> -> memref<128xi32, #tpu.memory_space<vmem>>
        %dma_wait3A_130 = arith.constant 0 : i32
        %dma_wait3A_131 = arith.constant 0 : i32
        %dma_wait3A_132 = tpu.memref_slice %arg2[%dma_wait3A_130, %dma_wait3A_131] : memref<10240x128xf32, #tpu.memory_space<hbm>> -> memref<10240x128xf32, #tpu.memory_space<hbm>>
        tpu.wait_indirect_dma semaphore(%arg11 : memref<!tpu.dma_semaphore, #tpu.memory_space<semaphore_mem>>) src(%dma_wait3A_132 : memref<10240x128xf32, #tpu.memory_space<hbm>>) dst(%dma_wait3A_126 : memref<128x128xf32, #tpu.memory_space<vmem>>)
        %run_scoped3A_133 = arith.constant 1 : i32
        %run_scoped3A_134 = arith.constant 1 : i32
        %run_scoped3A_135 = arith.constant 1 : i32
        "tpu.region"() ({
          %run_scoped3A_142 = tpu.sem_alloc : memref<!tpu.dma_semaphore, #tpu.memory_space<semaphore_mem>>
          %dma_start3A_143 = arith.constant 0 : i32
          %dma_start3A_144 = arith.constant 0 : i32
          %dma_start3A_145 = tpu.memref_slice %arg6[%run_scoped3A_133, %dma_start3A_143, %dma_start3A_144] : memref<2x128x128xf32, #tpu.memory_space<vmem>> -> memref<1x128x128xf32, #tpu.memory_space<vmem>>
          %dma_start3A_146 = tpu.memref_squeeze %dma_start3A_145 : memref<1x128x128xf32, #tpu.memory_space<vmem>> -> memref<128x128xf32, #tpu.memory_space<vmem>>
          %dma_start3A_147 = arith.constant 0 : i32
          %dma_start3A_148 = tpu.memref_slice %arg5[%run_scoped3A_134, %run_scoped3A_135, %dma_start3A_147] : memref<2x2x128xi32, #tpu.memory_space<vmem>> -> memref<1x1x128xi32, #tpu.memory_space<vmem>>
          %dma_start3A_149 = tpu.memref_squeeze %dma_start3A_148 : memref<1x1x128xi32, #tpu.memory_space<vmem>> -> memref<128xi32, #tpu.memory_space<vmem>>
          %dma_start3A_150 = arith.constant 0 : i32
          %dma_start3A_151 = arith.constant 0 : i32
          %dma_start3A_152 = tpu.memref_slice %arg7[%dma_start3A_150, %dma_start3A_151] : memref<10240x128xf32, #tpu.memory_space<vmem_shared>> -> memref<10240x128xf32, #tpu.memory_space<vmem_shared>>
          tpu.enqueue_indirect_dma source(%dma_start3A_146 : memref<128x128xf32, #tpu.memory_space<vmem>>) target(%dma_start3A_152 : memref<10240x128xf32, #tpu.memory_space<vmem_shared>>) offsets(%dma_start3A_149 : memref<128xi32, #tpu.memory_space<vmem>>) semaphore(%run_scoped3A_142 : memref<!tpu.dma_semaphore, #tpu.memory_space<semaphore_mem>>) {add = true}
          %dma_wait3A_153 = arith.constant 0 : i32
          %dma_wait3A_154 = arith.constant 0 : i32
          %dma_wait3A_155 = tpu.memref_slice %arg6[%run_scoped3A_133, %dma_wait3A_153, %dma_wait3A_154] : memref<2x128x128xf32, #tpu.memory_space<vmem>> -> memref<1x128x128xf32, #tpu.memory_space<vmem>>
          %dma_wait3A_156 = tpu.memref_squeeze %dma_wait3A_155 : memref<1x128x128xf32, #tpu.memory_space<vmem>> -> memref<128x128xf32, #tpu.memory_space<vmem>>
          %dma_wait3A_157 = arith.constant 0 : i32
          %dma_wait3A_158 = tpu.memref_slice %arg5[%run_scoped3A_134, %run_scoped3A_135, %dma_wait3A_157] : memref<2x2x128xi32, #tpu.memory_space<vmem>> -> memref<1x1x128xi32, #tpu.memory_space<vmem>>
          %dma_wait3A_159 = tpu.memref_squeeze %dma_wait3A_158 : memref<1x1x128xi32, #tpu.memory_space<vmem>> -> memref<128xi32, #tpu.memory_space<vmem>>
          %dma_wait3A_160 = arith.constant 0 : i32
          %dma_wait3A_161 = arith.constant 0 : i32
          %dma_wait3A_162 = tpu.memref_slice %arg7[%dma_wait3A_160, %dma_wait3A_161] : memref<10240x128xf32, #tpu.memory_space<vmem_shared>> -> memref<10240x128xf32, #tpu.memory_space<vmem_shared>>
          tpu.wait_indirect_dma semaphore(%run_scoped3A_142 : memref<!tpu.dma_semaphore, #tpu.memory_space<semaphore_mem>>) src(%dma_wait3A_156 : memref<128x128xf32, #tpu.memory_space<vmem>>) dst(%dma_wait3A_162 : memref<10240x128xf32, #tpu.memory_space<vmem_shared>>)
          tpu.yield
        }) : () -> ()
        %add3A_136 = arith.constant 2 : i32
        %add3A_137 = arith.addi %add3A_109, %add3A_136 : i32
        %lt3A_138 = arith.cmpi slt, %add3A_137, %select_n3A : i32
        %convert_element_type3A_139 = arith.extui %lt3A_138 : i1 to i32
        %cond3A_140 = arith.constant 0 : i32
        %cond3A_141 = arith.cmpi ne, %convert_element_type3A_139, %cond3A_140 : i32
        scf.if %cond3A_141 {
          %add3A_142 = arith.addi %select_n3A_8, %add3A_109 : i32
          %add3A_143 = arith.constant 2 : i32
          %add3A_144 = arith.addi %add3A_142, %add3A_143 : i32
          %dma_start3A_145 = arith.constant 1 : i32
          %dma_start3A_146 = arith.constant 0 : i32
          %dma_start3A_147 = arith.constant 0 : i32
          %dma_start3A_148 = tpu.memref_slice %arg5[%dma_start3A_145, %dma_start3A_146, %dma_start3A_147] : memref<2x2x128xi32, #tpu.memory_space<vmem>> -> memref<1x2x128xi32, #tpu.memory_space<vmem>>
          %dma_start3A_149 = tpu.memref_squeeze %dma_start3A_148 : memref<1x2x128xi32, #tpu.memory_space<vmem>> -> memref<2x128xi32, #tpu.memory_space<vmem>>
          %dma_start3A_150 = arith.constant 0 : i32
          %dma_start3A_151 = arith.constant 0 : i32
          %dma_start3A_152 = tpu.memref_slice %arg3[%add3A_144, %dma_start3A_150, %dma_start3A_151] : memref<2528x2x128xi32, #tpu.memory_space<hbm>> -> memref<1x2x128xi32, #tpu.memory_space<hbm>>
          %dma_start3A_153 = tpu.memref_squeeze %dma_start3A_152 : memref<1x2x128xi32, #tpu.memory_space<hbm>> -> memref<2x128xi32, #tpu.memory_space<hbm>>
          %dma_start3A_154 = arith.constant 0 : i32
          %dma_start3A_155 = arith.constant 0 : i32
          %dma_start3A_156 = tpu.memref_slice %arg5[%dma_start3A_145, %dma_start3A_154, %dma_start3A_155] : memref<2x2x128xi32, #tpu.memory_space<vmem>> -> memref<1x2x128xi32, #tpu.memory_space<vmem>>
          %dma_start3A_157 = tpu.memref_squeeze %dma_start3A_156 : memref<1x2x128xi32, #tpu.memory_space<vmem>> -> memref<2x128xi32, #tpu.memory_space<vmem>>
          %dma_start3A_158 = arith.constant 0 : i32
          %dma_start3A_159 = arith.constant 0 : i32
          %dma_start3A_160 = tpu.memref_slice %arg3[%add3A_144, %dma_start3A_158, %dma_start3A_159] : memref<2528x2x128xi32, #tpu.memory_space<hbm>> -> memref<1x2x128xi32, #tpu.memory_space<hbm>>
          %dma_start3A_161 = tpu.memref_squeeze %dma_start3A_160 : memref<1x2x128xi32, #tpu.memory_space<hbm>> -> memref<2x128xi32, #tpu.memory_space<hbm>>
          tpu.enqueue_dma source(%dma_start3A_161 : memref<2x128xi32, #tpu.memory_space<hbm>>) target(%dma_start3A_157 : memref<2x128xi32, #tpu.memory_space<vmem>>) target_semaphore(%arg9 : memref<!tpu.dma_semaphore, #tpu.memory_space<semaphore_mem>>)
        } else {
        }
      } else {
      }
    }
    %scan3A_98 = arith.constant 79 : i32
    %barrier3A_99 = arith.constant 0 : index
    tpu.barrier barrier_id(%barrier3A_99)
    "tpu.region"() ({
      %run_scoped3A_100 = tpu.sem_alloc : memref<!tpu.dma_semaphore, #tpu.memory_space<semaphore_mem>>
      %dma_start3A_101 = arith.constant 0 : i32
      %dma_start3A_102 = tpu.memref_slice %arg4[%arg0, %mul3A_50, %dma_start3A_101] : memref<2x10240x128xf32, #tpu.memory_space<hbm>> -> memref<1x640x128xf32, #tpu.memory_space<hbm>>
      %dma_start3A_103 = tpu.memref_squeeze %dma_start3A_102 : memref<1x640x128xf32, #tpu.memory_space<hbm>> -> memref<640x128xf32, #tpu.memory_space<hbm>>
      %dma_start3A_104 = arith.constant 0 : i32
      %dma_start3A_105 = tpu.memref_slice %arg7[%mul3A_50, %dma_start3A_104] : memref<10240x128xf32, #tpu.memory_space<vmem_shared>> -> memref<640x128xf32, #tpu.memory_space<vmem_shared>>
      tpu.enqueue_dma source(%dma_start3A_105 : memref<640x128xf32, #tpu.memory_space<vmem_shared>>) target(%dma_start3A_103 : memref<640x128xf32, #tpu.memory_space<hbm>>) target_semaphore(%run_scoped3A_100 : memref<!tpu.dma_semaphore, #tpu.memory_space<semaphore_mem>>)
      %dma_wait3A_106 = arith.constant 0 : i32
      %dma_wait3A_107 = tpu.memref_slice %arg4[%arg0, %mul3A_50, %dma_wait3A_106] : memref<2x10240x128xf32, #tpu.memory_space<hbm>> -> memref<1x640x128xf32, #tpu.memory_space<hbm>>
      %dma_wait3A_108 = tpu.memref_squeeze %dma_wait3A_107 : memref<1x640x128xf32, #tpu.memory_space<hbm>> -> memref<640x128xf32, #tpu.memory_space<hbm>>
      %dma_wait3A_109 = arith.constant 0 : i32
      %dma_wait3A_110 = tpu.memref_slice %arg7[%mul3A_50, %dma_wait3A_109] : memref<10240x128xf32, #tpu.memory_space<vmem_shared>> -> memref<640x128xf32, #tpu.memory_space<vmem_shared>>
      tpu.wait_dma2 semaphore(%run_scoped3A_100 : memref<!tpu.dma_semaphore, #tpu.memory_space<semaphore_mem>>) src(%dma_wait3A_110 : memref<640x128xf32, #tpu.memory_space<vmem_shared>>) dst(%dma_wait3A_108 : memref<640x128xf32, #tpu.memory_space<hbm>>)
      tpu.yield
    }) : () -> ()
    return
  }
}

module attributes {stable_mosaic.version = 14 : i64} {
  func.func @_tc_first_body(%arg0: i32, %arg1: memref<2048x128xf32, #tpu.memory_space<vmem>>, %arg2: memref<128x128xf32, #tpu.memory_space<vmem>>, %arg3: memref<2048x128xf32, #tpu.memory_space<vmem>>) attributes {dimension_semantics = [#tpu.dimension_semantics<arbitrary>], iteration_bounds = array<i64: 5>, scalar_prefetch = 0 : i64, scratch_operands = 0 : i64, tpu.core_type = #tpu.core_type<tc>, window_params = [{transform_indices = @transform_0, window_bounds = array<i64: 2048, 128>}, {pipeline_mode = #tpu.pipeline_mode<synchronous>, transform_indices = @transform_1, window_bounds = array<i64: 128, 128>}, {transform_indices = @transform_2, window_bounds = array<i64: 2048, 128>}]} {
    %get3A = arith.constant 0 : index
    %get3A_0 = arith.constant 0 : index
    %get3A_1 = vector.load %arg1[%get3A, %get3A_0] : memref<2048x128xf32, #tpu.memory_space<vmem>>, vector<2048x128xf32>
    %get3A_2 = arith.constant 0 : index
    %get3A_3 = arith.constant 0 : index
    %get3A_4 = vector.load %arg2[%get3A_2, %get3A_3] : memref<128x128xf32, #tpu.memory_space<vmem>>, vector<128x128xf32>
    %dot_general3A = arith.constant dense<0.000000e+00> : vector<2048x128xf32>
    %dot_general3A_5 = tpu.matmul %get3A_1, %get3A_4, %dot_general3A {dimension_numbers = #tpu.dot_dimension_numbers<[1], [0], [0], [1], [0, 0, 1, 1], [], []>, precision = #tpu.contract_precision<fp32>, transpose_lhs_hint = false} : vector<2048x128xf32>, vector<128x128xf32>, vector<2048x128xf32> -> vector<2048x128xf32>
    %swap3A = arith.constant 0 : index
    %swap3A_6 = arith.constant 0 : index
    %swap3A_7 = vector.load %arg3[%swap3A, %swap3A_6] : memref<2048x128xf32, #tpu.memory_space<vmem>>, vector<2048x128xf32>
    tpu.vector_store %arg3[%swap3A, %swap3A_6], %dot_general3A_5 {strides = array<i32>} : memref<2048x128xf32, #tpu.memory_space<vmem>>, vector<2048x128xf32>,
    return
  }
  func.func @transform_0(%arg0: i32) -> (i32, i32) {
    %c0_i32 = arith.constant 0 : i32
    %c0_i32_0 = arith.constant 0 : i32
    return %arg0, %c0_i32 : i32, i32
  }
  func.func @transform_1(%arg0: i32) -> (i32, i32) {
    %c0_i32 = arith.constant 0 : i32
    %c0_i32_0 = arith.constant 0 : i32
    %c0_i32_1 = arith.constant 0 : i32
    return %c0_i32, %c0_i32_0 : i32, i32
  }
  func.func @transform_2(%arg0: i32) -> (i32, i32) {
    %c0_i32 = arith.constant 0 : i32
    %c0_i32_0 = arith.constant 0 : i32
    return %arg0, %c0_i32 : i32, i32
  }
}

module attributes {stable_mosaic.version = 14 : i64} {
  func.func @_tc_mid_body(%arg0: i32, %arg1: memref<2x2048x128xf32, #tpu.memory_space<vmem>>, %arg2: memref<2048x128xf32, #tpu.memory_space<vmem>>, %arg3: memref<128x128xf32, #tpu.memory_space<vmem>>, %arg4: memref<1x128xf32, #tpu.memory_space<vmem>>, %arg5: memref<128x128xf32, #tpu.memory_space<vmem>>, %arg6: memref<2048x128xf32, #tpu.memory_space<vmem>>, %arg7: memref<2048x128xf32, #tpu.memory_space<vmem>>) attributes {dimension_semantics = [#tpu.dimension_semantics<arbitrary>], iteration_bounds = array<i64: 5>, scalar_prefetch = 0 : i64, scratch_operands = 0 : i64, tpu.core_type = #tpu.core_type<tc>, window_params = [{transform_indices = @transform_0, window_bounds = array<i64: 2, 2048, 128>}, {transform_indices = @transform_1, window_bounds = array<i64: 2048, 128>}, {pipeline_mode = #tpu.pipeline_mode<synchronous>, transform_indices = @transform_2, window_bounds = array<i64: 128, 128>}, {pipeline_mode = #tpu.pipeline_mode<synchronous>, transform_indices = @transform_3, window_bounds = array<i64: 1, 128>}, {pipeline_mode = #tpu.pipeline_mode<synchronous>, transform_indices = @transform_4, window_bounds = array<i64: 128, 128>}, {transform_indices = @transform_5, window_bounds = array<i64: 2048, 128>}, {transform_indices = @transform_6, window_bounds = array<i64: 2048, 128>}]} {
    %get3A = arith.constant 0 : index
    %get3A_0 = arith.constant 0 : index
    %get3A_1 = arith.constant 0 : index
    %get3A_2 = vector.load %arg1[%get3A, %get3A_0, %get3A_1] : memref<2x2048x128xf32, #tpu.memory_space<vmem>>, vector<1x2048x128xf32>
    %get3A_3 = vector.shape_cast %get3A_2 : vector<1x2048x128xf32> to vector<2048x128xf32>
    %get3A_4 = arith.constant 1 : index
    %get3A_5 = arith.constant 0 : index
    %get3A_6 = arith.constant 0 : index
    %get3A_7 = vector.load %arg1[%get3A_4, %get3A_5, %get3A_6] : memref<2x2048x128xf32, #tpu.memory_space<vmem>>, vector<1x2048x128xf32>
    %get3A_8 = vector.shape_cast %get3A_7 : vector<1x2048x128xf32> to vector<2048x128xf32>
    %add3A = arith.addf %get3A_3, %get3A_8 : vector<2048x128xf32>
    %get3A_9 = arith.constant 0 : index
    %get3A_10 = arith.constant 0 : index
    %get3A_11 = vector.load %arg4[%get3A_9, %get3A_10] : memref<1x128xf32, #tpu.memory_space<vmem>>, vector<1x128xf32>
    %add3A_12 = vector.broadcast %get3A_11 : vector<1x128xf32> to vector<2048x128xf32>
    %add3A_13 = arith.addf %add3A, %add3A_12 : vector<2048x128xf32>
    %get3A_14 = arith.constant 0 : index
    %get3A_15 = arith.constant 0 : index
    %get3A_16 = vector.load %arg2[%get3A_14, %get3A_15] : memref<2048x128xf32, #tpu.memory_space<vmem>>, vector<2048x128xf32>
    %get3A_17 = arith.constant 0 : index
    %get3A_18 = arith.constant 0 : index
    %get3A_19 = vector.load %arg3[%get3A_17, %get3A_18] : memref<128x128xf32, #tpu.memory_space<vmem>>, vector<128x128xf32>
    %dot_general3A = arith.constant dense<0.000000e+00> : vector<2048x128xf32>
    %dot_general3A_20 = tpu.matmul %get3A_16, %get3A_19, %dot_general3A {dimension_numbers = #tpu.dot_dimension_numbers<[1], [0], [0], [1], [0, 0, 1, 1], [], []>, precision = #tpu.contract_precision<fp32>, transpose_lhs_hint = false} : vector<2048x128xf32>, vector<128x128xf32>, vector<2048x128xf32> -> vector<2048x128xf32>
    %add3A_21 = arith.addf %add3A_13, %dot_general3A_20 : vector<2048x128xf32>
    %max3A = arith.constant 0.000000e+00 : f32
    %max3A_22 = vector.broadcast %max3A : f32 to vector<2048x128xf32>
    %max3A_23 = arith.maximumf %add3A_21, %max3A_22 : vector<2048x128xf32>
    %swap3A = arith.constant 0 : index
    %swap3A_24 = arith.constant 0 : index
    %swap3A_25 = vector.load %arg6[%swap3A, %swap3A_24] : memref<2048x128xf32, #tpu.memory_space<vmem>>, vector<2048x128xf32>
    tpu.vector_store %arg6[%swap3A, %swap3A_24], %max3A_23 {strides = array<i32>} : memref<2048x128xf32, #tpu.memory_space<vmem>>, vector<2048x128xf32>,
    %get3A_26 = arith.constant 0 : index
    %get3A_27 = arith.constant 0 : index
    %get3A_28 = vector.load %arg5[%get3A_26, %get3A_27] : memref<128x128xf32, #tpu.memory_space<vmem>>, vector<128x128xf32>
    %dot_general3A_29 = arith.constant dense<0.000000e+00> : vector<2048x128xf32>
    %dot_general3A_30 = tpu.matmul %max3A_23, %get3A_28, %dot_general3A_29 {dimension_numbers = #tpu.dot_dimension_numbers<[1], [0], [0], [1], [0, 0, 1, 1], [], []>, precision = #tpu.contract_precision<fp32>, transpose_lhs_hint = false} : vector<2048x128xf32>, vector<128x128xf32>, vector<2048x128xf32> -> vector<2048x128xf32>
    %swap3A_31 = arith.constant 0 : index
    %swap3A_32 = arith.constant 0 : index
    %swap3A_33 = vector.load %arg7[%swap3A_31, %swap3A_32] : memref<2048x128xf32, #tpu.memory_space<vmem>>, vector<2048x128xf32>
    tpu.vector_store %arg7[%swap3A_31, %swap3A_32], %dot_general3A_30 {strides = array<i32>} : memref<2048x128xf32, #tpu.memory_space<vmem>>, vector<2048x128xf32>,
    return
  }
  func.func @transform_0(%arg0: i32) -> (i32, i32, i32) {
    %c0_i32 = arith.constant 0 : i32
    %c0_i32_0 = arith.constant 0 : i32
    %c0_i32_1 = arith.constant 0 : i32
    return %c0_i32, %arg0, %c0_i32_0 : i32, i32, i32
  }
  func.func @transform_1(%arg0: i32) -> (i32, i32) {
    %c0_i32 = arith.constant 0 : i32
    %c0_i32_0 = arith.constant 0 : i32
    return %arg0, %c0_i32 : i32, i32
  }
  func.func @transform_2(%arg0: i32) -> (i32, i32) {
    %c0_i32 = arith.constant 0 : i32
    %c0_i32_0 = arith.constant 0 : i32
    %c0_i32_1 = arith.constant 0 : i32
    return %c0_i32, %c0_i32_0 : i32, i32
  }
  func.func @transform_3(%arg0: i32) -> (i32, i32) {
    %c0_i32 = arith.constant 0 : i32
    %c0_i32_0 = arith.constant 0 : i32
    %c0_i32_1 = arith.constant 0 : i32
    return %c0_i32, %c0_i32_0 : i32, i32
  }
  func.func @transform_4(%arg0: i32) -> (i32, i32) {
    %c0_i32 = arith.constant 0 : i32
    %c0_i32_0 = arith.constant 0 : i32
    %c0_i32_1 = arith.constant 0 : i32
    return %c0_i32, %c0_i32_0 : i32, i32
  }
  func.func @transform_5(%arg0: i32) -> (i32, i32) {
    %c0_i32 = arith.constant 0 : i32
    %c0_i32_0 = arith.constant 0 : i32
    return %arg0, %c0_i32 : i32, i32
  }
  func.func @transform_6(%arg0: i32) -> (i32, i32) {
    %c0_i32 = arith.constant 0 : i32
    %c0_i32_0 = arith.constant 0 : i32
    return %arg0, %c0_i32 : i32, i32
  }
}

module attributes {stable_mosaic.version = 14 : i64} {
  func.func @_tc_last_body(%arg0: i32, %arg1: memref<2x2000x128xf32, #tpu.memory_space<vmem>>, %arg2: memref<2000x128xf32, #tpu.memory_space<vmem>>, %arg3: memref<128x128xf32, #tpu.memory_space<vmem>>, %arg4: memref<1x128xf32, #tpu.memory_space<vmem>>, %arg5: memref<2000x128xf32, #tpu.memory_space<vmem>>) attributes {dimension_semantics = [#tpu.dimension_semantics<arbitrary>], iteration_bounds = array<i64: 5>, scalar_prefetch = 0 : i64, scratch_operands = 0 : i64, tpu.core_type = #tpu.core_type<tc>, window_params = [{transform_indices = @transform_0, window_bounds = array<i64: 2, 2000, 128>}, {transform_indices = @transform_1, window_bounds = array<i64: 2000, 128>}, {pipeline_mode = #tpu.pipeline_mode<synchronous>, transform_indices = @transform_2, window_bounds = array<i64: 128, 128>}, {pipeline_mode = #tpu.pipeline_mode<synchronous>, transform_indices = @transform_3, window_bounds = array<i64: 1, 128>}, {transform_indices = @transform_4, window_bounds = array<i64: 2000, 128>}]} {
    %get3A = arith.constant 0 : index
    %get3A_0 = arith.constant 0 : index
    %get3A_1 = arith.constant 0 : index
    %get3A_2 = vector.load %arg1[%get3A, %get3A_0, %get3A_1] : memref<2x2000x128xf32, #tpu.memory_space<vmem>>, vector<1x2000x128xf32>
    %get3A_3 = vector.shape_cast %get3A_2 : vector<1x2000x128xf32> to vector<2000x128xf32>
    %get3A_4 = arith.constant 1 : index
    %get3A_5 = arith.constant 0 : index
    %get3A_6 = arith.constant 0 : index
    %get3A_7 = vector.load %arg1[%get3A_4, %get3A_5, %get3A_6] : memref<2x2000x128xf32, #tpu.memory_space<vmem>>, vector<1x2000x128xf32>
    %get3A_8 = vector.shape_cast %get3A_7 : vector<1x2000x128xf32> to vector<2000x128xf32>
    %add3A = arith.addf %get3A_3, %get3A_8 : vector<2000x128xf32>
    %get3A_9 = arith.constant 0 : index
    %get3A_10 = arith.constant 0 : index
    %get3A_11 = vector.load %arg4[%get3A_9, %get3A_10] : memref<1x128xf32, #tpu.memory_space<vmem>>, vector<1x128xf32>
    %add3A_12 = vector.broadcast %get3A_11 : vector<1x128xf32> to vector<2000x128xf32>
    %add3A_13 = arith.addf %add3A, %add3A_12 : vector<2000x128xf32>
    %get3A_14 = arith.constant 0 : index
    %get3A_15 = arith.constant 0 : index
    %get3A_16 = vector.load %arg2[%get3A_14, %get3A_15] : memref<2000x128xf32, #tpu.memory_space<vmem>>, vector<2000x128xf32>
    %get3A_17 = arith.constant 0 : index
    %get3A_18 = arith.constant 0 : index
    %get3A_19 = vector.load %arg3[%get3A_17, %get3A_18] : memref<128x128xf32, #tpu.memory_space<vmem>>, vector<128x128xf32>
    %dot_general3A = arith.constant dense<0.000000e+00> : vector<2000x128xf32>
    %dot_general3A_20 = tpu.matmul %get3A_16, %get3A_19, %dot_general3A {dimension_numbers = #tpu.dot_dimension_numbers<[1], [0], [0], [1], [0, 0, 1, 1], [], []>, precision = #tpu.contract_precision<fp32>, transpose_lhs_hint = false} : vector<2000x128xf32>, vector<128x128xf32>, vector<2000x128xf32> -> vector<2000x128xf32>
    %add3A_21 = arith.addf %add3A_13, %dot_general3A_20 : vector<2000x128xf32>
    %swap3A = arith.constant 0 : index
    %swap3A_22 = arith.constant 0 : index
    %swap3A_23 = vector.load %arg5[%swap3A, %swap3A_22] : memref<2000x128xf32, #tpu.memory_space<vmem>>, vector<2000x128xf32>
    tpu.vector_store %arg5[%swap3A, %swap3A_22], %add3A_21 {strides = array<i32>} : memref<2000x128xf32, #tpu.memory_space<vmem>>, vector<2000x128xf32>,
    return
  }
  func.func @transform_0(%arg0: i32) -> (i32, i32, i32) {
    %c0_i32 = arith.constant 0 : i32
    %c0_i32_0 = arith.constant 0 : i32
    %c0_i32_1 = arith.constant 0 : i32
    return %c0_i32, %arg0, %c0_i32_0 : i32, i32, i32
  }
  func.func @transform_1(%arg0: i32) -> (i32, i32) {
    %c0_i32 = arith.constant 0 : i32
    %c0_i32_0 = arith.constant 0 : i32
    return %arg0, %c0_i32 : i32, i32
  }
  func.func @transform_2(%arg0: i32) -> (i32, i32) {
    %c0_i32 = arith.constant 0 : i32
    %c0_i32_0 = arith.constant 0 : i32
    %c0_i32_1 = arith.constant 0 : i32
    return %c0_i32, %c0_i32_0 : i32, i32
  }
  func.func @transform_3(%arg0: i32) -> (i32, i32) {
    %c0_i32 = arith.constant 0 : i32
    %c0_i32_0 = arith.constant 0 : i32
    %c0_i32_1 = arith.constant 0 : i32
    return %c0_i32, %c0_i32_0 : i32, i32
  }
  func.func @transform_4(%arg0: i32) -> (i32, i32) {
    %c0_i32 = arith.constant 0 : i32
    %c0_i32_0 = arith.constant 0 : i32
    return %arg0, %c0_i32 : i32, i32
  }
}

</mosaic_0001>

<sc_bundles>
// kernel: kernel.12.cloned.1.call-start
scs
__scs_entry_jumppad:
0x0: {  	(pc) =	sbr.rel $0x88, $3  }
0x1: {  	(tag) =	ssettag $0x0;
	lr =	simm.s32 $0x1  }
0x2: {  	[smem:$0x3F96] =	sst lr;
	_ =	strace $0xD0000000  }
0x3: {  	_ = 	snop  }
0x4: {  	_ = 	snop  }
0x5: {  	_ = 	snop  }
0x6: {  	_ = 	snop  }
0x7: {  	_ = 	snop  }
__scs_overlays_trampoline_lowered:
0x8: {  	[smem:$0x3FA5] =	sst s0  }
0x9: {  	[smem:$0x3FA6] =	sst s1  }
0xa: {  	[smem:$0x3FA7] =	sst s2  }
0xb: {  	[smem:$0x3FA8] =	sst s3  }
0xc: {  	[smem:$0x3FA9] =	sst s4  }
0xd: {  	[smem:$0x3FAA] =	sst s5  }
0xe: {  	[smem:$0x3FAB] =	sst s6  }
0xf: {  	[smem:$0x3FAC] =	sst s7  }
0x10: {  	[smem:$0x3FAD] =	sst s8  }
0x11: {  	[smem:$0x3FAE] =	sst s9;
	s0 =	simm.s32 @!p0 $0x0  }
0x12: {  	s1 =	sld [smem:$0x3F94];
	s0 =	simm.s32 @p0 $0x1  }
0x13: {  	[smem:$0x3FAF] =	sst s0;
	s0 =	simm.s32 @!p1 $0x0  }
0x14: {  	s2 =	sld [smem:$0x3F93];
	s0 =	simm.s32 @p1 $0x1  }
0x15: {  	[smem:$0x3FB0] =	sst s0;
	s0 =	simm.s32 @!p2 $0x0  }
0x16: {  	s3 =	sld [smem:$0x3FDB];
	s0 =	simm.s32 @p2 $0x1  }
0x17: {  	s4 =	simm.s32 $0x1BF5;
	[smem:$0x3FB2] =	sst s0  }
0x18: {  	s0 =	sld [smem:$0x3F95];
	_ =	swait.ge [sflag:s4], $0x0  }
0x19: {  	s7 =	sld [smem:$0x3F96]  }
0x1a: {  	s8 =	sadd.s32 $0xFFFFE003, lr  }
0x1b: {  	s9 =	sadd.s32 $0xFFFFFEF7, lr;
	s5 =	simm.s32 $0xFFFFFFFF;
	p2 =	slt.u32 s8, $0xFFFFF086  }
0x1c: {  	p1 =	slt.u32 s9, $0xF7A;
	s5 =	simm.s32 @!p2 $0x0  }
0x1d: {  	s5 =	simm.s32 @p1 $0x1;
	p0 =	seq.s32 s7, s2  }
0x1e: {  	s7 =	smul.u32 @!p0 $0xF7A, s2;
	p2 =	seq.s32 @!p0 s5, $0x0  }
0x1f: {  	s9 =	smul.u32 $0xF7A, s1;
	s8 =	simm.s32 @!p0 $0x1BF5;
	p2 =	por !p2, p0  }
0x20: {  	[sflag:s8] =	ssyncset.s32 @!p0 $0xFFFFF086;
	s6 =	sadd.s32 @!p0 s3, s7;
	s7 =	simm.s32 @!p0 $0x108  }
0x21: {  	s3 =	sadd.s32 s3, s9;
	s6 =	sadd.s32 @!p0 $0x88, s6;
	s7 =	simm.s32 @p2 $0x1082  }
0x22: {  	[simem:s7], [sflag:s8] =	dma.local @!p0 [hbm:s6], $0xF7A  }
0x23: {  	s9 =	sor.u32 $0xD0000000, s2;
	s6 =	simm.s32 $0x108;
	_ =	swait.ge @!p0 [sflag:s8], $0x0  }
0x24: {  	s3 =	sadd.s32 $0x88, s3;
	s6 =	simm.s32 @!p1 $0x1082;
	[sflag:s4] =	ssyncset.s32 $0xFFFFF086  }
0x25: {  	[simem:s6], [sflag:s4] =	dma.local [hbm:s3], $0xF7A  }
0x26: {  	[smem:$0x3F96] =	sst s1;
	(tag) =	ssettag s2;
	_ =	strace s9  }
0x27: {  	s1 =	sld [smem:$0x3FA6]  }
0x28: {  	s2 =	sld [smem:$0x3FA7]  }
0x29: {  	s4 =	sld [smem:$0x3FA9]  }
0x2a: {  	p0 =	seq.s32 s5, $0x0;
	s5 =	sld [smem:$0x3FAA]  }
0x2b: {  	s6 =	sld [smem:$0x3FAB]  }
0x2c: {  	s7 =	sld [smem:$0x3FAC]  }
0x2d: {  	s3 =	simm.s32 $0x108;
	s8 =	sld [smem:$0x3FAD]  }
0x2e: {  	s3 =	simm.s32 @!p0 $0x1082;
	s9 =	sld [smem:$0x3FAE]  }
0x2f: {  	lr =	sadd.s32 s0, s3;
	s0 =	sld [smem:$0x3FA5]  }
0x30: {  	s3 =	sld [smem:$0x3FA8]  }
0x31: {  	[smem:$0x3FB1] =	sst s10  }
0x32: {  	s10 =	sld [smem:$0x3FAF];
	_ =	sdelay $0x3  }
0x33: {  	p0 =	seq.s32 s10, $0x1;
	s10 =	sld [smem:$0x3FB1];
	_ =	sdelay $0x3  }
0x34: {  	[smem:$0x3FB1] =	sst s10  }
0x35: {  	s10 =	sld [smem:$0x3FB0];
	_ =	sdelay $0x3  }
0x36: {  	p1 =	seq.s32 s10, $0x1;
	s10 =	sld [smem:$0x3FB1];
	_ =	sdelay $0x3  }
0x37: {  	[smem:$0x3FB1] =	sst s10  }
0x38: {  	s10 =	sld [smem:$0x3FB2]  }
0x39: {  	_ = 	snop;
	(pc) =	sbr.ind lr, $3  }
0x3a: {  	_ = 	snop  }
0x3b: {  	_ = 	snop  }
0x3c: {  	p2 =	seq.s32 s10, $0x1;
	s10 =	sld [smem:$0x3FB1]  }
0x3d: {  	_ =	shalt  }
0x3e: {  	_ =	shalt  }
0x3f: {  	_ =	shalt  }
0x40: {  	_ =	shalt  }
0x41: {  	_ =	shalt  }
0x42: {  	_ =	shalt  }
0x43: {  	_ =	shalt  }
0x44: {  	_ =	shalt  }
0x45: {  	_ =	shalt  }
0x46: {  	_ =	shalt  }
0x47: {  	_ =	shalt  }
0x48: {  	_ =	shalt  }
0x49: {  	_ =	shalt  }
0x4a: {  	_ =	shalt  }
0x4b: {  	_ =	shalt  }
0x4c: {  	_ =	shalt  }
0x4d: {  	_ =	shalt  }
0x4e: {  	_ =	shalt  }
0x4f: {  	_ =	shalt  }
0x50: {  	_ =	shalt  }
0x51: {  	_ =	shalt  }
0x52: {  	_ =	shalt  }
0x53: {  	_ =	shalt  }
0x54: {  	_ =	shalt  }
0x55: {  	_ =	shalt  }
0x56: {  	_ =	shalt  }
0x57: {  	_ =	shalt  }
0x58: {  	_ =	shalt  }
0x59: {  	_ =	shalt  }
0x5a: {  	_ =	shalt  }
0x5b: {  	_ =	shalt  }
0x5c: {  	_ =	shalt  }
0x5d: {  	_ =	shalt  }
0x5e: {  	_ =	shalt  }
0x5f: {  	_ =	shalt  }
0x60: {  	_ =	shalt  }
0x61: {  	_ =	shalt  }
0x62: {  	_ =	shalt  }
0x63: {  	_ =	shalt  }
0x64: {  	_ =	shalt  }
0x65: {  	_ =	shalt  }
0x66: {  	_ =	shalt  }
0x67: {  	_ =	shalt  }
0x68: {  	_ =	shalt  }
0x69: {  	_ =	shalt  }
0x6a: {  	_ =	shalt  }
0x6b: {  	_ =	shalt  }
0x6c: {  	_ =	shalt  }
0x6d: {  	_ =	shalt  }
0x6e: {  	_ =	shalt  }
0x6f: {  	_ =	shalt  }
0x70: {  	_ =	shalt  }
0x71: {  	_ =	shalt  }
0x72: {  	_ =	shalt  }
0x73: {  	_ =	shalt  }
0x74: {  	_ =	shalt  }
0x75: {  	_ =	shalt  }
0x76: {  	_ =	shalt  }
0x77: {  	_ =	shalt  }
0x78: {  	_ =	shalt  }
0x79: {  	_ =	shalt  }
0x7a: {  	_ =	shalt  }
0x7b: {  	_ =	shalt  }
0x7c: {  	_ =	shalt  }
0x7d: {  	_ =	shalt  }
0x7e: {  	_ =	shalt  }
0x7f: {  	_ =	shalt  }
0x80: {  	_ =	shalt  }
0x81: {  	_ =	shalt  }
0x82: {  	_ =	shalt  }
0x83: {  	_ =	shalt  }
0x84: {  	_ =	shalt  }
0x85: {  	_ =	shalt  }
0x86: {  	_ =	shalt  }
0x87: {  	_ =	shalt  }
.Lfunc_end0:
.L_simem_size_0:
called_computation.1_lowered:
.L_overlay_start_0:
0x88: {  	s2 =	sld [smem:$0x3FD9]  }
0x89: {  	s3 =	sld [smem:$0x3FFE];
	_ =	sdelay $0x1  }
0x8a: {  	s1 =	srdreg.scid  }
0x8b: {  	s0 =	sand.u32 $0x1, s1  }
0x8c: {  	s17 =	sshll.u32 s0, $0xA;
	s2 =	sadd.s32 s3, s2  }
0x8d: {  	s2 =	sadd.s32 s2, s17  }
0x8e: {  	[smem:$0x3FBD] =	sst s2  }
0x8f: {  	_ = 	snop  }
0x90: {  	s2 =	sld [smem:$0x3FD0];
	(tm) =	ssettm $0x1  }
0x91: {  	s18 =	sld [smem:$0x3FFB];
	_ =	sdelay $0x3  }
0x92: {  	_ =	strace s18  }
0x93: {  	s3 =	sld [smem:$0x3FFC];
	_ =	sdelay $0x3  }
0x94: {  	_ =	strace s3  }
0x95: {  	s3 =	sld [smem:$0x3FFD];
	_ =	sdelay $0x3  }
0x96: {  	_ =	strace s3  }
0x97: {  	_ =	strace $0x8FFFFFFF  }
0x98: {  	s19 =	sld [smem:$0x3FDB];
	_ =	sdelay $0x1  }
0x99: {  	s4 =	simm.s32 $_scs_section_size  }
0x9a: {  	s5 =	simm.s32 $_size__tile_overlayer_lowered;
	s6 =	simm.s32 $_tile_overlayer_lowered  }
0x9b: {  	s22 =	simm.s32 $0x1BFF;
	s21 =	sshll.u32 s6, $0x1;
	s3 =	sadd.s32 s4, s19  }
0x9c: {  	s7 =	simm.s32 $0x0;
	s20 =	sshll.u32 s5, $0x1;
	s5 =	sadd.s32 s21, s3  }
0x9d: {  	[timem:s7], [sflag:s22] =	dma.local [hbm:s5], s20  }
0x9e: {  	_ =	swait.ge [sflag:s22], s20  }
0x9f: {  	s4 =	ssub.s32 $0x0, s20;
	[sflag:s22] =	ssyncset.done $0x0  }
0xa0: {  	[sflag:s22] =	ssyncadd.s32 s4;
	_ =	sdelay $0x1  }
0xa1: {  	s23 =	simm.s32 $0x1B8B  }
0xa2: {  	_ =	swait.ge [sflag:s23], $0x1  }
0xa3: {  	[sflag:s23] =	ssyncset.done $0x0  }
0xa4: {  	s25 =	simm.s32 $0x1B8E;
	s24 =	sld [smem:$0x3FFE];
	[sflag:s23] =	ssyncadd.s32 $0xFFFFFFFF  }
0xa5: {  	s26 =	simm.s32 $execute0_lowered;
	[smem:$0x3FD2] =	sst s25  }
0xa6: {  	s5 =	sshll.u32 s26, $0x1;
	_ =	strace $0x80000049;
	[dreg:$0x1] =	wrdreg $0xFFFFFFFF  }
0xa7: {  	s28 =	simm.s32 $_size_execute0_lowered;
	s3 =	sadd.s32 s3, s5;
	[dreg:$0x0] =	wrdreg $0x0  }
0xa8: {  	s5 =	sshll.u32 s28, $0x1;
	[dreg:$0x2] =	wrdreg s3  }
0xa9: {  	[dreg:$0x3] =	wrdreg s5  }
0xaa: {  	[dreg:$0x4] =	wrdreg $0xC0  }
0xab: {  	_ =	task [dreg:s7], $0x5FFFF  }
0xac: {  	[dreg:$0x1] =	wrdreg $0xFFFFFFFF  }
0xad: {  	[dreg:$0x0] =	wrdreg $0x60  }
0xae: {  	[dreg:$0x2] =	wrdreg s24  }
0xaf: {  	[dreg:$0x3] =	wrdreg s2  }
0xb0: {  	[dreg:$0x4] =	wrdreg $0x82000  }
0xb1: {  	[dreg:$0x5] =	wrdreg $0x9  }
0xb2: {  	_ =	task.clear_ibuf [dreg:s7], $0x6FFFF;
	_ =	strace $0x90000049  }
0xb3: {  	s29 =	simm.s32 $0x9;
	_ =	strace $0x8000004B  }
0xb4: {  	_ =	swait.ge [sflag:s29], $0x1  }
0xb5: {  	[sflag:s29] =	ssyncadd.s32 $0xFFFFFFFF  }
0xb6: {  	_ =	strace $0x9000004B  }
0xb7: {  	_ =	sfence  }
0xb8: {  	s30 =	sld [smem:$0x0];
	_ =	sdelay $0x2  }
0xb9: {  	s31 =	sshll.u32 s1, $0xD;
	s1 =	sshrl.u32 s1, $0x2  }
0xba: {  	s3 =	sand.u32 $0x4000, s31;
	s1 =	sadd.s32 s1, s30  }
0xbb: {  	s0 =	sor.u32 s3, s0;
	s1 =	sshll.u32 s1, $0x11  }
0xbc: {  	s0 =	sor.u32 s1, s0  }
0xbd: {  	s0 =	sadd.s32 $0x8F2B, s0  }
0xbe: {  	[sflag:s0] =	ssyncadd.remote.s32 $0x1  }
0xbf: {  	_ =	sfence.sel $0xFFFF  }
0xc0: {  	[dreg:$0x0] =	wrdreg $0xFFFFFFFF;
	(pc) =	sbr.abs _section_cstart, $3  }
0xc1: {  	[dreg:$0x1] =	wrdreg $0xFFFFFFFF  }
0xc2: {  	_ =	task.clear_ibuf [dreg:s7], $0x2FFFF;
	_ =	strace $0x9FFFFFFF  }
0xc3: {  	(tm) =	ssettm $0x7FFFFFFF  }
tec
execute0_lowered:
.L_overlay_start_1:
0x0: {  	(tag) =	ssettag $0x1  }
0x1: {  	s5 =	rddreg [dreg:$0x0]  }
0x2: {  	s6 =	rddreg [dreg:$0x1];
	s24 =	stileid.u32  }
0x3: {  	s0 =	srdreg.scid;
	s8 =	smul.u32 $0x14000, s24  }
0x4: {  	s2 =	rddreg [dreg:$0x2];
	s3 =	simm.s32 $0x0;
	s9 =	smul.u32 $0x2E, s24  }
0x5: {  	s20 =	simm.s32 $0x200;
	s21 =	simm.s32 $0x5;
	s10 =	smul.u32 $0x70, s24  }
0x6: {  	s7 =	sand.u32 $0x1, s0;
	[smem:$0x7FF] =	sst s3;
	s26 =	smul.u32 $0x50000, s24  }
0x7: {  	s23 =	simm.s32 $0x0;
	s4 =	smul.u32 $0x140000, s7;
	_ =	strace $0x8000004A  }
0x8: {  	s11 =	ssub.s32 $0x2, s7;
	p0 =	seq.s32 s7, $0x0;
	s7 =	sadd.s32 $0x700, s9  }
0x9: {  	s25 =	sshrl.u32 s11, $0x1;
	s28 =	sshrl.u32 s26, $0x2;
	s8 =	sadd.s32 s8, s4  }
0xa: {  	s4 =	sadd.s32 $0x2A00, s5;
	s7 =	smov.u32 @p0 s10;
	s17 =	ssub.s32 s11, s25  }
0xb: {  	s8 =	sshrl.u32 s8, $0x3;
	s7 =	sshll.u32 s7, $0x5;
	s17 =	smax.u32 s17, $0x1  }
0xc: {  	s16 =	sadd.s32 s8, s5;
	s5 =	simm.s32 $0x70;
	s6 =	sadd.s32 s6, s7  }
0xd: {  	s8 =	sadd.s32 s28, s2;
	s5 =	simm.s32 @!p0 $0x2E;
	s29 =	sadd.s32 $0x20, s6  }
0xe: {  	s30 =	sadd.s32 $0x4000, s8;
	s31 =	sadd.s32 $0x8000, s8;
	[dreg:$0x4] =	wrdreg s29  }
0xf: {  	s11 =	sadd.s32 $0xC000, s8;
	s12 =	sadd.s32 $0x10000, s8;
	[dreg:$0x5] =	wrdreg s30  }
0x10: {  	s16 =	sadd.s32 $0x2AA00, s16;
	s18 =	sadd.s32 $0x40, s6;
	[dreg:$0x6] =	wrdreg s31  }
0x11: {  	v0 =	vimm.f32 $0.0e+00;
	s13 =	sadd.s32 $0xFFFFFFFF, s5;
	s14 =	sadd.s32 $0xFFFFFFFE, s5;
	s15 =	sadd.s32 $0xFFFFFFFD, s5  }
.LBB2_1:
0x12: {  	[tilespmem:s3], [sflag:$0x1] =	stream.linear.gather [hbm4b:s6+s3], $0x100, $0x38;
	[tilespmem:$0x1C200] =	vst v63  }
0x13: {  	s0 =	rddreg [dreg:$0x4]  }
0x14: {  	s1 =	simm.s32 $0x100;
	s24 =	simm.s32 $0x0;
	s25 =	simm.s32 $0x200  }
0x15: {  	[tilespmem:s1], [sflag:$0x2] =	stream.linear.gather [hbm4b:s0+s3], $0x100, $0x38;
	[tilespmem:$0x1C200] =	vst v63  }
.LBB2_2:
0x16: {  	p0 =	sne.s32 s25, $0xFE00;
	[tilespmem:s24+$0x270] =	vst v0  }
0x17: {  	[tilespmem:s24+$0x200] =	vst v0  }
0x18: {  	[tilespmem:s24+$0x210] =	vst v0  }
.Ltmp0:
0x19: {  	[tilespmem:s24+$0x220] =	vst v0;
	(pc) =	sbr.rel @p0 .LBB2_2-.Ltmp0, $4  }
0x1a: {  	[tilespmem:s24+$0x230] =	vst v0  }
0x1b: {  	[tilespmem:s24+$0x240] =	vst v0  }
0x1c: {  	[tilespmem:s24+$0x250] =	vst v0  }
0x1d: {  	[tilespmem:s24+$0x260] =	vst v0;
	s24 =	sshra.s32 s25, $0x2;
	s25 =	sadd.s32 $0x200, s25  }
0x1e: {  	[tilespmem:s24+$0x270] =	vst v0  }
0x1f: {  	[tilespmem:s24+$0x200] =	vst v0  }
0x20: {  	[tilespmem:s24+$0x210] =	vst v0  }
0x21: {  	[tilespmem:s24+$0x220] =	vst v0  }
0x22: {  	[tilespmem:s24+$0x230] =	vst v0  }
0x23: {  	[tilespmem:s24+$0x240] =	vst v0  }
0x24: {  	[tilespmem:s24+$0x250] =	vst v0  }
0x25: {  	[tilespmem:s24+$0x260] =	vst v0  }
0x26: {  	[spmem:s8] =	stream.linear.scatter [tilespmem:s20], [sflag:$0x5], $0x4000, $0x38;
	[tilespmem:$0x1C200] =	vst v63  }
0x27: {  	_ =	swait.ge [sflag:s21], $0x4000  }
0x28: {  	[sflag:s21] =	ssyncset.done $0x0  }
0x29: {  	s0 =	rddreg [dreg:$0x5];
	[sflag:s21] =	ssyncadd.s32 $0xFFFFC000  }
0x2a: {  	[spmem:s0] =	stream.linear.scatter [tilespmem:s20], [sflag:$0x5], $0x4000, $0x38;
	[tilespmem:$0x1C200] =	vst v63  }
0x2b: {  	_ =	swait.ge [sflag:s21], $0x4000  }
0x2c: {  	[sflag:s21] =	ssyncset.done $0x0  }
0x2d: {  	s25 =	rddreg [dreg:$0x6];
	[sflag:s21] =	ssyncadd.s32 $0xFFFFC000  }
0x2e: {  	[spmem:s25] =	stream.linear.scatter [tilespmem:s20], [sflag:$0x5], $0x4000, $0x38;
	[tilespmem:$0x1C200] =	vst v63  }
0x2f: {  	_ =	swait.ge [sflag:s21], $0x4000  }
0x30: {  	[sflag:s21] =	ssyncset.done $0x0  }
0x31: {  	[sflag:s21] =	ssyncadd.s32 $0xFFFFC000  }
0x32: {  	[spmem:s11] =	stream.linear.scatter [tilespmem:s20], [sflag:$0x5], $0x4000, $0x38;
	[tilespmem:$0x1C200] =	vst v63  }
0x33: {  	_ =	swait.ge [sflag:s21], $0x4000  }
0x34: {  	[sflag:s21] =	ssyncset.done $0x0  }
0x35: {  	[sflag:s21] =	ssyncadd.s32 $0xFFFFC000  }
0x36: {  	[spmem:s12] =	stream.linear.scatter [tilespmem:s20], [sflag:$0x5], $0x4000, $0x38;
	[tilespmem:$0x1C200] =	vst v63  }
0x37: {  	_ =	swait.ge [sflag:s21], $0x4000  }
0x38: {  	[sflag:s21] =	ssyncset.done $0x0  }
0x39: {  	s26 =	simm.s32 $0x1;
	[sflag:s21] =	ssyncadd.s32 $0xFFFFC000  }
0x3a: {  	p1 =	sle.u32 s5, $0x0;
	_ =	swait.ge [sflag:s26], $0x100  }
0x3b: {  	p0 =	sle.u32 @!p1 s13, $0x0;
	[sflag:s26] =	ssyncset.done $0x0  }
0x3c: {  	s28 =	simm.s32 $0x80;
	p0 =	por p0, p1;
	[sflag:s26] =	ssyncadd.s32 $0xFFFFFF00  }
0x3d: {  	[tilespmem:s20], [sflag:$0x3] =	stream.indirect.gather [hbm4b:s4+s28], $0x80, s3, s28, $0xb8;
	[tilespmem:$0x1C200] =	vst v63  }
0x3e: {  	s24 =	simm.s32 @!p0 $0x2;
	[bflag:$0x0] =	sbarrier.arrive $0xFFFF  }
0x3f: {  	p2 =	sle.u32 s5, $0x1;
	p4 =	sle.u32 @!p1 s14, $0x0;
	_ =	swait.ge @!p0 [sflag:s24], $0x100  }
0x40: {  	s29 =	simm.s32 @!p0 $0x100;
	s25 =	simm.s32 @!p0 $0x4200;
	[sflag:s24] =	ssyncset.done @!p0 $0x0  }
0x41: {  	s26 =	simm.s32 @!p1 $0x3;
	s28 =	simm.s32 @!p0 $0x80;
	[sflag:s24] =	ssyncadd.s32 @!p0 $0xFFFFFF00  }
0x42: {  	[tilespmem:s25], [sflag:$0x4] =	stream.indirect.gather @!p0 [hbm4b:s4+s28], $0x80, s29, s28, $0xb8;
	[tilespmem:$0x1C200] =	vst v63  }
0x43: {  	p3 =	sle.u32 @!p2 s14, $0x0;
	p4 =	por p4, p1;
	_ =	swait.ge @!p1 [sflag:s26], $0x4000  }
0x44: {  	s24 =	simm.s32 @!p1 $0x5;
	s25 =	simm.s32 @!p1 $0x80;
	[sflag:s26] =	ssyncset.done @!p1 $0x0  }
0x45: {  	s28 =	simm.s32 @!p1 $0x200;
	p0 =	por p2, p2;
	[sflag:s26] =	ssyncadd.s32 @!p1 $0xFFFFC000  }
0x46: {  	[spmem:s2] =	stream.indirect.scatter.add.f32 @!p1 [tilespmem:s28], [sflag:$0x5], $0x80, s25, s25, $0xb8;
	[tilespmem:$0x1C200] =	vst v63  }
0x47: {  	s29 =	simm.s32 @!p0 $0x4200;
	s30 =	simm.s32 @!p0 $0x80;
	_ =	swait.ge @!p1 [sflag:s24], $0x4000  }
0x48: {  	s31 =	simm.s32 @!p0 $0x5;
	s25 =	simm.s32 @!p4 $0x0;
	[sflag:s24] =	ssyncset.done @!p1 $0x0  }
0x49: {  	[sflag:s24] =	ssyncadd.s32 @!p1 $0xFFFFC000;
	p1 =	por p3, p0;
	p3 =	sle.u32 @!p2 s15, $0x0  }
0x4a: {  	[tilespmem:s25], [sflag:$0x1] =	stream.linear.gather @!p4 [hbm4b:s18+s25], $0x100, $0x38;
	[tilespmem:$0x1C200] =	vst v63  }
0x4b: {  	s24 =	simm.s32 @!p1 $0x1;
	p2 =	por p3, p2;
	s25 =	simm.s32 @!p1 $0x200  }
0x4c: {  	s26 =	simm.s32 @!p1 $0x80;
	s28 =	simm.s32 @!p1 $0x0;
	_ =	swait.ge @!p1 [sflag:s24], $0x100  }
0x4d: {  	p3 =	sle.u32 s5, $0x3;
	p4 =	por p2, p2;
	[sflag:s24] =	ssyncset.done @!p1 $0x0  }
0x4e: {  	p5 =	sle.u32 @!p3 s15, $0x2;
	[sflag:s24] =	ssyncadd.s32 @!p1 $0xFFFFFF00;
	s24 =	simm.s32 @!p0 $0x4  }
0x4f: {  	[tilespmem:s25], [sflag:$0x3] =	stream.indirect.gather @!p1 [hbm4b:s4+s26], $0x80, s28, s26, $0xb8;
	[tilespmem:$0x1C200] =	vst v63  }
0x50: {  	p6 =	por p5, p3;
	s26 =	sadd.s32 @!p2 $0x20, s18;
	_ =	swait.ge @!p0 [sflag:s24], $0x4000  }
0x51: {  	s25 =	simm.s32 $0x5;
	p2 =	sle.u32 s5, $0x2;
	[sflag:s24] =	ssyncset.done @!p0 $0x0  }
0x52: {  	s28 =	simm.s32 @!p0 $0x180;
	p1 =	sle.u32 @!p2 s13, $0x2;
	[sflag:s24] =	ssyncadd.s32 @!p0 $0xFFFFC000  }
0x53: {  	[spmem:s2] =	stream.indirect.scatter.add.f32 @!p0 [tilespmem:s29], [sflag:$0x5], $0x80, s28, s30, $0xb8;
	[tilespmem:$0x1C200] =	vst v63  }
0x54: {  	s24 =	sadd.s32 $0x40, s18;
	s29 =	simm.s32 @!p4 $0x100;
	s30 =	simm.s32 $0x2  }
.LBB2_4:
0x55: {  	p1 =	por p1, p2;
	s0 =	sadd.s32 @!p6 $0x20, s24  }
0x56: {  	_ =	swait.ge @!p0 [sflag:s31], $0x4000;
	s28 =	smov.u32 s25;
	p5 =	sge.u32 @!p3 s30, s14  }
0x57: {  	s25 =	sadd.s32 $0x2, s25;
	s22 =	simm.s32 @!p1 $0x2;
	s1 =	simm.s32 @!p5 $0x0  }
0x58: {  	[sflag:s31] =	ssyncset.done @!p0 $0x0;
	s1 =	simm.s32 @p5 $0x1;
	p5 =	sge.u32 @!p2 s30, s14  }
0x59: {  	[sflag:s31] =	ssyncadd.s32 @!p0 $0xFFFFC000;
	s30 =	simm.s32 @!p4 $0x0;
	s31 =	simm.s32 @!p1 $0x80  }
0x5a: {  	[tilespmem:s29], [sflag:$0x2] =	stream.linear.gather @!p4 [hbm4b:s26+s30], $0x100, $0x38;
	[tilespmem:$0x1C200] =	vst v63  }
0x5b: {  	p0 =	sne.s32 s25, $0x9F;
	[smem:$0x7FC] =	sst s1;
	s29 =	simm.s32 @!p1 $0x4200  }
0x5c: {  	s26 =	smov.u32 s0;
	s0 =	simm.s32 @!p0 $0x0;
	_ =	swait.ge @!p1 [sflag:s22], $0x100  }
0x5d: {  	s30 =	simm.s32 @!p2 $0x3;
	s0 =	simm.s32 @p0 $0x1;
	[sflag:s22] =	ssyncset.done @!p1 $0x0  }
0x5e: {  	s1 =	simm.s32 @!p1 $0x100;
	[smem:$0x7FD] =	sst s0;
	[sflag:s22] =	ssyncadd.s32 @!p1 $0xFFFFFF00  }
0x5f: {  	[tilespmem:s29], [sflag:$0x4] =	stream.indirect.gather @!p1 [hbm4b:s4+s31], $0x80, s1, s31, $0xb8;
	[tilespmem:$0x1C200] =	vst v63  }
0x60: {  	_ =	swait.ge @!p2 [sflag:s30], $0x4000  }
0x61: {  	s0 =	simm.s32 @!p2 $0x5;
	[sflag:s30] =	ssyncset.done @!p2 $0x0  }
0x62: {  	s22 =	simm.s32 @!p2 $0x200;
	s1 =	simm.s32 @!p2 $0x80;
	[sflag:s30] =	ssyncadd.s32 @!p2 $0xFFFFC000  }
0x63: {  	[spmem:s2] =	stream.indirect.scatter.add.f32 @!p2 [tilespmem:s22], [sflag:$0x5], $0x80, s1, s1, $0xb8;
	[tilespmem:$0x1C200] =	vst v63  }
0x64: {  	p0 =	por p3, p3;
	_ =	swait.ge @!p2 [sflag:s0], $0x4000  }
0x65: {  	p3 =	por p5, p2;
	[sflag:s0] =	ssyncset.done @!p2 $0x0;
	s22 =	sld [smem:$0x7FC]  }
0x66: {  	s19 =	smov.u32 s24;
	s1 =	simm.s32 @!p3 $0x0;
	[sflag:s0] =	ssyncadd.s32 @!p2 $0xFFFFC000  }
0x67: {  	[tilespmem:s1], [sflag:$0x1] =	stream.linear.gather @!p3 [hbm4b:s19+s1], $0x100, $0x38;
	[tilespmem:$0x1C200] =	vst v63  }
0x68: {  	p4 =	por p6, p6;
	p6 =	seq.s32 s22, $0x1  }
0x69: {  	p1 =	por p6, p0  }
0x6a: {  	s0 =	simm.s32 @!p1 $0x1  }
0x6b: {  	_ =	swait.ge @!p1 [sflag:s0], $0x100  }
0x6c: {  	s1 =	simm.s32 @!p1 $0x200;
	s19 =	simm.s32 @!p1 $0x80;
	[sflag:s0] =	ssyncset.done @!p1 $0x0  }
0x6d: {  	s22 =	simm.s32 @!p1 $0x0;
	[sflag:s0] =	ssyncadd.s32 @!p1 $0xFFFFFF00;
	s0 =	simm.s32 @!p0 $0x4  }
0x6e: {  	[tilespmem:s1], [sflag:$0x3] =	stream.indirect.gather @!p1 [hbm4b:s4+s19], $0x80, s22, s19, $0xb8;
	[tilespmem:$0x1C200] =	vst v63  }
0x6f: {  	_ =	swait.ge @!p0 [sflag:s0], $0x4000  }
0x70: {  	s30 =	sadd.s32 $0xFFFFFFFF, s28;
	p3 =	sge.u32 s28, s5;
	s28 =	sld [smem:$0x7FD]  }
0x71: {  	_ = 	snop  }
0x72: {  	p5 =	sge.u32 @!p3 s30, s15  }
0x73: {  	p6 =	por p5, p3;
	p5 =	seq.s32 s28, $0x1  }
.Ltmp1:
0x74: {  	s24 =	sadd.s32 $0x40, s24;
	(pc) =	sbr.rel @p5 .LBB2_4-.Ltmp1, $4  }
0x75: {  	s7 =	simm.s32 @!p0 $0x180;
	s9 =	simm.s32 @!p0 $0x4200;
	s10 =	simm.s32 @!p0 $0x80  }
0x76: {  	s29 =	simm.s32 @!p4 $0x100;
	p2 =	sge.u32 s30, s5;
	[sflag:s0] =	ssyncset.done @!p0 $0x0  }
0x77: {  	s31 =	simm.s32 @!p0 $0x5;
	p1 =	sge.u32 @!p2 s30, s13;
	[sflag:s0] =	ssyncadd.s32 @!p0 $0xFFFFC000  }
0x78: {  	[spmem:s2] =	stream.indirect.scatter.add.f32 @!p0 [tilespmem:s9], [sflag:$0x5], $0x80, s7, s10, $0xb8;
	[tilespmem:$0x1C200] =	vst v63  }
0x79: {  	_ =	swait.ge @!p0 [sflag:s31], $0x4000  }
0x7a: {  	[sflag:s31] =	ssyncset.done @!p0 $0x0  }
0x7b: {  	s0 =	simm.s32 @!p4 $0x0;
	[sflag:s31] =	ssyncadd.s32 @!p0 $0xFFFFC000;
	p0 =	por p1, p2  }
0x7c: {  	[tilespmem:s29], [sflag:$0x2] =	stream.linear.gather @!p4 [hbm4b:s26+s0], $0x100, $0x38;
	[tilespmem:$0x1C200] =	vst v63  }
0x7d: {  	s0 =	simm.s32 @!p0 $0x2  }
0x7e: {  	_ =	swait.ge @!p0 [sflag:s0], $0x100  }
0x7f: {  	s7 =	simm.s32 @!p2 $0x3;
	s1 =	simm.s32 @!p0 $0x4200;
	[sflag:s0] =	ssyncset.done @!p0 $0x0  }
0x80: {  	s9 =	simm.s32 @!p0 $0x80;
	s10 =	simm.s32 @!p0 $0x100;
	[sflag:s0] =	ssyncadd.s32 @!p0 $0xFFFFFF00  }
0x81: {  	[tilespmem:s1], [sflag:$0x4] =	stream.indirect.gather @!p0 [hbm4b:s4+s9], $0x80, s10, s9, $0xb8;
	[tilespmem:$0x1C200] =	vst v63  }
0x82: {  	_ =	swait.ge @!p2 [sflag:s7], $0x4000  }
0x83: {  	s0 =	simm.s32 @!p2 $0x5;
	[sflag:s7] =	ssyncset.done @!p2 $0x0  }
0x84: {  	s1 =	simm.s32 @!p2 $0x80;
	s9 =	simm.s32 @!p2 $0x200;
	[sflag:s7] =	ssyncadd.s32 @!p2 $0xFFFFC000  }
0x85: {  	[spmem:s2] =	stream.indirect.scatter.add.f32 @!p2 [tilespmem:s9], [sflag:$0x5], $0x80, s1, s1, $0xb8;
	[tilespmem:$0x1C200] =	vst v63  }
0x86: {  	p0 =	sge.u32 @!p2 s30, s14;
	_ =	swait.ge @!p2 [sflag:s0], $0x4000  }
0x87: {  	p0 =	por p0, p2;
	[sflag:s0] =	ssyncset.done @!p2 $0x0  }
0x88: {  	[sflag:s0] =	ssyncadd.s32 @!p2 $0xFFFFC000;
	s0 =	simm.s32 @!p0 $0x0  }
0x89: {  	[tilespmem:s0], [sflag:$0x1] =	stream.linear.gather @!p0 [hbm4b:s24+s0], $0x100, $0x38;
	[tilespmem:$0x1C200] =	vst v63  }
0x8a: {  	p1 =	sge.u32 @!p3 s30, s14;
	p0 =	por p3, p3  }
0x8b: {  	p1 =	por p1, p0  }
0x8c: {  	s0 =	simm.s32 @!p1 $0x1  }
0x8d: {  	_ =	swait.ge @!p1 [sflag:s0], $0x100  }
0x8e: {  	s1 =	simm.s32 @!p1 $0x200;
	s7 =	simm.s32 @!p1 $0x80;
	[sflag:s0] =	ssyncset.done @!p1 $0x0  }
0x8f: {  	s9 =	simm.s32 @!p1 $0x0;
	[sflag:s0] =	ssyncadd.s32 @!p1 $0xFFFFFF00;
	s0 =	simm.s32 @!p0 $0x4  }
0x90: {  	[tilespmem:s1], [sflag:$0x3] =	stream.indirect.gather @!p1 [hbm4b:s4+s7], $0x80, s9, s7, $0xb8;
	[tilespmem:$0x1C200] =	vst v63  }
0x91: {  	_ =	swait.ge @!p0 [sflag:s0], $0x4000  }
0x92: {  	s10 =	simm.s32 @!p0 $0x80;
	s1 =	simm.s32 @!p0 $0x5;
	[sflag:s0] =	ssyncset.done @!p0 $0x0  }
0x93: {  	s7 =	simm.s32 @!p0 $0x180;
	s9 =	simm.s32 @!p0 $0x4200;
	[sflag:s0] =	ssyncadd.s32 @!p0 $0xFFFFC000  }
0x94: {  	[spmem:s2] =	stream.indirect.scatter.add.f32 @!p0 [tilespmem:s9], [sflag:$0x5], $0x80, s7, s10, $0xb8;
	[tilespmem:$0x1C200] =	vst v63  }
0x95: {  	s23 =	sadd.s32 $0x1, s23;
	s30 =	stileid.u32;
	_ =	swait.ge @!p0 [sflag:s1], $0x4000  }
0x96: {  	p1 =	por p6, p6;
	s0 =	sadd.s32 @!p6 $0x20, s24;
	[sflag:s1] =	ssyncset.done @!p0 $0x0  }
0x97: {  	s7 =	simm.s32 @!p1 $0x0;
	[sflag:s1] =	ssyncadd.s32 @!p0 $0xFFFFC000;
	s1 =	simm.s32 @!p1 $0x100  }
0x98: {  	[tilespmem:s1], [sflag:$0x2] =	stream.linear.gather @!p1 [hbm4b:s0+s7], $0x100, $0x38;
	[tilespmem:$0x1C200] =	vst v63  }
0x99: {  	s31 =	sshrl.u32 s8, $0x3;
	p0 =	sne.s32 s23, s17;
	s0 =	sshll.u32 s30, $0x6  }
.Ltmp2:
0x9a: {  	[bflag:$0x0] =	sbarrier.arrive $0xFFFF;
	s0 =	sor.u32 $0x1C05, s0;
	(pc) =	sbr.rel @p0 .LBB2_1-.Ltmp2, $4  }
0x9b: {  	[hbm:s16], [sflag:s0] =	dma.local [spmem:s31], $0x2800  }
0x9c: {  	_ =	swait.ge [sflag:s21], $0x2800  }
0x9d: {  	[sflag:s21] =	ssyncset.done $0x0  }
0x9e: {  	[sflag:s21] =	ssyncadd.s32 $0xFFFFD800  }
0x9f: {  	_ =	sfence.sel $0x180000  }
0xa0: {  	[bflag:$0x0] =	sbarrier.arrive $0xFFFF  }
0xa1: {  	_ =	strace $0x9000004A  }
0xa2: {  	s0 =	stileid.u32;
	[bflag:$0x2] =	sbarrier.arrive $0xFFFF  }
0xa3: {  	p0 =	sne.s32 s0, $0x0;
	s0 =	rddreg [dreg:$0x3]  }
0xa4: {  	s0 =	sadd.s32 @!p0 $0x100000, s0  }
0xa5: {  	[sflag:s0] =	ssyncadd.tile.s32 @!p0 $0x1;
	_ =	shalt  }
.Lfunc_end2:
_tile_overlayer_lowered:
.L_overlay_start_2:
0xa6: {  	(tag) =	ssettag $0x2  }
0xa7: {  	s0 =	rddreg [dreg:$0x0];
	s2 =	stileid.u32  }
0xa8: {  	s1 =	rddreg [dreg:$0x1];
	p0 =	sne.s32 s2, $0x0  }
0xa9: {  	s3 =	rddreg [dreg:$0x2];
	[bflag:$0x3] =	sbarrier.arrive $0xFFFF;
	s2 =	simm.s32 @!p0 $0x1C05  }
0xaa: {  	[timem:s3], [sflag:s2] =	dma.local @!p0 [hbm:s0], s1  }
0xab: {  	s0 =	simm.s32 @!p0 $0x5  }
0xac: {  	_ =	swait.ge @!p0 [sflag:s0], s1  }
0xad: {  	s1 =	ssub.s32 @!p0 $0x0, s1;
	[sflag:s0] =	ssyncset.done @!p0 $0x0  }
0xae: {  	[sflag:s0] =	ssyncadd.s32 @!p0 s1  }
0xaf: {  	[bflag:$0x3] =	sbarrier.arrive $0xFFFF  }
0xb0: {  	_ =	shalt  }

// kernel: kernel.15.cloned.1.call-start
scs
__scs_entry_jumppad:
0x0: {  	(pc) =	sbr.rel $0x88, $3  }
0x1: {  	(tag) =	ssettag $0x0;
	lr =	simm.s32 $0x1  }
0x2: {  	[smem:$0x3F96] =	sst lr;
	_ =	strace $0xD0000000  }
0x3: {  	_ = 	snop  }
0x4: {  	_ = 	snop  }
0x5: {  	_ = 	snop  }
0x6: {  	_ = 	snop  }
0x7: {  	_ = 	snop  }
__scs_overlays_trampoline_lowered:
0x8: {  	[smem:$0x3FA5] =	sst s0  }
0x9: {  	[smem:$0x3FA6] =	sst s1  }
0xa: {  	[smem:$0x3FA7] =	sst s2  }
0xb: {  	[smem:$0x3FA8] =	sst s3  }
0xc: {  	[smem:$0x3FA9] =	sst s4  }
0xd: {  	[smem:$0x3FAA] =	sst s5  }
0xe: {  	[smem:$0x3FAB] =	sst s6  }
0xf: {  	[smem:$0x3FAC] =	sst s7  }
0x10: {  	[smem:$0x3FAD] =	sst s8  }
0x11: {  	[smem:$0x3FAE] =	sst s9;
	s0 =	simm.s32 @!p0 $0x0  }
0x12: {  	s1 =	sld [smem:$0x3F94];
	s0 =	simm.s32 @p0 $0x1  }
0x13: {  	[smem:$0x3FAF] =	sst s0;
	s0 =	simm.s32 @!p1 $0x0  }
0x14: {  	s2 =	sld [smem:$0x3F93];
	s0 =	simm.s32 @p1 $0x1  }
0x15: {  	[smem:$0x3FB0] =	sst s0;
	s0 =	simm.s32 @!p2 $0x0  }
0x16: {  	s3 =	sld [smem:$0x3FDB];
	s0 =	simm.s32 @p2 $0x1  }
0x17: {  	s4 =	simm.s32 $0x1BF5;
	[smem:$0x3FB2] =	sst s0  }
0x18: {  	s0 =	sld [smem:$0x3F95];
	_ =	swait.ge [sflag:s4], $0x0  }
0x19: {  	s7 =	sld [smem:$0x3F96]  }
0x1a: {  	s8 =	sadd.s32 $0xFFFFE003, lr  }
0x1b: {  	s9 =	sadd.s32 $0xFFFFFEF7, lr;
	s5 =	simm.s32 $0xFFFFFFFF;
	p2 =	slt.u32 s8, $0xFFFFF086  }
0x1c: {  	p1 =	slt.u32 s9, $0xF7A;
	s5 =	simm.s32 @!p2 $0x0  }
0x1d: {  	s5 =	simm.s32 @p1 $0x1;
	p0 =	seq.s32 s7, s2  }
0x1e: {  	s7 =	smul.u32 @!p0 $0xF7A, s2;
	p2 =	seq.s32 @!p0 s5, $0x0  }
0x1f: {  	s9 =	smul.u32 $0xF7A, s1;
	s8 =	simm.s32 @!p0 $0x1BF5;
	p2 =	por !p2, p0  }
0x20: {  	[sflag:s8] =	ssyncset.s32 @!p0 $0xFFFFF086;
	s6 =	sadd.s32 @!p0 s3, s7;
	s7 =	simm.s32 @!p0 $0x108  }
0x21: {  	s3 =	sadd.s32 s3, s9;
	s6 =	sadd.s32 @!p0 $0x88, s6;
	s7 =	simm.s32 @p2 $0x1082  }
0x22: {  	[simem:s7], [sflag:s8] =	dma.local @!p0 [hbm:s6], $0xF7A  }
0x23: {  	s9 =	sor.u32 $0xD0000000, s2;
	s6 =	simm.s32 $0x108;
	_ =	swait.ge @!p0 [sflag:s8], $0x0  }
0x24: {  	s3 =	sadd.s32 $0x88, s3;
	s6 =	simm.s32 @!p1 $0x1082;
	[sflag:s4] =	ssyncset.s32 $0xFFFFF086  }
0x25: {  	[simem:s6], [sflag:s4] =	dma.local [hbm:s3], $0xF7A  }
0x26: {  	[smem:$0x3F96] =	sst s1;
	(tag) =	ssettag s2;
	_ =	strace s9  }
0x27: {  	s1 =	sld [smem:$0x3FA6]  }
0x28: {  	s2 =	sld [smem:$0x3FA7]  }
0x29: {  	s4 =	sld [smem:$0x3FA9]  }
0x2a: {  	p0 =	seq.s32 s5, $0x0;
	s5 =	sld [smem:$0x3FAA]  }
0x2b: {  	s6 =	sld [smem:$0x3FAB]  }
0x2c: {  	s7 =	sld [smem:$0x3FAC]  }
0x2d: {  	s3 =	simm.s32 $0x108;
	s8 =	sld [smem:$0x3FAD]  }
0x2e: {  	s3 =	simm.s32 @!p0 $0x1082;
	s9 =	sld [smem:$0x3FAE]  }
0x2f: {  	lr =	sadd.s32 s0, s3;
	s0 =	sld [smem:$0x3FA5]  }
0x30: {  	s3 =	sld [smem:$0x3FA8]  }
0x31: {  	[smem:$0x3FB1] =	sst s10  }
0x32: {  	s10 =	sld [smem:$0x3FAF];
	_ =	sdelay $0x3  }
0x33: {  	p0 =	seq.s32 s10, $0x1;
	s10 =	sld [smem:$0x3FB1];
	_ =	sdelay $0x3  }
0x34: {  	[smem:$0x3FB1] =	sst s10  }
0x35: {  	s10 =	sld [smem:$0x3FB0];
	_ =	sdelay $0x3  }
0x36: {  	p1 =	seq.s32 s10, $0x1;
	s10 =	sld [smem:$0x3FB1];
	_ =	sdelay $0x3  }
0x37: {  	[smem:$0x3FB1] =	sst s10  }
0x38: {  	s10 =	sld [smem:$0x3FB2]  }
0x39: {  	_ = 	snop;
	(pc) =	sbr.ind lr, $3  }
0x3a: {  	_ = 	snop  }
0x3b: {  	_ = 	snop  }
0x3c: {  	p2 =	seq.s32 s10, $0x1;
	s10 =	sld [smem:$0x3FB1]  }
0x3d: {  	_ =	shalt  }
0x3e: {  	_ =	shalt  }
0x3f: {  	_ =	shalt  }
0x40: {  	_ =	shalt  }
0x41: {  	_ =	shalt  }
0x42: {  	_ =	shalt  }
0x43: {  	_ =	shalt  }
0x44: {  	_ =	shalt  }
0x45: {  	_ =	shalt  }
0x46: {  	_ =	shalt  }
0x47: {  	_ =	shalt  }
0x48: {  	_ =	shalt  }
0x49: {  	_ =	shalt  }
0x4a: {  	_ =	shalt  }
0x4b: {  	_ =	shalt  }
0x4c: {  	_ =	shalt  }
0x4d: {  	_ =	shalt  }
0x4e: {  	_ =	shalt  }
0x4f: {  	_ =	shalt  }
0x50: {  	_ =	shalt  }
0x51: {  	_ =	shalt  }
0x52: {  	_ =	shalt  }
0x53: {  	_ =	shalt  }
0x54: {  	_ =	shalt  }
0x55: {  	_ =	shalt  }
0x56: {  	_ =	shalt  }
0x57: {  	_ =	shalt  }
0x58: {  	_ =	shalt  }
0x59: {  	_ =	shalt  }
0x5a: {  	_ =	shalt  }
0x5b: {  	_ =	shalt  }
0x5c: {  	_ =	shalt  }
0x5d: {  	_ =	shalt  }
0x5e: {  	_ =	shalt  }
0x5f: {  	_ =	shalt  }
0x60: {  	_ =	shalt  }
0x61: {  	_ =	shalt  }
0x62: {  	_ =	shalt  }
0x63: {  	_ =	shalt  }
0x64: {  	_ =	shalt  }
0x65: {  	_ =	shalt  }
0x66: {  	_ =	shalt  }
0x67: {  	_ =	shalt  }
0x68: {  	_ =	shalt  }
0x69: {  	_ =	shalt  }
0x6a: {  	_ =	shalt  }
0x6b: {  	_ =	shalt  }
0x6c: {  	_ =	shalt  }
0x6d: {  	_ =	shalt  }
0x6e: {  	_ =	shalt  }
0x6f: {  	_ =	shalt  }
0x70: {  	_ =	shalt  }
0x71: {  	_ =	shalt  }
0x72: {  	_ =	shalt  }
0x73: {  	_ =	shalt  }
0x74: {  	_ =	shalt  }
0x75: {  	_ =	shalt  }
0x76: {  	_ =	shalt  }
0x77: {  	_ =	shalt  }
0x78: {  	_ =	shalt  }
0x79: {  	_ =	shalt  }
0x7a: {  	_ =	shalt  }
0x7b: {  	_ =	shalt  }
0x7c: {  	_ =	shalt  }
0x7d: {  	_ =	shalt  }
0x7e: {  	_ =	shalt  }
0x7f: {  	_ =	shalt  }
0x80: {  	_ =	shalt  }
0x81: {  	_ =	shalt  }
0x82: {  	_ =	shalt  }
0x83: {  	_ =	shalt  }
0x84: {  	_ =	shalt  }
0x85: {  	_ =	shalt  }
0x86: {  	_ =	shalt  }
0x87: {  	_ =	shalt  }
.Lfunc_end0:
.L_simem_size_0:
called_computation.2_lowered:
.L_overlay_start_0:
0x88: {  	s2 =	sld [smem:$0x3FD9]  }
0x89: {  	s3 =	sld [smem:$0x3FFE];
	_ =	sdelay $0x1  }
0x8a: {  	s1 =	srdreg.scid  }
0x8b: {  	s0 =	sand.u32 $0x1, s1  }
0x8c: {  	s17 =	sshll.u32 s0, $0xA;
	s2 =	sadd.s32 s3, s2  }
0x8d: {  	s2 =	sadd.s32 s2, s17  }
0x8e: {  	[smem:$0x3FBD] =	sst s2  }
0x8f: {  	_ = 	snop  }
0x90: {  	s2 =	sld [smem:$0x3FD0];
	(tm) =	ssettm $0x1  }
0x91: {  	s18 =	sld [smem:$0x3FFB];
	_ =	sdelay $0x3  }
0x92: {  	_ =	strace s18  }
0x93: {  	s3 =	sld [smem:$0x3FFC];
	_ =	sdelay $0x3  }
0x94: {  	_ =	strace s3  }
0x95: {  	s3 =	sld [smem:$0x3FFD];
	_ =	sdelay $0x3  }
0x96: {  	_ =	strace s3  }
0x97: {  	_ =	strace $0x8FFFFFFF  }
0x98: {  	s19 =	sld [smem:$0x3FDB];
	_ =	sdelay $0x1  }
0x99: {  	s4 =	simm.s32 $_scs_section_size  }
0x9a: {  	s5 =	simm.s32 $_size__tile_overlayer_lowered;
	s6 =	simm.s32 $_tile_overlayer_lowered  }
0x9b: {  	s22 =	simm.s32 $0x1BFF;
	s21 =	sshll.u32 s6, $0x1;
	s3 =	sadd.s32 s4, s19  }
0x9c: {  	s7 =	simm.s32 $0x0;
	s20 =	sshll.u32 s5, $0x1;
	s5 =	sadd.s32 s21, s3  }
0x9d: {  	[timem:s7], [sflag:s22] =	dma.local [hbm:s5], s20  }
0x9e: {  	_ =	swait.ge [sflag:s22], s20  }
0x9f: {  	s4 =	ssub.s32 $0x0, s20;
	[sflag:s22] =	ssyncset.done $0x0  }
0xa0: {  	[sflag:s22] =	ssyncadd.s32 s4;
	_ =	sdelay $0x1  }
0xa1: {  	s23 =	simm.s32 $0x1B8B  }
0xa2: {  	_ =	swait.ge [sflag:s23], $0x1  }
0xa3: {  	[sflag:s23] =	ssyncset.done $0x0  }
0xa4: {  	s25 =	simm.s32 $0x1B8E;
	s24 =	sld [smem:$0x3FFE];
	[sflag:s23] =	ssyncadd.s32 $0xFFFFFFFF  }
0xa5: {  	s26 =	simm.s32 $execute0_lowered;
	[smem:$0x3FD2] =	sst s25  }
0xa6: {  	s5 =	sshll.u32 s26, $0x1;
	_ =	strace $0x8000004C;
	[dreg:$0x1] =	wrdreg $0xFFFFFFFF  }
0xa7: {  	s28 =	simm.s32 $_size_execute0_lowered;
	s3 =	sadd.s32 s3, s5;
	[dreg:$0x0] =	wrdreg $0x0  }
0xa8: {  	s5 =	sshll.u32 s28, $0x1;
	[dreg:$0x2] =	wrdreg s3  }
0xa9: {  	[dreg:$0x3] =	wrdreg s5  }
0xaa: {  	[dreg:$0x4] =	wrdreg $0xC0  }
0xab: {  	_ =	task [dreg:s7], $0x5FFFF  }
0xac: {  	[dreg:$0x1] =	wrdreg $0xFFFFFFFF  }
0xad: {  	[dreg:$0x0] =	wrdreg $0x60  }
0xae: {  	[dreg:$0x2] =	wrdreg s24  }
0xaf: {  	[dreg:$0x3] =	wrdreg s2  }
0xb0: {  	[dreg:$0x4] =	wrdreg $0x82000  }
0xb1: {  	[dreg:$0x5] =	wrdreg $0x9  }
0xb2: {  	_ =	task.clear_ibuf [dreg:s7], $0x6FFFF;
	_ =	strace $0x9000004C  }
0xb3: {  	s29 =	simm.s32 $0x9;
	_ =	strace $0x8000004E  }
0xb4: {  	_ =	swait.ge [sflag:s29], $0x1  }
0xb5: {  	[sflag:s29] =	ssyncadd.s32 $0xFFFFFFFF  }
0xb6: {  	_ =	strace $0x9000004E  }
0xb7: {  	_ =	sfence  }
0xb8: {  	s30 =	sld [smem:$0x0];
	_ =	sdelay $0x2  }
0xb9: {  	s31 =	sshll.u32 s1, $0xD;
	s1 =	sshrl.u32 s1, $0x2  }
0xba: {  	s3 =	sand.u32 $0x4000, s31;
	s1 =	sadd.s32 s1, s30  }
0xbb: {  	s0 =	sor.u32 s3, s0;
	s1 =	sshll.u32 s1, $0x11  }
0xbc: {  	s0 =	sor.u32 s1, s0  }
0xbd: {  	s0 =	sadd.s32 $0x8F2B, s0  }
0xbe: {  	[sflag:s0] =	ssyncadd.remote.s32 $0x1  }
0xbf: {  	_ =	sfence.sel $0xFFFF  }
0xc0: {  	[dreg:$0x0] =	wrdreg $0xFFFFFFFF;
	(pc) =	sbr.abs _section_cstart, $3  }
0xc1: {  	[dreg:$0x1] =	wrdreg $0xFFFFFFFF  }
0xc2: {  	_ =	task.clear_ibuf [dreg:s7], $0x2FFFF;
	_ =	strace $0x9FFFFFFF  }
0xc3: {  	(tm) =	ssettm $0x7FFFFFFF  }
tec
execute0_lowered:
.L_overlay_start_1:
0x0: {  	(tag) =	ssettag $0x1  }
0x1: {  	s5 =	rddreg [dreg:$0x0]  }
0x2: {  	s6 =	rddreg [dreg:$0x1];
	s24 =	stileid.u32  }
0x3: {  	s0 =	srdreg.scid;
	s8 =	smul.u32 $0x14000, s24  }
0x4: {  	s2 =	rddreg [dreg:$0x2];
	s3 =	simm.s32 $0x0;
	s9 =	smul.u32 $0x2E, s24  }
0x5: {  	s20 =	simm.s32 $0x200;
	s21 =	simm.s32 $0x5;
	s10 =	smul.u32 $0x70, s24  }
0x6: {  	s7 =	sand.u32 $0x1, s0;
	[smem:$0x7FF] =	sst s3;
	s26 =	smul.u32 $0x50000, s24  }
0x7: {  	s23 =	simm.s32 $0x0;
	s4 =	smul.u32 $0x140000, s7;
	_ =	strace $0x8000004D  }
0x8: {  	s11 =	ssub.s32 $0x2, s7;
	p0 =	seq.s32 s7, $0x0;
	s7 =	sadd.s32 $0x700, s9  }
0x9: {  	s25 =	sshrl.u32 s11, $0x1;
	s28 =	sshrl.u32 s26, $0x2;
	s8 =	sadd.s32 s8, s4  }
0xa: {  	s4 =	sadd.s32 $0x2A00, s5;
	s7 =	smov.u32 @p0 s10;
	s17 =	ssub.s32 s11, s25  }
0xb: {  	s8 =	sshrl.u32 s8, $0x3;
	s7 =	sshll.u32 s7, $0x5;
	s17 =	smax.u32 s17, $0x1  }
0xc: {  	s16 =	sadd.s32 s8, s5;
	s5 =	simm.s32 $0x70;
	s6 =	sadd.s32 s6, s7  }
0xd: {  	s8 =	sadd.s32 s28, s2;
	s5 =	simm.s32 @!p0 $0x2E;
	s29 =	sadd.s32 $0x20, s6  }
0xe: {  	s30 =	sadd.s32 $0x4000, s8;
	s31 =	sadd.s32 $0x8000, s8;
	[dreg:$0x4] =	wrdreg s29  }
0xf: {  	s11 =	sadd.s32 $0xC000, s8;
	s12 =	sadd.s32 $0x10000, s8;
	[dreg:$0x5] =	wrdreg s30  }
0x10: {  	s16 =	sadd.s32 $0x2AA00, s16;
	s18 =	sadd.s32 $0x40, s6;
	[dreg:$0x6] =	wrdreg s31  }
0x11: {  	v0 =	vimm.f32 $0.0e+00;
	s13 =	sadd.s32 $0xFFFFFFFF, s5;
	s14 =	sadd.s32 $0xFFFFFFFE, s5;
	s15 =	sadd.s32 $0xFFFFFFFD, s5  }
.LBB2_1:
0x12: {  	[tilespmem:s3], [sflag:$0x1] =	stream.linear.gather [hbm4b:s6+s3], $0x100, $0x38;
	[tilespmem:$0x1C200] =	vst v63  }
0x13: {  	s0 =	rddreg [dreg:$0x4]  }
0x14: {  	s1 =	simm.s32 $0x100;
	s24 =	simm.s32 $0x0;
	s25 =	simm.s32 $0x200  }
0x15: {  	[tilespmem:s1], [sflag:$0x2] =	stream.linear.gather [hbm4b:s0+s3], $0x100, $0x38;
	[tilespmem:$0x1C200] =	vst v63  }
.LBB2_2:
0x16: {  	p0 =	sne.s32 s25, $0xFE00;
	[tilespmem:s24+$0x270] =	vst v0  }
0x17: {  	[tilespmem:s24+$0x200] =	vst v0  }
0x18: {  	[tilespmem:s24+$0x210] =	vst v0  }
.Ltmp0:
0x19: {  	[tilespmem:s24+$0x220] =	vst v0;
	(pc) =	sbr.rel @p0 .LBB2_2-.Ltmp0, $4  }
0x1a: {  	[tilespmem:s24+$0x230] =	vst v0  }
0x1b: {  	[tilespmem:s24+$0x240] =	vst v0  }
0x1c: {  	[tilespmem:s24+$0x250] =	vst v0  }
0x1d: {  	[tilespmem:s24+$0x260] =	vst v0;
	s24 =	sshra.s32 s25, $0x2;
	s25 =	sadd.s32 $0x200, s25  }
0x1e: {  	[tilespmem:s24+$0x270] =	vst v0  }
0x1f: {  	[tilespmem:s24+$0x200] =	vst v0  }
0x20: {  	[tilespmem:s24+$0x210] =	vst v0  }
0x21: {  	[tilespmem:s24+$0x220] =	vst v0  }
0x22: {  	[tilespmem:s24+$0x230] =	vst v0  }
0x23: {  	[tilespmem:s24+$0x240] =	vst v0  }
0x24: {  	[tilespmem:s24+$0x250] =	vst v0  }
0x25: {  	[tilespmem:s24+$0x260] =	vst v0  }
0x26: {  	[spmem:s8] =	stream.linear.scatter [tilespmem:s20], [sflag:$0x5], $0x4000, $0x38;
	[tilespmem:$0x1C200] =	vst v63  }
0x27: {  	_ =	swait.ge [sflag:s21], $0x4000  }
0x28: {  	[sflag:s21] =	ssyncset.done $0x0  }
0x29: {  	s0 =	rddreg [dreg:$0x5];
	[sflag:s21] =	ssyncadd.s32 $0xFFFFC000  }
0x2a: {  	[spmem:s0] =	stream.linear.scatter [tilespmem:s20], [sflag:$0x5], $0x4000, $0x38;
	[tilespmem:$0x1C200] =	vst v63  }
0x2b: {  	_ =	swait.ge [sflag:s21], $0x4000  }
0x2c: {  	[sflag:s21] =	ssyncset.done $0x0  }
0x2d: {  	s25 =	rddreg [dreg:$0x6];
	[sflag:s21] =	ssyncadd.s32 $0xFFFFC000  }
0x2e: {  	[spmem:s25] =	stream.linear.scatter [tilespmem:s20], [sflag:$0x5], $0x4000, $0x38;
	[tilespmem:$0x1C200] =	vst v63  }
0x2f: {  	_ =	swait.ge [sflag:s21], $0x4000  }
0x30: {  	[sflag:s21] =	ssyncset.done $0x0  }
0x31: {  	[sflag:s21] =	ssyncadd.s32 $0xFFFFC000  }
0x32: {  	[spmem:s11] =	stream.linear.scatter [tilespmem:s20], [sflag:$0x5], $0x4000, $0x38;
	[tilespmem:$0x1C200] =	vst v63  }
0x33: {  	_ =	swait.ge [sflag:s21], $0x4000  }
0x34: {  	[sflag:s21] =	ssyncset.done $0x0  }
0x35: {  	[sflag:s21] =	ssyncadd.s32 $0xFFFFC000  }
0x36: {  	[spmem:s12] =	stream.linear.scatter [tilespmem:s20], [sflag:$0x5], $0x4000, $0x38;
	[tilespmem:$0x1C200] =	vst v63  }
0x37: {  	_ =	swait.ge [sflag:s21], $0x4000  }
0x38: {  	[sflag:s21] =	ssyncset.done $0x0  }
0x39: {  	s26 =	simm.s32 $0x1;
	[sflag:s21] =	ssyncadd.s32 $0xFFFFC000  }
0x3a: {  	p1 =	sle.u32 s5, $0x0;
	_ =	swait.ge [sflag:s26], $0x100  }
0x3b: {  	p0 =	sle.u32 @!p1 s13, $0x0;
	[sflag:s26] =	ssyncset.done $0x0  }
0x3c: {  	s28 =	simm.s32 $0x80;
	p0 =	por p0, p1;
	[sflag:s26] =	ssyncadd.s32 $0xFFFFFF00  }
0x3d: {  	[tilespmem:s20], [sflag:$0x3] =	stream.indirect.gather [hbm4b:s4+s28], $0x80, s3, s28, $0xb8;
	[tilespmem:$0x1C200] =	vst v63  }
0x3e: {  	s24 =	simm.s32 @!p0 $0x2;
	[bflag:$0x0] =	sbarrier.arrive $0xFFFF  }
0x3f: {  	p2 =	sle.u32 s5, $0x1;
	p4 =	sle.u32 @!p1 s14, $0x0;
	_ =	swait.ge @!p0 [sflag:s24], $0x100  }
0x40: {  	s29 =	simm.s32 @!p0 $0x100;
	s25 =	simm.s32 @!p0 $0x4200;
	[sflag:s24] =	ssyncset.done @!p0 $0x0  }
0x41: {  	s26 =	simm.s32 @!p1 $0x3;
	s28 =	simm.s32 @!p0 $0x80;
	[sflag:s24] =	ssyncadd.s32 @!p0 $0xFFFFFF00  }
0x42: {  	[tilespmem:s25], [sflag:$0x4] =	stream.indirect.gather @!p0 [hbm4b:s4+s28], $0x80, s29, s28, $0xb8;
	[tilespmem:$0x1C200] =	vst v63  }
0x43: {  	p3 =	sle.u32 @!p2 s14, $0x0;
	p4 =	por p4, p1;
	_ =	swait.ge @!p1 [sflag:s26], $0x4000  }
0x44: {  	s24 =	simm.s32 @!p1 $0x5;
	s25 =	simm.s32 @!p1 $0x80;
	[sflag:s26] =	ssyncset.done @!p1 $0x0  }
0x45: {  	s28 =	simm.s32 @!p1 $0x200;
	p0 =	por p2, p2;
	[sflag:s26] =	ssyncadd.s32 @!p1 $0xFFFFC000  }
0x46: {  	[spmem:s2] =	stream.indirect.scatter.add.f32 @!p1 [tilespmem:s28], [sflag:$0x5], $0x80, s25, s25, $0xb8;
	[tilespmem:$0x1C200] =	vst v63  }
0x47: {  	s29 =	simm.s32 @!p0 $0x4200;
	s30 =	simm.s32 @!p0 $0x80;
	_ =	swait.ge @!p1 [sflag:s24], $0x4000  }
0x48: {  	s31 =	simm.s32 @!p0 $0x5;
	s25 =	simm.s32 @!p4 $0x0;
	[sflag:s24] =	ssyncset.done @!p1 $0x0  }
0x49: {  	[sflag:s24] =	ssyncadd.s32 @!p1 $0xFFFFC000;
	p1 =	por p3, p0;
	p3 =	sle.u32 @!p2 s15, $0x0  }
0x4a: {  	[tilespmem:s25], [sflag:$0x1] =	stream.linear.gather @!p4 [hbm4b:s18+s25], $0x100, $0x38;
	[tilespmem:$0x1C200] =	vst v63  }
0x4b: {  	s24 =	simm.s32 @!p1 $0x1;
	p2 =	por p3, p2;
	s25 =	simm.s32 @!p1 $0x200  }
0x4c: {  	s26 =	simm.s32 @!p1 $0x80;
	s28 =	simm.s32 @!p1 $0x0;
	_ =	swait.ge @!p1 [sflag:s24], $0x100  }
0x4d: {  	p3 =	sle.u32 s5, $0x3;
	p4 =	por p2, p2;
	[sflag:s24] =	ssyncset.done @!p1 $0x0  }
0x4e: {  	p5 =	sle.u32 @!p3 s15, $0x2;
	[sflag:s24] =	ssyncadd.s32 @!p1 $0xFFFFFF00;
	s24 =	simm.s32 @!p0 $0x4  }
0x4f: {  	[tilespmem:s25], [sflag:$0x3] =	stream.indirect.gather @!p1 [hbm4b:s4+s26], $0x80, s28, s26, $0xb8;
	[tilespmem:$0x1C200] =	vst v63  }
0x50: {  	p6 =	por p5, p3;
	s26 =	sadd.s32 @!p2 $0x20, s18;
	_ =	swait.ge @!p0 [sflag:s24], $0x4000  }
0x51: {  	s25 =	simm.s32 $0x5;
	p2 =	sle.u32 s5, $0x2;
	[sflag:s24] =	ssyncset.done @!p0 $0x0  }
0x52: {  	s28 =	simm.s32 @!p0 $0x180;
	p1 =	sle.u32 @!p2 s13, $0x2;
	[sflag:s24] =	ssyncadd.s32 @!p0 $0xFFFFC000  }
0x53: {  	[spmem:s2] =	stream.indirect.scatter.add.f32 @!p0 [tilespmem:s29], [sflag:$0x5], $0x80, s28, s30, $0xb8;
	[tilespmem:$0x1C200] =	vst v63  }
0x54: {  	s24 =	sadd.s32 $0x40, s18;
	s29 =	simm.s32 @!p4 $0x100;
	s30 =	simm.s32 $0x2  }
.LBB2_4:
0x55: {  	p1 =	por p1, p2;
	s0 =	sadd.s32 @!p6 $0x20, s24  }
0x56: {  	_ =	swait.ge @!p0 [sflag:s31], $0x4000;
	s28 =	smov.u32 s25;
	p5 =	sge.u32 @!p3 s30, s14  }
0x57: {  	s25 =	sadd.s32 $0x2, s25;
	s22 =	simm.s32 @!p1 $0x2;
	s1 =	simm.s32 @!p5 $0x0  }
0x58: {  	[sflag:s31] =	ssyncset.done @!p0 $0x0;
	s1 =	simm.s32 @p5 $0x1;
	p5 =	sge.u32 @!p2 s30, s14  }
0x59: {  	[sflag:s31] =	ssyncadd.s32 @!p0 $0xFFFFC000;
	s30 =	simm.s32 @!p4 $0x0;
	s31 =	simm.s32 @!p1 $0x80  }
0x5a: {  	[tilespmem:s29], [sflag:$0x2] =	stream.linear.gather @!p4 [hbm4b:s26+s30], $0x100, $0x38;
	[tilespmem:$0x1C200] =	vst v63  }
0x5b: {  	p0 =	sne.s32 s25, $0x9F;
	[smem:$0x7FC] =	sst s1;
	s29 =	simm.s32 @!p1 $0x4200  }
0x5c: {  	s26 =	smov.u32 s0;
	s0 =	simm.s32 @!p0 $0x0;
	_ =	swait.ge @!p1 [sflag:s22], $0x100  }
0x5d: {  	s30 =	simm.s32 @!p2 $0x3;
	s0 =	simm.s32 @p0 $0x1;
	[sflag:s22] =	ssyncset.done @!p1 $0x0  }
0x5e: {  	s1 =	simm.s32 @!p1 $0x100;
	[smem:$0x7FD] =	sst s0;
	[sflag:s22] =	ssyncadd.s32 @!p1 $0xFFFFFF00  }
0x5f: {  	[tilespmem:s29], [sflag:$0x4] =	stream.indirect.gather @!p1 [hbm4b:s4+s31], $0x80, s1, s31, $0xb8;
	[tilespmem:$0x1C200] =	vst v63  }
0x60: {  	_ =	swait.ge @!p2 [sflag:s30], $0x4000  }
0x61: {  	s0 =	simm.s32 @!p2 $0x5;
	[sflag:s30] =	ssyncset.done @!p2 $0x0  }
0x62: {  	s22 =	simm.s32 @!p2 $0x200;
	s1 =	simm.s32 @!p2 $0x80;
	[sflag:s30] =	ssyncadd.s32 @!p2 $0xFFFFC000  }
0x63: {  	[spmem:s2] =	stream.indirect.scatter.add.f32 @!p2 [tilespmem:s22], [sflag:$0x5], $0x80, s1, s1, $0xb8;
	[tilespmem:$0x1C200] =	vst v63  }
0x64: {  	p0 =	por p3, p3;
	_ =	swait.ge @!p2 [sflag:s0], $0x4000  }
0x65: {  	p3 =	por p5, p2;
	[sflag:s0] =	ssyncset.done @!p2 $0x0;
	s22 =	sld [smem:$0x7FC]  }
0x66: {  	s19 =	smov.u32 s24;
	s1 =	simm.s32 @!p3 $0x0;
	[sflag:s0] =	ssyncadd.s32 @!p2 $0xFFFFC000  }
0x67: {  	[tilespmem:s1], [sflag:$0x1] =	stream.linear.gather @!p3 [hbm4b:s19+s1], $0x100, $0x38;
	[tilespmem:$0x1C200] =	vst v63  }
0x68: {  	p4 =	por p6, p6;
	p6 =	seq.s32 s22, $0x1  }
0x69: {  	p1 =	por p6, p0  }
0x6a: {  	s0 =	simm.s32 @!p1 $0x1  }
0x6b: {  	_ =	swait.ge @!p1 [sflag:s0], $0x100  }
0x6c: {  	s1 =	simm.s32 @!p1 $0x200;
	s19 =	simm.s32 @!p1 $0x80;
	[sflag:s0] =	ssyncset.done @!p1 $0x0  }
0x6d: {  	s22 =	simm.s32 @!p1 $0x0;
	[sflag:s0] =	ssyncadd.s32 @!p1 $0xFFFFFF00;
	s0 =	simm.s32 @!p0 $0x4  }
0x6e: {  	[tilespmem:s1], [sflag:$0x3] =	stream.indirect.gather @!p1 [hbm4b:s4+s19], $0x80, s22, s19, $0xb8;
	[tilespmem:$0x1C200] =	vst v63  }
0x6f: {  	_ =	swait.ge @!p0 [sflag:s0], $0x4000  }
0x70: {  	s30 =	sadd.s32 $0xFFFFFFFF, s28;
	p3 =	sge.u32 s28, s5;
	s28 =	sld [smem:$0x7FD]  }
0x71: {  	_ = 	snop  }
0x72: {  	p5 =	sge.u32 @!p3 s30, s15  }
0x73: {  	p6 =	por p5, p3;
	p5 =	seq.s32 s28, $0x1  }
.Ltmp1:
0x74: {  	s24 =	sadd.s32 $0x40, s24;
	(pc) =	sbr.rel @p5 .LBB2_4-.Ltmp1, $4  }
0x75: {  	s7 =	simm.s32 @!p0 $0x180;
	s9 =	simm.s32 @!p0 $0x4200;
	s10 =	simm.s32 @!p0 $0x80  }
0x76: {  	s29 =	simm.s32 @!p4 $0x100;
	p2 =	sge.u32 s30, s5;
	[sflag:s0] =	ssyncset.done @!p0 $0x0  }
0x77: {  	s31 =	simm.s32 @!p0 $0x5;
	p1 =	sge.u32 @!p2 s30, s13;
	[sflag:s0] =	ssyncadd.s32 @!p0 $0xFFFFC000  }
0x78: {  	[spmem:s2] =	stream.indirect.scatter.add.f32 @!p0 [tilespmem:s9], [sflag:$0x5], $0x80, s7, s10, $0xb8;
	[tilespmem:$0x1C200] =	vst v63  }
0x79: {  	_ =	swait.ge @!p0 [sflag:s31], $0x4000  }
0x7a: {  	[sflag:s31] =	ssyncset.done @!p0 $0x0  }
0x7b: {  	s0 =	simm.s32 @!p4 $0x0;
	[sflag:s31] =	ssyncadd.s32 @!p0 $0xFFFFC000;
	p0 =	por p1, p2  }
0x7c: {  	[tilespmem:s29], [sflag:$0x2] =	stream.linear.gather @!p4 [hbm4b:s26+s0], $0x100, $0x38;
	[tilespmem:$0x1C200] =	vst v63  }
0x7d: {  	s0 =	simm.s32 @!p0 $0x2  }
0x7e: {  	_ =	swait.ge @!p0 [sflag:s0], $0x100  }
0x7f: {  	s7 =	simm.s32 @!p2 $0x3;
	s1 =	simm.s32 @!p0 $0x4200;
	[sflag:s0] =	ssyncset.done @!p0 $0x0  }
0x80: {  	s9 =	simm.s32 @!p0 $0x80;
	s10 =	simm.s32 @!p0 $0x100;
	[sflag:s0] =	ssyncadd.s32 @!p0 $0xFFFFFF00  }
0x81: {  	[tilespmem:s1], [sflag:$0x4] =	stream.indirect.gather @!p0 [hbm4b:s4+s9], $0x80, s10, s9, $0xb8;
	[tilespmem:$0x1C200] =	vst v63  }
0x82: {  	_ =	swait.ge @!p2 [sflag:s7], $0x4000  }
0x83: {  	s0 =	simm.s32 @!p2 $0x5;
	[sflag:s7] =	ssyncset.done @!p2 $0x0  }
0x84: {  	s1 =	simm.s32 @!p2 $0x80;
	s9 =	simm.s32 @!p2 $0x200;
	[sflag:s7] =	ssyncadd.s32 @!p2 $0xFFFFC000  }
0x85: {  	[spmem:s2] =	stream.indirect.scatter.add.f32 @!p2 [tilespmem:s9], [sflag:$0x5], $0x80, s1, s1, $0xb8;
	[tilespmem:$0x1C200] =	vst v63  }
0x86: {  	p0 =	sge.u32 @!p2 s30, s14;
	_ =	swait.ge @!p2 [sflag:s0], $0x4000  }
0x87: {  	p0 =	por p0, p2;
	[sflag:s0] =	ssyncset.done @!p2 $0x0  }
0x88: {  	[sflag:s0] =	ssyncadd.s32 @!p2 $0xFFFFC000;
	s0 =	simm.s32 @!p0 $0x0  }
0x89: {  	[tilespmem:s0], [sflag:$0x1] =	stream.linear.gather @!p0 [hbm4b:s24+s0], $0x100, $0x38;
	[tilespmem:$0x1C200] =	vst v63  }
0x8a: {  	p1 =	sge.u32 @!p3 s30, s14;
	p0 =	por p3, p3  }
0x8b: {  	p1 =	por p1, p0  }
0x8c: {  	s0 =	simm.s32 @!p1 $0x1  }
0x8d: {  	_ =	swait.ge @!p1 [sflag:s0], $0x100  }
0x8e: {  	s1 =	simm.s32 @!p1 $0x200;
	s7 =	simm.s32 @!p1 $0x80;
	[sflag:s0] =	ssyncset.done @!p1 $0x0  }
0x8f: {  	s9 =	simm.s32 @!p1 $0x0;
	[sflag:s0] =	ssyncadd.s32 @!p1 $0xFFFFFF00;
	s0 =	simm.s32 @!p0 $0x4  }
0x90: {  	[tilespmem:s1], [sflag:$0x3] =	stream.indirect.gather @!p1 [hbm4b:s4+s7], $0x80, s9, s7, $0xb8;
	[tilespmem:$0x1C200] =	vst v63  }
0x91: {  	_ =	swait.ge @!p0 [sflag:s0], $0x4000  }
0x92: {  	s10 =	simm.s32 @!p0 $0x80;
	s1 =	simm.s32 @!p0 $0x5;
	[sflag:s0] =	ssyncset.done @!p0 $0x0  }
0x93: {  	s7 =	simm.s32 @!p0 $0x180;
	s9 =	simm.s32 @!p0 $0x4200;
	[sflag:s0] =	ssyncadd.s32 @!p0 $0xFFFFC000  }
0x94: {  	[spmem:s2] =	stream.indirect.scatter.add.f32 @!p0 [tilespmem:s9], [sflag:$0x5], $0x80, s7, s10, $0xb8;
	[tilespmem:$0x1C200] =	vst v63  }
0x95: {  	s23 =	sadd.s32 $0x1, s23;
	s30 =	stileid.u32;
	_ =	swait.ge @!p0 [sflag:s1], $0x4000  }
0x96: {  	p1 =	por p6, p6;
	s0 =	sadd.s32 @!p6 $0x20, s24;
	[sflag:s1] =	ssyncset.done @!p0 $0x0  }
0x97: {  	s7 =	simm.s32 @!p1 $0x0;
	[sflag:s1] =	ssyncadd.s32 @!p0 $0xFFFFC000;
	s1 =	simm.s32 @!p1 $0x100  }
0x98: {  	[tilespmem:s1], [sflag:$0x2] =	stream.linear.gather @!p1 [hbm4b:s0+s7], $0x100, $0x38;
	[tilespmem:$0x1C200] =	vst v63  }
0x99: {  	s31 =	sshrl.u32 s8, $0x3;
	p0 =	sne.s32 s23, s17;
	s0 =	sshll.u32 s30, $0x6  }
.Ltmp2:
0x9a: {  	[bflag:$0x0] =	sbarrier.arrive $0xFFFF;
	s0 =	sor.u32 $0x1C05, s0;
	(pc) =	sbr.rel @p0 .LBB2_1-.Ltmp2, $4  }
0x9b: {  	[hbm:s16], [sflag:s0] =	dma.local [spmem:s31], $0x2800  }
0x9c: {  	_ =	swait.ge [sflag:s21], $0x2800  }
0x9d: {  	[sflag:s21] =	ssyncset.done $0x0  }
0x9e: {  	[sflag:s21] =	ssyncadd.s32 $0xFFFFD800  }
0x9f: {  	_ =	sfence.sel $0x180000  }
0xa0: {  	[bflag:$0x0] =	sbarrier.arrive $0xFFFF  }
0xa1: {  	_ =	strace $0x9000004D  }
0xa2: {  	s0 =	stileid.u32;
	[bflag:$0x2] =	sbarrier.arrive $0xFFFF  }
0xa3: {  	p0 =	sne.s32 s0, $0x0;
	s0 =	rddreg [dreg:$0x3]  }
0xa4: {  	s0 =	sadd.s32 @!p0 $0x100000, s0  }
0xa5: {  	[sflag:s0] =	ssyncadd.tile.s32 @!p0 $0x1;
	_ =	shalt  }
.Lfunc_end2:
_tile_overlayer_lowered:
.L_overlay_start_2:
0xa6: {  	(tag) =	ssettag $0x2  }
0xa7: {  	s0 =	rddreg [dreg:$0x0];
	s2 =	stileid.u32  }
0xa8: {  	s1 =	rddreg [dreg:$0x1];
	p0 =	sne.s32 s2, $0x0  }
0xa9: {  	s3 =	rddreg [dreg:$0x2];
	[bflag:$0x3] =	sbarrier.arrive $0xFFFF;
	s2 =	simm.s32 @!p0 $0x1C05  }
0xaa: {  	[timem:s3], [sflag:s2] =	dma.local @!p0 [hbm:s0], s1  }
0xab: {  	s0 =	simm.s32 @!p0 $0x5  }
0xac: {  	_ =	swait.ge @!p0 [sflag:s0], s1  }
0xad: {  	s1 =	ssub.s32 @!p0 $0x0, s1;
	[sflag:s0] =	ssyncset.done @!p0 $0x0  }
0xae: {  	[sflag:s0] =	ssyncadd.s32 @!p0 s1  }
0xaf: {  	[bflag:$0x3] =	sbarrier.arrive $0xFFFF  }
0xb0: {  	_ =	shalt  }

// kernel: kernel.9.cloned.1.call-start
scs
__scs_entry_jumppad:
0x0: {  	(pc) =	sbr.rel $0x88, $3  }
0x1: {  	(tag) =	ssettag $0x0;
	lr =	simm.s32 $0x1  }
0x2: {  	[smem:$0x3F96] =	sst lr;
	_ =	strace $0xD0000000  }
0x3: {  	_ = 	snop  }
0x4: {  	_ = 	snop  }
0x5: {  	_ = 	snop  }
0x6: {  	_ = 	snop  }
0x7: {  	_ = 	snop  }
__scs_overlays_trampoline_lowered:
0x8: {  	[smem:$0x3FA5] =	sst s0  }
0x9: {  	[smem:$0x3FA6] =	sst s1  }
0xa: {  	[smem:$0x3FA7] =	sst s2  }
0xb: {  	[smem:$0x3FA8] =	sst s3  }
0xc: {  	[smem:$0x3FA9] =	sst s4  }
0xd: {  	[smem:$0x3FAA] =	sst s5  }
0xe: {  	[smem:$0x3FAB] =	sst s6  }
0xf: {  	[smem:$0x3FAC] =	sst s7  }
0x10: {  	[smem:$0x3FAD] =	sst s8  }
0x11: {  	[smem:$0x3FAE] =	sst s9;
	s0 =	simm.s32 @!p0 $0x0  }
0x12: {  	s1 =	sld [smem:$0x3F94];
	s0 =	simm.s32 @p0 $0x1  }
0x13: {  	[smem:$0x3FAF] =	sst s0;
	s0 =	simm.s32 @!p1 $0x0  }
0x14: {  	s2 =	sld [smem:$0x3F93];
	s0 =	simm.s32 @p1 $0x1  }
0x15: {  	[smem:$0x3FB0] =	sst s0;
	s0 =	simm.s32 @!p2 $0x0  }
0x16: {  	s3 =	sld [smem:$0x3FDB];
	s0 =	simm.s32 @p2 $0x1  }
0x17: {  	s4 =	simm.s32 $0x1BF5;
	[smem:$0x3FB2] =	sst s0  }
0x18: {  	s0 =	sld [smem:$0x3F95];
	_ =	swait.ge [sflag:s4], $0x0  }
0x19: {  	s7 =	sld [smem:$0x3F96]  }
0x1a: {  	s8 =	sadd.s32 $0xFFFFE003, lr  }
0x1b: {  	s9 =	sadd.s32 $0xFFFFFEF7, lr;
	s5 =	simm.s32 $0xFFFFFFFF;
	p2 =	slt.u32 s8, $0xFFFFF086  }
0x1c: {  	p1 =	slt.u32 s9, $0xF7A;
	s5 =	simm.s32 @!p2 $0x0  }
0x1d: {  	s5 =	simm.s32 @p1 $0x1;
	p0 =	seq.s32 s7, s2  }
0x1e: {  	s7 =	smul.u32 @!p0 $0xF7A, s2;
	p2 =	seq.s32 @!p0 s5, $0x0  }
0x1f: {  	s9 =	smul.u32 $0xF7A, s1;
	s8 =	simm.s32 @!p0 $0x1BF5;
	p2 =	por !p2, p0  }
0x20: {  	[sflag:s8] =	ssyncset.s32 @!p0 $0xFFFFF086;
	s6 =	sadd.s32 @!p0 s3, s7;
	s7 =	simm.s32 @!p0 $0x108  }
0x21: {  	s3 =	sadd.s32 s3, s9;
	s6 =	sadd.s32 @!p0 $0x88, s6;
	s7 =	simm.s32 @p2 $0x1082  }
0x22: {  	[simem:s7], [sflag:s8] =	dma.local @!p0 [hbm:s6], $0xF7A  }
0x23: {  	s9 =	sor.u32 $0xD0000000, s2;
	s6 =	simm.s32 $0x108;
	_ =	swait.ge @!p0 [sflag:s8], $0x0  }
0x24: {  	s3 =	sadd.s32 $0x88, s3;
	s6 =	simm.s32 @!p1 $0x1082;
	[sflag:s4] =	ssyncset.s32 $0xFFFFF086  }
0x25: {  	[simem:s6], [sflag:s4] =	dma.local [hbm:s3], $0xF7A  }
0x26: {  	[smem:$0x3F96] =	sst s1;
	(tag) =	ssettag s2;
	_ =	strace s9  }
0x27: {  	s1 =	sld [smem:$0x3FA6]  }
0x28: {  	s2 =	sld [smem:$0x3FA7]  }
0x29: {  	s4 =	sld [smem:$0x3FA9]  }
0x2a: {  	p0 =	seq.s32 s5, $0x0;
	s5 =	sld [smem:$0x3FAA]  }
0x2b: {  	s6 =	sld [smem:$0x3FAB]  }
0x2c: {  	s7 =	sld [smem:$0x3FAC]  }
0x2d: {  	s3 =	simm.s32 $0x108;
	s8 =	sld [smem:$0x3FAD]  }
0x2e: {  	s3 =	simm.s32 @!p0 $0x1082;
	s9 =	sld [smem:$0x3FAE]  }
0x2f: {  	lr =	sadd.s32 s0, s3;
	s0 =	sld [smem:$0x3FA5]  }
0x30: {  	s3 =	sld [smem:$0x3FA8]  }
0x31: {  	[smem:$0x3FB1] =	sst s10  }
0x32: {  	s10 =	sld [smem:$0x3FAF];
	_ =	sdelay $0x3  }
0x33: {  	p0 =	seq.s32 s10, $0x1;
	s10 =	sld [smem:$0x3FB1];
	_ =	sdelay $0x3  }
0x34: {  	[smem:$0x3FB1] =	sst s10  }
0x35: {  	s10 =	sld [smem:$0x3FB0];
	_ =	sdelay $0x3  }
0x36: {  	p1 =	seq.s32 s10, $0x1;
	s10 =	sld [smem:$0x3FB1];
	_ =	sdelay $0x3  }
0x37: {  	[smem:$0x3FB1] =	sst s10  }
0x38: {  	s10 =	sld [smem:$0x3FB2]  }
0x39: {  	_ = 	snop;
	(pc) =	sbr.ind lr, $3  }
0x3a: {  	_ = 	snop  }
0x3b: {  	_ = 	snop  }
0x3c: {  	p2 =	seq.s32 s10, $0x1;
	s10 =	sld [smem:$0x3FB1]  }
0x3d: {  	_ =	shalt  }
0x3e: {  	_ =	shalt  }
0x3f: {  	_ =	shalt  }
0x40: {  	_ =	shalt  }
0x41: {  	_ =	shalt  }
0x42: {  	_ =	shalt  }
0x43: {  	_ =	shalt  }
0x44: {  	_ =	shalt  }
0x45: {  	_ =	shalt  }
0x46: {  	_ =	shalt  }
0x47: {  	_ =	shalt  }
0x48: {  	_ =	shalt  }
0x49: {  	_ =	shalt  }
0x4a: {  	_ =	shalt  }
0x4b: {  	_ =	shalt  }
0x4c: {  	_ =	shalt  }
0x4d: {  	_ =	shalt  }
0x4e: {  	_ =	shalt  }
0x4f: {  	_ =	shalt  }
0x50: {  	_ =	shalt  }
0x51: {  	_ =	shalt  }
0x52: {  	_ =	shalt  }
0x53: {  	_ =	shalt  }
0x54: {  	_ =	shalt  }
0x55: {  	_ =	shalt  }
0x56: {  	_ =	shalt  }
0x57: {  	_ =	shalt  }
0x58: {  	_ =	shalt  }
0x59: {  	_ =	shalt  }
0x5a: {  	_ =	shalt  }
0x5b: {  	_ =	shalt  }
0x5c: {  	_ =	shalt  }
0x5d: {  	_ =	shalt  }
0x5e: {  	_ =	shalt  }
0x5f: {  	_ =	shalt  }
0x60: {  	_ =	shalt  }
0x61: {  	_ =	shalt  }
0x62: {  	_ =	shalt  }
0x63: {  	_ =	shalt  }
0x64: {  	_ =	shalt  }
0x65: {  	_ =	shalt  }
0x66: {  	_ =	shalt  }
0x67: {  	_ =	shalt  }
0x68: {  	_ =	shalt  }
0x69: {  	_ =	shalt  }
0x6a: {  	_ =	shalt  }
0x6b: {  	_ =	shalt  }
0x6c: {  	_ =	shalt  }
0x6d: {  	_ =	shalt  }
0x6e: {  	_ =	shalt  }
0x6f: {  	_ =	shalt  }
0x70: {  	_ =	shalt  }
0x71: {  	_ =	shalt  }
0x72: {  	_ =	shalt  }
0x73: {  	_ =	shalt  }
0x74: {  	_ =	shalt  }
0x75: {  	_ =	shalt  }
0x76: {  	_ =	shalt  }
0x77: {  	_ =	shalt  }
0x78: {  	_ =	shalt  }
0x79: {  	_ =	shalt  }
0x7a: {  	_ =	shalt  }
0x7b: {  	_ =	shalt  }
0x7c: {  	_ =	shalt  }
0x7d: {  	_ =	shalt  }
0x7e: {  	_ =	shalt  }
0x7f: {  	_ =	shalt  }
0x80: {  	_ =	shalt  }
0x81: {  	_ =	shalt  }
0x82: {  	_ =	shalt  }
0x83: {  	_ =	shalt  }
0x84: {  	_ =	shalt  }
0x85: {  	_ =	shalt  }
0x86: {  	_ =	shalt  }
0x87: {  	_ =	shalt  }
.Lfunc_end0:
.L_simem_size_0:
called_computation_lowered:
.L_overlay_start_0:
0x88: {  	s2 =	sld [smem:$0x3FD9]  }
0x89: {  	s3 =	sld [smem:$0x3FFE];
	_ =	sdelay $0x1  }
0x8a: {  	s1 =	srdreg.scid  }
0x8b: {  	s0 =	sand.u32 $0x1, s1  }
0x8c: {  	s17 =	sshll.u32 s0, $0xA;
	s2 =	sadd.s32 s3, s2  }
0x8d: {  	s2 =	sadd.s32 s2, s17  }
0x8e: {  	[smem:$0x3FBD] =	sst s2  }
0x8f: {  	_ = 	snop  }
0x90: {  	s2 =	sld [smem:$0x3FD0];
	(tm) =	ssettm $0x1  }
0x91: {  	s18 =	sld [smem:$0x3FFB];
	_ =	sdelay $0x3  }
0x92: {  	_ =	strace s18  }
0x93: {  	s3 =	sld [smem:$0x3FFC];
	_ =	sdelay $0x3  }
0x94: {  	_ =	strace s3  }
0x95: {  	s3 =	sld [smem:$0x3FFD];
	_ =	sdelay $0x3  }
0x96: {  	_ =	strace s3  }
0x97: {  	_ =	strace $0x8FFFFFFF  }
0x98: {  	s19 =	sld [smem:$0x3FDB];
	_ =	sdelay $0x1  }
0x99: {  	s4 =	simm.s32 $_scs_section_size  }
0x9a: {  	s5 =	simm.s32 $_size__tile_overlayer_lowered;
	s6 =	simm.s32 $_tile_overlayer_lowered  }
0x9b: {  	s22 =	simm.s32 $0x1BFF;
	s21 =	sshll.u32 s6, $0x1;
	s3 =	sadd.s32 s4, s19  }
0x9c: {  	s7 =	simm.s32 $0x0;
	s20 =	sshll.u32 s5, $0x1;
	s5 =	sadd.s32 s21, s3  }
0x9d: {  	[timem:s7], [sflag:s22] =	dma.local [hbm:s5], s20  }
0x9e: {  	_ =	swait.ge [sflag:s22], s20  }
0x9f: {  	s4 =	ssub.s32 $0x0, s20;
	[sflag:s22] =	ssyncset.done $0x0  }
0xa0: {  	[sflag:s22] =	ssyncadd.s32 s4;
	_ =	sdelay $0x1  }
0xa1: {  	s23 =	simm.s32 $0x1B8B  }
0xa2: {  	_ =	swait.ge [sflag:s23], $0x1  }
0xa3: {  	[sflag:s23] =	ssyncset.done $0x0  }
0xa4: {  	s25 =	simm.s32 $0x1B8E;
	s24 =	sld [smem:$0x3FFE];
	[sflag:s23] =	ssyncadd.s32 $0xFFFFFFFF  }
0xa5: {  	s26 =	simm.s32 $execute0_lowered;
	[smem:$0x3FD2] =	sst s25  }
0xa6: {  	s5 =	sshll.u32 s26, $0x1;
	_ =	strace $0x80000046;
	[dreg:$0x1] =	wrdreg $0xFFFFFFFF  }
0xa7: {  	s28 =	simm.s32 $_size_execute0_lowered;
	s3 =	sadd.s32 s3, s5;
	[dreg:$0x0] =	wrdreg $0x0  }
0xa8: {  	s5 =	sshll.u32 s28, $0x1;
	[dreg:$0x2] =	wrdreg s3  }
0xa9: {  	[dreg:$0x3] =	wrdreg s5  }
0xaa: {  	[dreg:$0x4] =	wrdreg $0xC0  }
0xab: {  	_ =	task [dreg:s7], $0x5FFFF  }
0xac: {  	[dreg:$0x1] =	wrdreg $0xFFFFFFFF  }
0xad: {  	[dreg:$0x0] =	wrdreg $0x60  }
0xae: {  	[dreg:$0x2] =	wrdreg s24  }
0xaf: {  	[dreg:$0x3] =	wrdreg s2  }
0xb0: {  	[dreg:$0x4] =	wrdreg $0x82000  }
0xb1: {  	[dreg:$0x5] =	wrdreg $0x9  }
0xb2: {  	_ =	task.clear_ibuf [dreg:s7], $0x6FFFF;
	_ =	strace $0x90000046  }
0xb3: {  	s29 =	simm.s32 $0x9;
	_ =	strace $0x80000048  }
0xb4: {  	_ =	swait.ge [sflag:s29], $0x1  }
0xb5: {  	[sflag:s29] =	ssyncadd.s32 $0xFFFFFFFF  }
0xb6: {  	_ =	strace $0x90000048  }
0xb7: {  	_ =	sfence  }
0xb8: {  	s30 =	sld [smem:$0x0];
	_ =	sdelay $0x2  }
0xb9: {  	s31 =	sshll.u32 s1, $0xD;
	s1 =	sshrl.u32 s1, $0x2  }
0xba: {  	s3 =	sand.u32 $0x4000, s31;
	s1 =	sadd.s32 s1, s30  }
0xbb: {  	s0 =	sor.u32 s3, s0;
	s1 =	sshll.u32 s1, $0x11  }
0xbc: {  	s0 =	sor.u32 s1, s0  }
0xbd: {  	s0 =	sadd.s32 $0x8F2B, s0  }
0xbe: {  	[sflag:s0] =	ssyncadd.remote.s32 $0x1  }
0xbf: {  	_ =	sfence.sel $0xFFFF  }
0xc0: {  	[dreg:$0x0] =	wrdreg $0xFFFFFFFF;
	(pc) =	sbr.abs _section_cstart, $3  }
0xc1: {  	[dreg:$0x1] =	wrdreg $0xFFFFFFFF  }
0xc2: {  	_ =	task.clear_ibuf [dreg:s7], $0x2FFFF;
	_ =	strace $0x9FFFFFFF  }
0xc3: {  	(tm) =	ssettm $0x7FFFFFFF  }
tec
execute0_lowered:
.L_overlay_start_1:
0x0: {  	(tag) =	ssettag $0x1  }
0x1: {  	s5 =	rddreg [dreg:$0x0]  }
0x2: {  	s6 =	rddreg [dreg:$0x1];
	s24 =	stileid.u32  }
0x3: {  	s0 =	srdreg.scid;
	s8 =	smul.u32 $0x14000, s24  }
0x4: {  	s2 =	rddreg [dreg:$0x2];
	s3 =	simm.s32 $0x0;
	s9 =	smul.u32 $0x2E, s24  }
0x5: {  	s20 =	simm.s32 $0x200;
	s21 =	simm.s32 $0x5;
	s10 =	smul.u32 $0x70, s24  }
0x6: {  	s7 =	sand.u32 $0x1, s0;
	[smem:$0x7FF] =	sst s3;
	s26 =	smul.u32 $0x50000, s24  }
0x7: {  	s23 =	simm.s32 $0x0;
	s4 =	smul.u32 $0x140000, s7;
	_ =	strace $0x80000047  }
0x8: {  	s11 =	ssub.s32 $0x2, s7;
	p0 =	seq.s32 s7, $0x0;
	s7 =	sadd.s32 $0x700, s9  }
0x9: {  	s25 =	sshrl.u32 s11, $0x1;
	s28 =	sshrl.u32 s26, $0x2;
	s8 =	sadd.s32 s8, s4  }
0xa: {  	s4 =	sadd.s32 $0x2A00, s5;
	s7 =	smov.u32 @p0 s10;
	s17 =	ssub.s32 s11, s25  }
0xb: {  	s8 =	sshrl.u32 s8, $0x3;
	s7 =	sshll.u32 s7, $0x5;
	s17 =	smax.u32 s17, $0x1  }
0xc: {  	s16 =	sadd.s32 s8, s5;
	s5 =	simm.s32 $0x70;
	s6 =	sadd.s32 s6, s7  }
0xd: {  	s8 =	sadd.s32 s28, s2;
	s5 =	simm.s32 @!p0 $0x2E;
	s29 =	sadd.s32 $0x20, s6  }
0xe: {  	s30 =	sadd.s32 $0x4000, s8;
	s31 =	sadd.s32 $0x8000, s8;
	[dreg:$0x4] =	wrdreg s29  }
0xf: {  	s11 =	sadd.s32 $0xC000, s8;
	s12 =	sadd.s32 $0x10000, s8;
	[dreg:$0x5] =	wrdreg s30  }
0x10: {  	s16 =	sadd.s32 $0x2AA00, s16;
	s18 =	sadd.s32 $0x40, s6;
	[dreg:$0x6] =	wrdreg s31  }
0x11: {  	v0 =	vimm.f32 $0.0e+00;
	s13 =	sadd.s32 $0xFFFFFFFF, s5;
	s14 =	sadd.s32 $0xFFFFFFFE, s5;
	s15 =	sadd.s32 $0xFFFFFFFD, s5  }
.LBB2_1:
0x12: {  	[tilespmem:s3], [sflag:$0x1] =	stream.linear.gather [hbm4b:s6+s3], $0x100, $0x38;
	[tilespmem:$0x1C200] =	vst v63  }
0x13: {  	s0 =	rddreg [dreg:$0x4]  }
0x14: {  	s1 =	simm.s32 $0x100;
	s24 =	simm.s32 $0x0;
	s25 =	simm.s32 $0x200  }
0x15: {  	[tilespmem:s1], [sflag:$0x2] =	stream.linear.gather [hbm4b:s0+s3], $0x100, $0x38;
	[tilespmem:$0x1C200] =	vst v63  }
.LBB2_2:
0x16: {  	p0 =	sne.s32 s25, $0xFE00;
	[tilespmem:s24+$0x270] =	vst v0  }
0x17: {  	[tilespmem:s24+$0x200] =	vst v0  }
0x18: {  	[tilespmem:s24+$0x210] =	vst v0  }
.Ltmp0:
0x19: {  	[tilespmem:s24+$0x220] =	vst v0;
	(pc) =	sbr.rel @p0 .LBB2_2-.Ltmp0, $4  }
0x1a: {  	[tilespmem:s24+$0x230] =	vst v0  }
0x1b: {  	[tilespmem:s24+$0x240] =	vst v0  }
0x1c: {  	[tilespmem:s24+$0x250] =	vst v0  }
0x1d: {  	[tilespmem:s24+$0x260] =	vst v0;
	s24 =	sshra.s32 s25, $0x2;
	s25 =	sadd.s32 $0x200, s25  }
0x1e: {  	[tilespmem:s24+$0x270] =	vst v0  }
0x1f: {  	[tilespmem:s24+$0x200] =	vst v0  }
0x20: {  	[tilespmem:s24+$0x210] =	vst v0  }
0x21: {  	[tilespmem:s24+$0x220] =	vst v0  }
0x22: {  	[tilespmem:s24+$0x230] =	vst v0  }
0x23: {  	[tilespmem:s24+$0x240] =	vst v0  }
0x24: {  	[tilespmem:s24+$0x250] =	vst v0  }
0x25: {  	[tilespmem:s24+$0x260] =	vst v0  }
0x26: {  	[spmem:s8] =	stream.linear.scatter [tilespmem:s20], [sflag:$0x5], $0x4000, $0x38;
	[tilespmem:$0x1C200] =	vst v63  }
0x27: {  	_ =	swait.ge [sflag:s21], $0x4000  }
0x28: {  	[sflag:s21] =	ssyncset.done $0x0  }
0x29: {  	s0 =	rddreg [dreg:$0x5];
	[sflag:s21] =	ssyncadd.s32 $0xFFFFC000  }
0x2a: {  	[spmem:s0] =	stream.linear.scatter [tilespmem:s20], [sflag:$0x5], $0x4000, $0x38;
	[tilespmem:$0x1C200] =	vst v63  }
0x2b: {  	_ =	swait.ge [sflag:s21], $0x4000  }
0x2c: {  	[sflag:s21] =	ssyncset.done $0x0  }
0x2d: {  	s25 =	rddreg [dreg:$0x6];
	[sflag:s21] =	ssyncadd.s32 $0xFFFFC000  }
0x2e: {  	[spmem:s25] =	stream.linear.scatter [tilespmem:s20], [sflag:$0x5], $0x4000, $0x38;
	[tilespmem:$0x1C200] =	vst v63  }
0x2f: {  	_ =	swait.ge [sflag:s21], $0x4000  }
0x30: {  	[sflag:s21] =	ssyncset.done $0x0  }
0x31: {  	[sflag:s21] =	ssyncadd.s32 $0xFFFFC000  }
0x32: {  	[spmem:s11] =	stream.linear.scatter [tilespmem:s20], [sflag:$0x5], $0x4000, $0x38;
	[tilespmem:$0x1C200] =	vst v63  }
0x33: {  	_ =	swait.ge [sflag:s21], $0x4000  }
0x34: {  	[sflag:s21] =	ssyncset.done $0x0  }
0x35: {  	[sflag:s21] =	ssyncadd.s32 $0xFFFFC000  }
0x36: {  	[spmem:s12] =	stream.linear.scatter [tilespmem:s20], [sflag:$0x5], $0x4000, $0x38;
	[tilespmem:$0x1C200] =	vst v63  }
0x37: {  	_ =	swait.ge [sflag:s21], $0x4000  }
0x38: {  	[sflag:s21] =	ssyncset.done $0x0  }
0x39: {  	s26 =	simm.s32 $0x1;
	[sflag:s21] =	ssyncadd.s32 $0xFFFFC000  }
0x3a: {  	p1 =	sle.u32 s5, $0x0;
	_ =	swait.ge [sflag:s26], $0x100  }
0x3b: {  	p0 =	sle.u32 @!p1 s13, $0x0;
	[sflag:s26] =	ssyncset.done $0x0  }
0x3c: {  	s28 =	simm.s32 $0x80;
	p0 =	por p0, p1;
	[sflag:s26] =	ssyncadd.s32 $0xFFFFFF00  }
0x3d: {  	[tilespmem:s20], [sflag:$0x3] =	stream.indirect.gather [hbm4b:s4+s28], $0x80, s3, s28, $0xb8;
	[tilespmem:$0x1C200] =	vst v63  }
0x3e: {  	s24 =	simm.s32 @!p0 $0x2;
	[bflag:$0x0] =	sbarrier.arrive $0xFFFF  }
0x3f: {  	p2 =	sle.u32 s5, $0x1;
	p4 =	sle.u32 @!p1 s14, $0x0;
	_ =	swait.ge @!p0 [sflag:s24], $0x100  }
0x40: {  	s29 =	simm.s32 @!p0 $0x100;
	s25 =	simm.s32 @!p0 $0x4200;
	[sflag:s24] =	ssyncset.done @!p0 $0x0  }
0x41: {  	s26 =	simm.s32 @!p1 $0x3;
	s28 =	simm.s32 @!p0 $0x80;
	[sflag:s24] =	ssyncadd.s32 @!p0 $0xFFFFFF00  }
0x42: {  	[tilespmem:s25], [sflag:$0x4] =	stream.indirect.gather @!p0 [hbm4b:s4+s28], $0x80, s29, s28, $0xb8;
	[tilespmem:$0x1C200] =	vst v63  }
0x43: {  	p3 =	sle.u32 @!p2 s14, $0x0;
	p4 =	por p4, p1;
	_ =	swait.ge @!p1 [sflag:s26], $0x4000  }
0x44: {  	s24 =	simm.s32 @!p1 $0x5;
	s25 =	simm.s32 @!p1 $0x80;
	[sflag:s26] =	ssyncset.done @!p1 $0x0  }
0x45: {  	s28 =	simm.s32 @!p1 $0x200;
	p0 =	por p2, p2;
	[sflag:s26] =	ssyncadd.s32 @!p1 $0xFFFFC000  }
0x46: {  	[spmem:s2] =	stream.indirect.scatter.add.f32 @!p1 [tilespmem:s28], [sflag:$0x5], $0x80, s25, s25, $0xb8;
	[tilespmem:$0x1C200] =	vst v63  }
0x47: {  	s29 =	simm.s32 @!p0 $0x4200;
	s30 =	simm.s32 @!p0 $0x80;
	_ =	swait.ge @!p1 [sflag:s24], $0x4000  }
0x48: {  	s31 =	simm.s32 @!p0 $0x5;
	s25 =	simm.s32 @!p4 $0x0;
	[sflag:s24] =	ssyncset.done @!p1 $0x0  }
0x49: {  	[sflag:s24] =	ssyncadd.s32 @!p1 $0xFFFFC000;
	p1 =	por p3, p0;
	p3 =	sle.u32 @!p2 s15, $0x0  }
0x4a: {  	[tilespmem:s25], [sflag:$0x1] =	stream.linear.gather @!p4 [hbm4b:s18+s25], $0x100, $0x38;
	[tilespmem:$0x1C200] =	vst v63  }
0x4b: {  	s24 =	simm.s32 @!p1 $0x1;
	p2 =	por p3, p2;
	s25 =	simm.s32 @!p1 $0x200  }
0x4c: {  	s26 =	simm.s32 @!p1 $0x80;
	s28 =	simm.s32 @!p1 $0x0;
	_ =	swait.ge @!p1 [sflag:s24], $0x100  }
0x4d: {  	p3 =	sle.u32 s5, $0x3;
	p4 =	por p2, p2;
	[sflag:s24] =	ssyncset.done @!p1 $0x0  }
0x4e: {  	p5 =	sle.u32 @!p3 s15, $0x2;
	[sflag:s24] =	ssyncadd.s32 @!p1 $0xFFFFFF00;
	s24 =	simm.s32 @!p0 $0x4  }
0x4f: {  	[tilespmem:s25], [sflag:$0x3] =	stream.indirect.gather @!p1 [hbm4b:s4+s26], $0x80, s28, s26, $0xb8;
	[tilespmem:$0x1C200] =	vst v63  }
0x50: {  	p6 =	por p5, p3;
	s26 =	sadd.s32 @!p2 $0x20, s18;
	_ =	swait.ge @!p0 [sflag:s24], $0x4000  }
0x51: {  	s25 =	simm.s32 $0x5;
	p2 =	sle.u32 s5, $0x2;
	[sflag:s24] =	ssyncset.done @!p0 $0x0  }
0x52: {  	s28 =	simm.s32 @!p0 $0x180;
	p1 =	sle.u32 @!p2 s13, $0x2;
	[sflag:s24] =	ssyncadd.s32 @!p0 $0xFFFFC000  }
0x53: {  	[spmem:s2] =	stream.indirect.scatter.add.f32 @!p0 [tilespmem:s29], [sflag:$0x5], $0x80, s28, s30, $0xb8;
	[tilespmem:$0x1C200] =	vst v63  }
0x54: {  	s24 =	sadd.s32 $0x40, s18;
	s29 =	simm.s32 @!p4 $0x100;
	s30 =	simm.s32 $0x2  }
.LBB2_4:
0x55: {  	p1 =	por p1, p2;
	s0 =	sadd.s32 @!p6 $0x20, s24  }
0x56: {  	_ =	swait.ge @!p0 [sflag:s31], $0x4000;
	s28 =	smov.u32 s25;
	p5 =	sge.u32 @!p3 s30, s14  }
0x57: {  	s25 =	sadd.s32 $0x2, s25;
	s22 =	simm.s32 @!p1 $0x2;
	s1 =	simm.s32 @!p5 $0x0  }
0x58: {  	[sflag:s31] =	ssyncset.done @!p0 $0x0;
	s1 =	simm.s32 @p5 $0x1;
	p5 =	sge.u32 @!p2 s30, s14  }
0x59: {  	[sflag:s31] =	ssyncadd.s32 @!p0 $0xFFFFC000;
	s30 =	simm.s32 @!p4 $0x0;
	s31 =	simm.s32 @!p1 $0x80  }
0x5a: {  	[tilespmem:s29], [sflag:$0x2] =	stream.linear.gather @!p4 [hbm4b:s26+s30], $0x100, $0x38;
	[tilespmem:$0x1C200] =	vst v63  }
0x5b: {  	p0 =	sne.s32 s25, $0x9F;
	[smem:$0x7FC] =	sst s1;
	s29 =	simm.s32 @!p1 $0x4200  }
0x5c: {  	s26 =	smov.u32 s0;
	s0 =	simm.s32 @!p0 $0x0;
	_ =	swait.ge @!p1 [sflag:s22], $0x100  }
0x5d: {  	s30 =	simm.s32 @!p2 $0x3;
	s0 =	simm.s32 @p0 $0x1;
	[sflag:s22] =	ssyncset.done @!p1 $0x0  }
0x5e: {  	s1 =	simm.s32 @!p1 $0x100;
	[smem:$0x7FD] =	sst s0;
	[sflag:s22] =	ssyncadd.s32 @!p1 $0xFFFFFF00  }
0x5f: {  	[tilespmem:s29], [sflag:$0x4] =	stream.indirect.gather @!p1 [hbm4b:s4+s31], $0x80, s1, s31, $0xb8;
	[tilespmem:$0x1C200] =	vst v63  }
0x60: {  	_ =	swait.ge @!p2 [sflag:s30], $0x4000  }
0x61: {  	s0 =	simm.s32 @!p2 $0x5;
	[sflag:s30] =	ssyncset.done @!p2 $0x0  }
0x62: {  	s22 =	simm.s32 @!p2 $0x200;
	s1 =	simm.s32 @!p2 $0x80;
	[sflag:s30] =	ssyncadd.s32 @!p2 $0xFFFFC000  }
0x63: {  	[spmem:s2] =	stream.indirect.scatter.add.f32 @!p2 [tilespmem:s22], [sflag:$0x5], $0x80, s1, s1, $0xb8;
	[tilespmem:$0x1C200] =	vst v63  }
0x64: {  	p0 =	por p3, p3;
	_ =	swait.ge @!p2 [sflag:s0], $0x4000  }
0x65: {  	p3 =	por p5, p2;
	[sflag:s0] =	ssyncset.done @!p2 $0x0;
	s22 =	sld [smem:$0x7FC]  }
0x66: {  	s19 =	smov.u32 s24;
	s1 =	simm.s32 @!p3 $0x0;
	[sflag:s0] =	ssyncadd.s32 @!p2 $0xFFFFC000  }
0x67: {  	[tilespmem:s1], [sflag:$0x1] =	stream.linear.gather @!p3 [hbm4b:s19+s1], $0x100, $0x38;
	[tilespmem:$0x1C200] =	vst v63  }
0x68: {  	p4 =	por p6, p6;
	p6 =	seq.s32 s22, $0x1  }
0x69: {  	p1 =	por p6, p0  }
0x6a: {  	s0 =	simm.s32 @!p1 $0x1  }
0x6b: {  	_ =	swait.ge @!p1 [sflag:s0], $0x100  }
0x6c: {  	s1 =	simm.s32 @!p1 $0x200;
	s19 =	simm.s32 @!p1 $0x80;
	[sflag:s0] =	ssyncset.done @!p1 $0x0  }
0x6d: {  	s22 =	simm.s32 @!p1 $0x0;
	[sflag:s0] =	ssyncadd.s32 @!p1 $0xFFFFFF00;
	s0 =	simm.s32 @!p0 $0x4  }
0x6e: {  	[tilespmem:s1], [sflag:$0x3] =	stream.indirect.gather @!p1 [hbm4b:s4+s19], $0x80, s22, s19, $0xb8;
	[tilespmem:$0x1C200] =	vst v63  }
0x6f: {  	_ =	swait.ge @!p0 [sflag:s0], $0x4000  }
0x70: {  	s30 =	sadd.s32 $0xFFFFFFFF, s28;
	p3 =	sge.u32 s28, s5;
	s28 =	sld [smem:$0x7FD]  }
0x71: {  	_ = 	snop  }
0x72: {  	p5 =	sge.u32 @!p3 s30, s15  }
0x73: {  	p6 =	por p5, p3;
	p5 =	seq.s32 s28, $0x1  }
.Ltmp1:
0x74: {  	s24 =	sadd.s32 $0x40, s24;
	(pc) =	sbr.rel @p5 .LBB2_4-.Ltmp1, $4  }
0x75: {  	s7 =	simm.s32 @!p0 $0x180;
	s9 =	simm.s32 @!p0 $0x4200;
	s10 =	simm.s32 @!p0 $0x80  }
0x76: {  	s29 =	simm.s32 @!p4 $0x100;
	p2 =	sge.u32 s30, s5;
	[sflag:s0] =	ssyncset.done @!p0 $0x0  }
0x77: {  	s31 =	simm.s32 @!p0 $0x5;
	p1 =	sge.u32 @!p2 s30, s13;
	[sflag:s0] =	ssyncadd.s32 @!p0 $0xFFFFC000  }
0x78: {  	[spmem:s2] =	stream.indirect.scatter.add.f32 @!p0 [tilespmem:s9], [sflag:$0x5], $0x80, s7, s10, $0xb8;
	[tilespmem:$0x1C200] =	vst v63  }
0x79: {  	_ =	swait.ge @!p0 [sflag:s31], $0x4000  }
0x7a: {  	[sflag:s31] =	ssyncset.done @!p0 $0x0  }
0x7b: {  	s0 =	simm.s32 @!p4 $0x0;
	[sflag:s31] =	ssyncadd.s32 @!p0 $0xFFFFC000;
	p0 =	por p1, p2  }
0x7c: {  	[tilespmem:s29], [sflag:$0x2] =	stream.linear.gather @!p4 [hbm4b:s26+s0], $0x100, $0x38;
	[tilespmem:$0x1C200] =	vst v63  }
0x7d: {  	s0 =	simm.s32 @!p0 $0x2  }
0x7e: {  	_ =	swait.ge @!p0 [sflag:s0], $0x100  }
0x7f: {  	s7 =	simm.s32 @!p2 $0x3;
	s1 =	simm.s32 @!p0 $0x4200;
	[sflag:s0] =	ssyncset.done @!p0 $0x0  }
0x80: {  	s9 =	simm.s32 @!p0 $0x80;
	s10 =	simm.s32 @!p0 $0x100;
	[sflag:s0] =	ssyncadd.s32 @!p0 $0xFFFFFF00  }
0x81: {  	[tilespmem:s1], [sflag:$0x4] =	stream.indirect.gather @!p0 [hbm4b:s4+s9], $0x80, s10, s9, $0xb8;
	[tilespmem:$0x1C200] =	vst v63  }
0x82: {  	_ =	swait.ge @!p2 [sflag:s7], $0x4000  }
0x83: {  	s0 =	simm.s32 @!p2 $0x5;
	[sflag:s7] =	ssyncset.done @!p2 $0x0  }
0x84: {  	s1 =	simm.s32 @!p2 $0x80;
	s9 =	simm.s32 @!p2 $0x200;
	[sflag:s7] =	ssyncadd.s32 @!p2 $0xFFFFC000  }
0x85: {  	[spmem:s2] =	stream.indirect.scatter.add.f32 @!p2 [tilespmem:s9], [sflag:$0x5], $0x80, s1, s1, $0xb8;
	[tilespmem:$0x1C200] =	vst v63  }
0x86: {  	p0 =	sge.u32 @!p2 s30, s14;
	_ =	swait.ge @!p2 [sflag:s0], $0x4000  }
0x87: {  	p0 =	por p0, p2;
	[sflag:s0] =	ssyncset.done @!p2 $0x0  }
0x88: {  	[sflag:s0] =	ssyncadd.s32 @!p2 $0xFFFFC000;
	s0 =	simm.s32 @!p0 $0x0  }
0x89: {  	[tilespmem:s0], [sflag:$0x1] =	stream.linear.gather @!p0 [hbm4b:s24+s0], $0x100, $0x38;
	[tilespmem:$0x1C200] =	vst v63  }
0x8a: {  	p1 =	sge.u32 @!p3 s30, s14;
	p0 =	por p3, p3  }
0x8b: {  	p1 =	por p1, p0  }
0x8c: {  	s0 =	simm.s32 @!p1 $0x1  }
0x8d: {  	_ =	swait.ge @!p1 [sflag:s0], $0x100  }
0x8e: {  	s1 =	simm.s32 @!p1 $0x200;
	s7 =	simm.s32 @!p1 $0x80;
	[sflag:s0] =	ssyncset.done @!p1 $0x0  }
0x8f: {  	s9 =	simm.s32 @!p1 $0x0;
	[sflag:s0] =	ssyncadd.s32 @!p1 $0xFFFFFF00;
	s0 =	simm.s32 @!p0 $0x4  }
0x90: {  	[tilespmem:s1], [sflag:$0x3] =	stream.indirect.gather @!p1 [hbm4b:s4+s7], $0x80, s9, s7, $0xb8;
	[tilespmem:$0x1C200] =	vst v63  }
0x91: {  	_ =	swait.ge @!p0 [sflag:s0], $0x4000  }
0x92: {  	s10 =	simm.s32 @!p0 $0x80;
	s1 =	simm.s32 @!p0 $0x5;
	[sflag:s0] =	ssyncset.done @!p0 $0x0  }
0x93: {  	s7 =	simm.s32 @!p0 $0x180;
	s9 =	simm.s32 @!p0 $0x4200;
	[sflag:s0] =	ssyncadd.s32 @!p0 $0xFFFFC000  }
0x94: {  	[spmem:s2] =	stream.indirect.scatter.add.f32 @!p0 [tilespmem:s9], [sflag:$0x5], $0x80, s7, s10, $0xb8;
	[tilespmem:$0x1C200] =	vst v63  }
0x95: {  	s23 =	sadd.s32 $0x1, s23;
	s30 =	stileid.u32;
	_ =	swait.ge @!p0 [sflag:s1], $0x4000  }
0x96: {  	p1 =	por p6, p6;
	s0 =	sadd.s32 @!p6 $0x20, s24;
	[sflag:s1] =	ssyncset.done @!p0 $0x0  }
0x97: {  	s7 =	simm.s32 @!p1 $0x0;
	[sflag:s1] =	ssyncadd.s32 @!p0 $0xFFFFC000;
	s1 =	simm.s32 @!p1 $0x100  }
0x98: {  	[tilespmem:s1], [sflag:$0x2] =	stream.linear.gather @!p1 [hbm4b:s0+s7], $0x100, $0x38;
	[tilespmem:$0x1C200] =	vst v63  }
0x99: {  	s31 =	sshrl.u32 s8, $0x3;
	p0 =	sne.s32 s23, s17;
	s0 =	sshll.u32 s30, $0x6  }
.Ltmp2:
0x9a: {  	[bflag:$0x0] =	sbarrier.arrive $0xFFFF;
	s0 =	sor.u32 $0x1C05, s0;
	(pc) =	sbr.rel @p0 .LBB2_1-.Ltmp2, $4  }
0x9b: {  	[hbm:s16], [sflag:s0] =	dma.local [spmem:s31], $0x2800  }
0x9c: {  	_ =	swait.ge [sflag:s21], $0x2800  }
0x9d: {  	[sflag:s21] =	ssyncset.done $0x0  }
0x9e: {  	[sflag:s21] =	ssyncadd.s32 $0xFFFFD800  }
0x9f: {  	_ =	sfence.sel $0x180000  }
0xa0: {  	[bflag:$0x0] =	sbarrier.arrive $0xFFFF  }
0xa1: {  	_ =	strace $0x90000047  }
0xa2: {  	s0 =	stileid.u32;
	[bflag:$0x2] =	sbarrier.arrive $0xFFFF  }
0xa3: {  	p0 =	sne.s32 s0, $0x0;
	s0 =	rddreg [dreg:$0x3]  }
0xa4: {  	s0 =	sadd.s32 @!p0 $0x100000, s0  }
0xa5: {  	[sflag:s0] =	ssyncadd.tile.s32 @!p0 $0x1;
	_ =	shalt  }
.Lfunc_end2:
_tile_overlayer_lowered:
.L_overlay_start_2:
0xa6: {  	(tag) =	ssettag $0x2  }
0xa7: {  	s0 =	rddreg [dreg:$0x0];
	s2 =	stileid.u32  }
0xa8: {  	s1 =	rddreg [dreg:$0x1];
	p0 =	sne.s32 s2, $0x0  }
0xa9: {  	s3 =	rddreg [dreg:$0x2];
	[bflag:$0x3] =	sbarrier.arrive $0xFFFF;
	s2 =	simm.s32 @!p0 $0x1C05  }
0xaa: {  	[timem:s3], [sflag:s2] =	dma.local @!p0 [hbm:s0], s1  }
0xab: {  	s0 =	simm.s32 @!p0 $0x5  }
0xac: {  	_ =	swait.ge @!p0 [sflag:s0], s1  }
0xad: {  	s1 =	ssub.s32 @!p0 $0x0, s1;
	[sflag:s0] =	ssyncset.done @!p0 $0x0  }
0xae: {  	[sflag:s0] =	ssyncadd.s32 @!p0 s1  }
0xaf: {  	[bflag:$0x3] =	sbarrier.arrive $0xFFFF  }
0xb0: {  	_ =	shalt  }

</sc_bundles>
